<compile_context>
chip_gen: v7x
topology: tpu7x:2x2x1
jax: 0.10.2.dev20260603
libtpu: 0.0.44.dev20260713+nightly
codegen_flags: <defaults>
</compile_context>

<pallas_src>
import functools
import jax
import jax.numpy as jnp
from jax import lax
from jax.experimental import pallas as pl
from jax.experimental.pallas import tpu as pltpu
from jax.experimental.pallas import tpu_sc as plsc

N = 1_000_000
D = 64
Q = 32
K = 10
BLK = 128
TILE = 16384
NT = (N + TILE - 1) // TILE
NBPT = TILE // BLK
NB = NT * NBPT
NCH = NB // 16
NEG = float("-inf")

_SC_INFO = plsc.get_sparse_core_info()
_NC = _SC_INFO.num_cores
_NS = _SC_INFO.num_subcores


def _k1_blockmax(q_ref, bank_ref, bm_ref):
    t = pl.program_id(0)
    sim = jax.lax.dot_general(
        q_ref[...], bank_ref[...], (((1,), (1,)), ((), ())),
        preferred_element_type=jnp.float32)
    rows = jax.lax.broadcasted_iota(jnp.int32, (Q, TILE), 1) + t * TILE
    sim = jnp.where(rows < N, sim, NEG)
    bm_ref[...] = jnp.max(sim.reshape(Q, NBPT, BLK), axis=2)


def _k2_conf(logits_ref, conf_ref):
    lg = logits_ref[...]
    mx = jnp.max(lg, axis=1, keepdims=True)
    s = jnp.sum(jnp.exp(lg - mx), axis=1, keepdims=True)
    conf_ref[...] = jnp.broadcast_to(jnp.log(s) + mx, (Q, 16))


def _vmax16(ref, nchunks, unroll):
    def body(c, mv):
        for u in range(unroll):
            mv = jnp.maximum(mv, ref[pl.ds((c * unroll + u) * 16, 16)])
        return mv
    return lax.fori_loop(0, nchunks // unroll, body,
                         jnp.full((16,), NEG, jnp.float32))


def _argmax_1d(ref, nchunks, m, unroll):
    big = jnp.int32(nchunks * 16)
    def body(c, found):
        for u in range(unroll):
            base = (c * unroll + u) * 16
            v = ref[pl.ds(base, 16)]
            cand = jnp.where(v == m, lax.iota(jnp.int32, 16) + base, big)
            found = jnp.minimum(found, jnp.min(cand))
        return found
    return lax.fori_loop(0, nchunks // unroll, body, big)


def _sc_phase23(bm, feats, feas, conf):
    mesh = plsc.VectorSubcoreMesh(core_axis_name="c", subcore_axis_name="s")

    @functools.partial(
        pl.kernel,
        mesh=mesh,
        out_type=jax.ShapeDtypeStruct((Q, 16), jnp.float32),
        compiler_params=pltpu.CompilerParams(
            needs_layout_passes=False, use_tc_tiling_on_sc=False),
        scratch_types=[
            pltpu.VMEM((NB,), jnp.float32),
            pltpu.VMEM((NCH,), jnp.float32),
            pltpu.VMEM((16,), jnp.int32),
            pltpu.VMEM((K * BLK, D), jnp.float32),
            pltpu.VMEM((K * BLK,), jnp.float32),
            pltpu.VMEM((D,), jnp.float32),
            pltpu.VMEM((16,), jnp.float32),
            pltpu.VMEM((16,), jnp.float32),
            pltpu.SemaphoreType.DMA,
        ],
    )
    def k(bm_hbm, feat_hbm, feas_hbm, conf_hbm, out_hbm,
          bm_v, cm_v, blk_v, rows_v, sims_v, q_v, conf_v, res_v, sem):
        w = lax.axis_index("s") * _NC + lax.axis_index("c")
        pltpu.sync_copy(bm_hbm.at[w], bm_v)
        pltpu.sync_copy(feat_hbm.at[w], q_v)
        pltpu.sync_copy(conf_hbm.at[w], conf_v)

        def cm_body(g, _):
            base = g * 16
            mv = jnp.full((16,), NEG, jnp.float32)
            for l in range(16):
                idx = (lax.iota(jnp.int32, 16) + base) * 16 + l
                mv = jnp.maximum(mv, plsc.load_gather(bm_v, [idx]))
            cm_v[pl.ds(base, 16)] = mv
            return 0
        lax.fori_loop(0, NCH // 16, cm_body, 0)

        def sel_body(i, _):
            mv = _vmax16(cm_v, NCH // 16, unroll=1)
            m = jnp.max(mv)
            c0 = _argmax_1d(cm_v, NCH // 16, m, unroll=1)
            v = bm_v[pl.ds(c0 * 16, 16)]
            cand = jnp.where(v == m, lax.iota(jnp.int32, 16), jnp.int32(16))
            l0 = jnp.min(cand)
            blk = c0 * 16 + l0
            v = jnp.where(lax.iota(jnp.int32, 16) == l0, NEG, v)
            bm_v[pl.ds(c0 * 16, 16)] = v
            newmax = jnp.max(v)
            cg = c0 // 16
            cl = c0 % 16
            cv = cm_v[pl.ds(cg * 16, 16)]
            cm_v[pl.ds(cg * 16, 16)] = jnp.where(
                lax.iota(jnp.int32, 16) == cl, newmax, cv)
            bv = blk_v[...]
            blk_v[...] = jnp.where(lax.iota(jnp.int32, 16) == i, blk, bv)
            start = jnp.minimum(blk * BLK, jnp.int32(N - BLK))
            pltpu.async_copy(
                feas_hbm.at[pl.ds(start, BLK)],
                rows_v.at[pl.ds(i * BLK, BLK)], sem)
            return 0
        lax.fori_loop(0, K, sel_body, 0)

        for _ in range(K):
            pltpu.make_async_copy(
                feas_hbm.at[pl.ds(0, BLK)],
                rows_v.at[pl.ds(0, BLK)], sem).wait()

        qc = [q_v[pl.ds(c * 16, 16)] for c in range(D // 16)]
        def dot_body(g, _):
            j = g // (BLK // 16)
            gloc = g % (BLK // 16)
            bj = plsc.load_gather(blk_v, [jnp.full((16,), j, jnp.int32)])
            blk = bj[0]
            start = jnp.minimum(blk * BLK, jnp.int32(N - BLK))
            row0 = g * 16
            rows16 = row0 + lax.iota(jnp.int32, 16)
            acc = jnp.zeros((16,), jnp.float32)
            for d in range(D):
                col = plsc.load_gather(
                    rows_v, [rows16, jnp.full((16,), d, jnp.int32)])
                acc = acc + col * qc[d // 16][d % 16]
            grow = start + gloc * 16 + lax.iota(jnp.int32, 16)
            sims_v[pl.ds(row0, 16)] = jnp.where(grow >= blk * BLK, acc, NEG)
            return 0
        lax.fori_loop(0, (K * BLK) // 16, dot_body, 0)

        def top_body(i, total):
            mv = _vmax16(sims_v, (K * BLK) // 16, unroll=4)
            m = jnp.max(mv)
            fidx = _argmax_1d(sims_v, (K * BLK) // 16, m, unroll=4)
            c0 = fidx // 16
            l0 = fidx % 16
            v = sims_v[pl.ds(c0 * 16, 16)]
            sims_v[pl.ds(c0 * 16, 16)] = jnp.where(
                lax.iota(jnp.int32, 16) == l0, NEG, v)
            return total + m
        total = lax.fori_loop(0, K, top_body, jnp.float32(0.0))
        res_v[...] = conf_v[...] * (total * jnp.float32(1.0 / K))
        pltpu.sync_copy(res_v, out_hbm.at[w])

    return k(bm, feats, feas, conf)


@jax.jit
def kernel(logits, features, scaled_feas):
    bm = pl.pallas_call(
        _k1_blockmax,
        grid=(NT,),
        in_specs=[
            pl.BlockSpec((Q, D), lambda i: (0, 0)),
            pl.BlockSpec((TILE, D), lambda i: (i, 0)),
        ],
        out_specs=pl.BlockSpec((Q, NBPT), lambda i: (0, i)),
        out_shape=jax.ShapeDtypeStruct((Q, NB), jnp.float32),
    )(features, scaled_feas)

    conf = pl.pallas_call(
        _k2_conf,
        in_specs=[pl.BlockSpec(logits.shape, lambda: (0, 0))],
        out_specs=pl.BlockSpec((Q, 16), lambda: (0, 0)),
        out_shape=jax.ShapeDtypeStruct((Q, 16), jnp.float32),
    )(logits)

    out = _sc_phase23(bm, features, scaled_feas, conf)
    return out[:, 0]

# --- scband reference (transcript-rebuilt; emitter-appended) ---
"""Pipeline reference for scband-nnguide-65584150610439 (READ-ONLY COPY).

The authoritative reference and input builder live on the scoring server;
editing this copy changes nothing except your own understanding.
"""

import jax, jax.numpy as jnp
import numpy as np

KNN = 10

def setup_inputs(seed: int = 0) -> dict:
    key = jax.random.key(seed)
    k1, k2, k3 = jax.random.split(key, 3)
    logits = jax.random.normal(k1, (32, 1000), dtype=jnp.float32)
    features = jax.random.normal(k2, (32, 64), dtype=jnp.float32)
    # bank of scaled features built during fit(): features * logsumexp-confidence
    scaled_feas = jax.random.normal(k3, (1000000, 64), dtype=jnp.float32)
    return {"logits": logits, "features": features, "scaled_feas": scaled_feas}

def knn_score(bankfeas, queryfeas, k):
    # faiss.IndexFlatIP equivalent: inner-product similarity, top-k, mean
    sim = jnp.matmul(queryfeas, bankfeas.T)  # [Q, K]
    topk_vals, _ = jax.lax.top_k(sim, k)     # [Q, k]
    return jnp.mean(topk_vals, axis=1)       # [Q]

def reference(logits, features, scaled_feas):
    confs = jax.nn.logsumexp(logits, axis=1)                 # [Q]
    q = features.reshape(features.shape[0], -1)              # [Q, d]
    guidances = knn_score(scaled_feas, q, KNN)               # [Q]
    scores = guidances * confs                               # [Q]
    return scores

if __name__ == "__main__":
    import jax
    _d = setup_inputs()
    print(jax.jit(kernel)(*tuple(_d.values())))

</pallas_src>

<mosaic_0001>
#map = affine_map<(d0, d1) -> (0, 0)>
module attributes {stable_mosaic.version = 14 : i64} {
  func.func @k(%arg0: i32, %arg1: i32, %arg2: memref<32x7936xf32, #tpu.memory_space<hbm>>, %arg3: memref<32x64xf32, #tpu.memory_space<hbm>>, %arg4: memref<1000000x64xf32, #tpu.memory_space<hbm>>, %arg5: memref<32x16xf32, #tpu.memory_space<hbm>>, %arg6: memref<32x16xf32, #tpu.memory_space<hbm>>, %arg7: memref<7936xf32, #tpu.memory_space<vmem>>, %arg8: memref<496xf32, #tpu.memory_space<vmem>>, %arg9: memref<16xi32, #tpu.memory_space<vmem>>, %arg10: memref<1280x64xf32, #tpu.memory_space<vmem>>, %arg11: memref<1280xf32, #tpu.memory_space<vmem>>, %arg12: memref<64xf32, #tpu.memory_space<vmem>>, %arg13: memref<16xf32, #tpu.memory_space<vmem>>, %arg14: memref<16xf32, #tpu.memory_space<vmem>>, %arg15: memref<!tpu.dma_semaphore, #tpu.memory_space<semaphore_mem>>) attributes {dimension_semantics = [#tpu.dimension_semantics<core_parallel>, #tpu.dimension_semantics<subcore_parallel>], iteration_bounds = array<i64: 2, 16>, scalar_prefetch = 0 : i64, scratch_operands = 9 : i64, tpu.core_type = #tpu.core_type<sc_vector_subcore>, window_params = [{transform_indices = #map}, {transform_indices = #map}, {transform_indices = #map}, {transform_indices = #map}, {transform_indices = #map}]} {
    %mul3A = arith.constant 2 : i32
    %mul3A_0 = arith.muli %arg1, %mul3A : i32
    %add3A = arith.addi %mul3A_0, %arg0 : i32
    "tpu.region"() ({
      %run_scoped3A = tpu.sem_alloc : memref<!tpu.dma_semaphore, #tpu.memory_space<semaphore_mem>>
      %dma_start3A = arith.constant 0 : i32
      %dma_start3A_161 = tpu.memref_slice %arg2[%add3A, %dma_start3A] : memref<32x7936xf32, #tpu.memory_space<hbm>> -> memref<1x7936xf32, #tpu.memory_space<hbm>>
      %dma_start3A_162 = tpu.memref_squeeze %dma_start3A_161 : memref<1x7936xf32, #tpu.memory_space<hbm>> -> memref<7936xf32, #tpu.memory_space<hbm>>
      %dma_start3A_163 = arith.constant 0 : i32
      %dma_start3A_164 = tpu.memref_slice %arg2[%add3A, %dma_start3A_163] : memref<32x7936xf32, #tpu.memory_space<hbm>> -> memref<1x7936xf32, #tpu.memory_space<hbm>>
      %dma_start3A_165 = tpu.memref_squeeze %dma_start3A_164 : memref<1x7936xf32, #tpu.memory_space<hbm>> -> memref<7936xf32, #tpu.memory_space<hbm>>
      tpu.enqueue_dma source(%dma_start3A_165 : memref<7936xf32, #tpu.memory_space<hbm>>) target(%arg7 : memref<7936xf32, #tpu.memory_space<vmem>>) target_semaphore(%run_scoped3A : memref<!tpu.dma_semaphore, #tpu.memory_space<semaphore_mem>>)
      %dma_wait3A_166 = arith.constant 0 : i32
      %dma_wait3A_167 = tpu.memref_slice %arg2[%add3A, %dma_wait3A_166] : memref<32x7936xf32, #tpu.memory_space<hbm>> -> memref<1x7936xf32, #tpu.memory_space<hbm>>
      %dma_wait3A_168 = tpu.memref_squeeze %dma_wait3A_167 : memref<1x7936xf32, #tpu.memory_space<hbm>> -> memref<7936xf32, #tpu.memory_space<hbm>>
      %dma_wait3A_169 = arith.constant 0 : i32
      %dma_wait3A_170 = tpu.memref_slice %arg2[%add3A, %dma_wait3A_169] : memref<32x7936xf32, #tpu.memory_space<hbm>> -> memref<1x7936xf32, #tpu.memory_space<hbm>>
      %dma_wait3A_171 = tpu.memref_squeeze %dma_wait3A_170 : memref<1x7936xf32, #tpu.memory_space<hbm>> -> memref<7936xf32, #tpu.memory_space<hbm>>
      tpu.wait_dma2 semaphore(%run_scoped3A : memref<!tpu.dma_semaphore, #tpu.memory_space<semaphore_mem>>) src(%dma_wait3A_171 : memref<7936xf32, #tpu.memory_space<hbm>>) dst(%arg7 : memref<7936xf32, #tpu.memory_space<vmem>>)
      tpu.yield
    }) : () -> ()
    "tpu.region"() ({
      %run_scoped3A = tpu.sem_alloc : memref<!tpu.dma_semaphore, #tpu.memory_space<semaphore_mem>>
      %dma_start3A = arith.constant 0 : i32
      %dma_start3A_161 = tpu.memref_slice %arg3[%add3A, %dma_start3A] : memref<32x64xf32, #tpu.memory_space<hbm>> -> memref<1x64xf32, #tpu.memory_space<hbm>>
      %dma_start3A_162 = tpu.memref_squeeze %dma_start3A_161 : memref<1x64xf32, #tpu.memory_space<hbm>> -> memref<64xf32, #tpu.memory_space<hbm>>
      %dma_start3A_163 = arith.constant 0 : i32
      %dma_start3A_164 = tpu.memref_slice %arg3[%add3A, %dma_start3A_163] : memref<32x64xf32, #tpu.memory_space<hbm>> -> memref<1x64xf32, #tpu.memory_space<hbm>>
      %dma_start3A_165 = tpu.memref_squeeze %dma_start3A_164 : memref<1x64xf32, #tpu.memory_space<hbm>> -> memref<64xf32, #tpu.memory_space<hbm>>
      tpu.enqueue_dma source(%dma_start3A_165 : memref<64xf32, #tpu.memory_space<hbm>>) target(%arg12 : memref<64xf32, #tpu.memory_space<vmem>>) target_semaphore(%run_scoped3A : memref<!tpu.dma_semaphore, #tpu.memory_space<semaphore_mem>>)
      %dma_wait3A_166 = arith.constant 0 : i32
      %dma_wait3A_167 = tpu.memref_slice %arg3[%add3A, %dma_wait3A_166] : memref<32x64xf32, #tpu.memory_space<hbm>> -> memref<1x64xf32, #tpu.memory_space<hbm>>
      %dma_wait3A_168 = tpu.memref_squeeze %dma_wait3A_167 : memref<1x64xf32, #tpu.memory_space<hbm>> -> memref<64xf32, #tpu.memory_space<hbm>>
      %dma_wait3A_169 = arith.constant 0 : i32
      %dma_wait3A_170 = tpu.memref_slice %arg3[%add3A, %dma_wait3A_169] : memref<32x64xf32, #tpu.memory_space<hbm>> -> memref<1x64xf32, #tpu.memory_space<hbm>>
      %dma_wait3A_171 = tpu.memref_squeeze %dma_wait3A_170 : memref<1x64xf32, #tpu.memory_space<hbm>> -> memref<64xf32, #tpu.memory_space<hbm>>
      tpu.wait_dma2 semaphore(%run_scoped3A : memref<!tpu.dma_semaphore, #tpu.memory_space<semaphore_mem>>) src(%dma_wait3A_171 : memref<64xf32, #tpu.memory_space<hbm>>) dst(%arg12 : memref<64xf32, #tpu.memory_space<vmem>>)
      tpu.yield
    }) : () -> ()
    "tpu.region"() ({
      %run_scoped3A = tpu.sem_alloc : memref<!tpu.dma_semaphore, #tpu.memory_space<semaphore_mem>>
      %dma_start3A = arith.constant 0 : i32
      %dma_start3A_161 = tpu.memref_slice %arg5[%add3A, %dma_start3A] : memref<32x16xf32, #tpu.memory_space<hbm>> -> memref<1x16xf32, #tpu.memory_space<hbm>>
      %dma_start3A_162 = tpu.memref_squeeze %dma_start3A_161 : memref<1x16xf32, #tpu.memory_space<hbm>> -> memref<16xf32, #tpu.memory_space<hbm>>
      %dma_start3A_163 = arith.constant 0 : i32
      %dma_start3A_164 = tpu.memref_slice %arg5[%add3A, %dma_start3A_163] : memref<32x16xf32, #tpu.memory_space<hbm>> -> memref<1x16xf32, #tpu.memory_space<hbm>>
      %dma_start3A_165 = tpu.memref_squeeze %dma_start3A_164 : memref<1x16xf32, #tpu.memory_space<hbm>> -> memref<16xf32, #tpu.memory_space<hbm>>
      tpu.enqueue_dma source(%dma_start3A_165 : memref<16xf32, #tpu.memory_space<hbm>>) target(%arg13 : memref<16xf32, #tpu.memory_space<vmem>>) target_semaphore(%run_scoped3A : memref<!tpu.dma_semaphore, #tpu.memory_space<semaphore_mem>>)
      %dma_wait3A_166 = arith.constant 0 : i32
      %dma_wait3A_167 = tpu.memref_slice %arg5[%add3A, %dma_wait3A_166] : memref<32x16xf32, #tpu.memory_space<hbm>> -> memref<1x16xf32, #tpu.memory_space<hbm>>
      %dma_wait3A_168 = tpu.memref_squeeze %dma_wait3A_167 : memref<1x16xf32, #tpu.memory_space<hbm>> -> memref<16xf32, #tpu.memory_space<hbm>>
      %dma_wait3A_169 = arith.constant 0 : i32
      %dma_wait3A_170 = tpu.memref_slice %arg5[%add3A, %dma_wait3A_169] : memref<32x16xf32, #tpu.memory_space<hbm>> -> memref<1x16xf32, #tpu.memory_space<hbm>>
      %dma_wait3A_171 = tpu.memref_squeeze %dma_wait3A_170 : memref<1x16xf32, #tpu.memory_space<hbm>> -> memref<16xf32, #tpu.memory_space<hbm>>
      tpu.wait_dma2 semaphore(%run_scoped3A : memref<!tpu.dma_semaphore, #tpu.memory_space<semaphore_mem>>) src(%dma_wait3A_171 : memref<16xf32, #tpu.memory_space<hbm>>) dst(%arg13 : memref<16xf32, #tpu.memory_space<vmem>>)
      tpu.yield
    }) : () -> ()
    %scan3A = arith.constant 0 : i32
    %scan3A_1 = arith.constant 0 : i32
    %scan3A_2 = arith.constant 31 : i32
    %scan3A_3 = arith.addi %scan3A_1, %scan3A_2 : i32
    %scan3A_4 = arith.constant 1 : i32
    %scan3A_5 = scf.for %scan3A_161 = %scan3A_1 to %scan3A_3 step %scan3A_4 iter_args(%scan3A_162 = %scan3A) -> (i32)  : i32 {
      %mul3A_163 = arith.constant 16 : i32
      %mul3A_164 = arith.muli %scan3A_161, %mul3A_163 : i32
      %broadcast_in_dim3A = arith.constant 0xFF800000 : f32
      %broadcast_in_dim3A_165 = vector.broadcast %broadcast_in_dim3A : f32 to vector<16xf32>
      %iota3A = tpu.iota {dimensions = array<i32: 0>} : vector<16xi32>
      %add3A_166 = vector.broadcast %mul3A_164 : i32 to vector<16xi32>
      %add3A_167 = arith.addi %iota3A, %add3A_166 : vector<16xi32>
      %mul3A_168 = arith.constant 16 : i32
      %mul3A_169 = vector.broadcast %mul3A_168 : i32 to vector<16xi32>
      %mul3A_170 = arith.muli %add3A_167, %mul3A_169 : vector<16xi32>
      %add3A_171 = arith.constant 0 : i32
      %add3A_172 = vector.broadcast %add3A_171 : i32 to vector<16xi32>
      %add3A_173 = arith.addi %mul3A_170, %add3A_172 : vector<16xi32>
      %gather3A = tpu.vector_load_idx %arg7[%add3A_173] : memref<7936xf32, #tpu.memory_space<vmem>>[vector<16xi32>], vector<16xf32>,
      %max3A = arith.maximumf %broadcast_in_dim3A_165, %gather3A : vector<16xf32>
      %iota3A_174 = tpu.iota {dimensions = array<i32: 0>} : vector<16xi32>
      %add3A_175 = vector.broadcast %mul3A_164 : i32 to vector<16xi32>
      %add3A_176 = arith.addi %iota3A_174, %add3A_175 : vector<16xi32>
      %mul3A_177 = arith.constant 16 : i32
      %mul3A_178 = vector.broadcast %mul3A_177 : i32 to vector<16xi32>
      %mul3A_179 = arith.muli %add3A_176, %mul3A_178 : vector<16xi32>
      %add3A_180 = arith.constant 1 : i32
      %add3A_181 = vector.broadcast %add3A_180 : i32 to vector<16xi32>
      %add3A_182 = arith.addi %mul3A_179, %add3A_181 : vector<16xi32>
      %gather3A_183 = tpu.vector_load_idx %arg7[%add3A_182] : memref<7936xf32, #tpu.memory_space<vmem>>[vector<16xi32>], vector<16xf32>,
      %max3A_184 = arith.maximumf %max3A, %gather3A_183 : vector<16xf32>
      %iota3A_185 = tpu.iota {dimensions = array<i32: 0>} : vector<16xi32>
      %add3A_186 = vector.broadcast %mul3A_164 : i32 to vector<16xi32>
      %add3A_187 = arith.addi %iota3A_185, %add3A_186 : vector<16xi32>
      %mul3A_188 = arith.constant 16 : i32
      %mul3A_189 = vector.broadcast %mul3A_188 : i32 to vector<16xi32>
      %mul3A_190 = arith.muli %add3A_187, %mul3A_189 : vector<16xi32>
      %add3A_191 = arith.constant 2 : i32
      %add3A_192 = vector.broadcast %add3A_191 : i32 to vector<16xi32>
      %add3A_193 = arith.addi %mul3A_190, %add3A_192 : vector<16xi32>
      %gather3A_194 = tpu.vector_load_idx %arg7[%add3A_193] : memref<7936xf32, #tpu.memory_space<vmem>>[vector<16xi32>], vector<16xf32>,
      %max3A_195 = arith.maximumf %max3A_184, %gather3A_194 : vector<16xf32>
      %iota3A_196 = tpu.iota {dimensions = array<i32: 0>} : vector<16xi32>
      %add3A_197 = vector.broadcast %mul3A_164 : i32 to vector<16xi32>
      %add3A_198 = arith.addi %iota3A_196, %add3A_197 : vector<16xi32>
      %mul3A_199 = arith.constant 16 : i32
      %mul3A_200 = vector.broadcast %mul3A_199 : i32 to vector<16xi32>
      %mul3A_201 = arith.muli %add3A_198, %mul3A_200 : vector<16xi32>
      %add3A_202 = arith.constant 3 : i32
      %add3A_203 = vector.broadcast %add3A_202 : i32 to vector<16xi32>
      %add3A_204 = arith.addi %mul3A_201, %add3A_203 : vector<16xi32>
      %gather3A_205 = tpu.vector_load_idx %arg7[%add3A_204] : memref<7936xf32, #tpu.memory_space<vmem>>[vector<16xi32>], vector<16xf32>,
      %max3A_206 = arith.maximumf %max3A_195, %gather3A_205 : vector<16xf32>
      %iota3A_207 = tpu.iota {dimensions = array<i32: 0>} : vector<16xi32>
      %add3A_208 = vector.broadcast %mul3A_164 : i32 to vector<16xi32>
      %add3A_209 = arith.addi %iota3A_207, %add3A_208 : vector<16xi32>
      %mul3A_210 = arith.constant 16 : i32
      %mul3A_211 = vector.broadcast %mul3A_210 : i32 to vector<16xi32>
      %mul3A_212 = arith.muli %add3A_209, %mul3A_211 : vector<16xi32>
      %add3A_213 = arith.constant 4 : i32
      %add3A_214 = vector.broadcast %add3A_213 : i32 to vector<16xi32>
      %add3A_215 = arith.addi %mul3A_212, %add3A_214 : vector<16xi32>
      %gather3A_216 = tpu.vector_load_idx %arg7[%add3A_215] : memref<7936xf32, #tpu.memory_space<vmem>>[vector<16xi32>], vector<16xf32>,
      %max3A_217 = arith.maximumf %max3A_206, %gather3A_216 : vector<16xf32>
      %iota3A_218 = tpu.iota {dimensions = array<i32: 0>} : vector<16xi32>
      %add3A_219 = vector.broadcast %mul3A_164 : i32 to vector<16xi32>
      %add3A_220 = arith.addi %iota3A_218, %add3A_219 : vector<16xi32>
      %mul3A_221 = arith.constant 16 : i32
      %mul3A_222 = vector.broadcast %mul3A_221 : i32 to vector<16xi32>
      %mul3A_223 = arith.muli %add3A_220, %mul3A_222 : vector<16xi32>
      %add3A_224 = arith.constant 5 : i32
      %add3A_225 = vector.broadcast %add3A_224 : i32 to vector<16xi32>
      %add3A_226 = arith.addi %mul3A_223, %add3A_225 : vector<16xi32>
      %gather3A_227 = tpu.vector_load_idx %arg7[%add3A_226] : memref<7936xf32, #tpu.memory_space<vmem>>[vector<16xi32>], vector<16xf32>,
      %max3A_228 = arith.maximumf %max3A_217, %gather3A_227 : vector<16xf32>
      %iota3A_229 = tpu.iota {dimensions = array<i32: 0>} : vector<16xi32>
      %add3A_230 = vector.broadcast %mul3A_164 : i32 to vector<16xi32>
      %add3A_231 = arith.addi %iota3A_229, %add3A_230 : vector<16xi32>
      %mul3A_232 = arith.constant 16 : i32
      %mul3A_233 = vector.broadcast %mul3A_232 : i32 to vector<16xi32>
      %mul3A_234 = arith.muli %add3A_231, %mul3A_233 : vector<16xi32>
      %add3A_235 = arith.constant 6 : i32
      %add3A_236 = vector.broadcast %add3A_235 : i32 to vector<16xi32>
      %add3A_237 = arith.addi %mul3A_234, %add3A_236 : vector<16xi32>
      %gather3A_238 = tpu.vector_load_idx %arg7[%add3A_237] : memref<7936xf32, #tpu.memory_space<vmem>>[vector<16xi32>], vector<16xf32>,
      %max3A_239 = arith.maximumf %max3A_228, %gather3A_238 : vector<16xf32>
      %iota3A_240 = tpu.iota {dimensions = array<i32: 0>} : vector<16xi32>
      %add3A_241 = vector.broadcast %mul3A_164 : i32 to vector<16xi32>
      %add3A_242 = arith.addi %iota3A_240, %add3A_241 : vector<16xi32>
      %mul3A_243 = arith.constant 16 : i32
      %mul3A_244 = vector.broadcast %mul3A_243 : i32 to vector<16xi32>
      %mul3A_245 = arith.muli %add3A_242, %mul3A_244 : vector<16xi32>
      %add3A_246 = arith.constant 7 : i32
      %add3A_247 = vector.broadcast %add3A_246 : i32 to vector<16xi32>
      %add3A_248 = arith.addi %mul3A_245, %add3A_247 : vector<16xi32>
      %gather3A_249 = tpu.vector_load_idx %arg7[%add3A_248] : memref<7936xf32, #tpu.memory_space<vmem>>[vector<16xi32>], vector<16xf32>,
      %max3A_250 = arith.maximumf %max3A_239, %gather3A_249 : vector<16xf32>
      %iota3A_251 = tpu.iota {dimensions = array<i32: 0>} : vector<16xi32>
      %add3A_252 = vector.broadcast %mul3A_164 : i32 to vector<16xi32>
      %add3A_253 = arith.addi %iota3A_251, %add3A_252 : vector<16xi32>
      %mul3A_254 = arith.constant 16 : i32
      %mul3A_255 = vector.broadcast %mul3A_254 : i32 to vector<16xi32>
      %mul3A_256 = arith.muli %add3A_253, %mul3A_255 : vector<16xi32>
      %add3A_257 = arith.constant 8 : i32
      %add3A_258 = vector.broadcast %add3A_257 : i32 to vector<16xi32>
      %add3A_259 = arith.addi %mul3A_256, %add3A_258 : vector<16xi32>
      %gather3A_260 = tpu.vector_load_idx %arg7[%add3A_259] : memref<7936xf32, #tpu.memory_space<vmem>>[vector<16xi32>], vector<16xf32>,
      %max3A_261 = arith.maximumf %max3A_250, %gather3A_260 : vector<16xf32>
      %iota3A_262 = tpu.iota {dimensions = array<i32: 0>} : vector<16xi32>
      %add3A_263 = vector.broadcast %mul3A_164 : i32 to vector<16xi32>
      %add3A_264 = arith.addi %iota3A_262, %add3A_263 : vector<16xi32>
      %mul3A_265 = arith.constant 16 : i32
      %mul3A_266 = vector.broadcast %mul3A_265 : i32 to vector<16xi32>
      %mul3A_267 = arith.muli %add3A_264, %mul3A_266 : vector<16xi32>
      %add3A_268 = arith.constant 9 : i32
      %add3A_269 = vector.broadcast %add3A_268 : i32 to vector<16xi32>
      %add3A_270 = arith.addi %mul3A_267, %add3A_269 : vector<16xi32>
      %gather3A_271 = tpu.vector_load_idx %arg7[%add3A_270] : memref<7936xf32, #tpu.memory_space<vmem>>[vector<16xi32>], vector<16xf32>,
      %max3A_272 = arith.maximumf %max3A_261, %gather3A_271 : vector<16xf32>
      %iota3A_273 = tpu.iota {dimensions = array<i32: 0>} : vector<16xi32>
      %add3A_274 = vector.broadcast %mul3A_164 : i32 to vector<16xi32>
      %add3A_275 = arith.addi %iota3A_273, %add3A_274 : vector<16xi32>
      %mul3A_276 = arith.constant 16 : i32
      %mul3A_277 = vector.broadcast %mul3A_276 : i32 to vector<16xi32>
      %mul3A_278 = arith.muli %add3A_275, %mul3A_277 : vector<16xi32>
      %add3A_279 = arith.constant 10 : i32
      %add3A_280 = vector.broadcast %add3A_279 : i32 to vector<16xi32>
      %add3A_281 = arith.addi %mul3A_278, %add3A_280 : vector<16xi32>
      %gather3A_282 = tpu.vector_load_idx %arg7[%add3A_281] : memref<7936xf32, #tpu.memory_space<vmem>>[vector<16xi32>], vector<16xf32>,
      %max3A_283 = arith.maximumf %max3A_272, %gather3A_282 : vector<16xf32>
      %iota3A_284 = tpu.iota {dimensions = array<i32: 0>} : vector<16xi32>
      %add3A_285 = vector.broadcast %mul3A_164 : i32 to vector<16xi32>
      %add3A_286 = arith.addi %iota3A_284, %add3A_285 : vector<16xi32>
      %mul3A_287 = arith.constant 16 : i32
      %mul3A_288 = vector.broadcast %mul3A_287 : i32 to vector<16xi32>
      %mul3A_289 = arith.muli %add3A_286, %mul3A_288 : vector<16xi32>
      %add3A_290 = arith.constant 11 : i32
      %add3A_291 = vector.broadcast %add3A_290 : i32 to vector<16xi32>
      %add3A_292 = arith.addi %mul3A_289, %add3A_291 : vector<16xi32>
      %gather3A_293 = tpu.vector_load_idx %arg7[%add3A_292] : memref<7936xf32, #tpu.memory_space<vmem>>[vector<16xi32>], vector<16xf32>,
      %max3A_294 = arith.maximumf %max3A_283, %gather3A_293 : vector<16xf32>
      %iota3A_295 = tpu.iota {dimensions = array<i32: 0>} : vector<16xi32>
      %add3A_296 = vector.broadcast %mul3A_164 : i32 to vector<16xi32>
      %add3A_297 = arith.addi %iota3A_295, %add3A_296 : vector<16xi32>
      %mul3A_298 = arith.constant 16 : i32
      %mul3A_299 = vector.broadcast %mul3A_298 : i32 to vector<16xi32>
      %mul3A_300 = arith.muli %add3A_297, %mul3A_299 : vector<16xi32>
      %add3A_301 = arith.constant 12 : i32
      %add3A_302 = vector.broadcast %add3A_301 : i32 to vector<16xi32>
      %add3A_303 = arith.addi %mul3A_300, %add3A_302 : vector<16xi32>
      %gather3A_304 = tpu.vector_load_idx %arg7[%add3A_303] : memref<7936xf32, #tpu.memory_space<vmem>>[vector<16xi32>], vector<16xf32>,
      %max3A_305 = arith.maximumf %max3A_294, %gather3A_304 : vector<16xf32>
      %iota3A_306 = tpu.iota {dimensions = array<i32: 0>} : vector<16xi32>
      %add3A_307 = vector.broadcast %mul3A_164 : i32 to vector<16xi32>
      %add3A_308 = arith.addi %iota3A_306, %add3A_307 : vector<16xi32>
      %mul3A_309 = arith.constant 16 : i32
      %mul3A_310 = vector.broadcast %mul3A_309 : i32 to vector<16xi32>
      %mul3A_311 = arith.muli %add3A_308, %mul3A_310 : vector<16xi32>
      %add3A_312 = arith.constant 13 : i32
      %add3A_313 = vector.broadcast %add3A_312 : i32 to vector<16xi32>
      %add3A_314 = arith.addi %mul3A_311, %add3A_313 : vector<16xi32>
      %gather3A_315 = tpu.vector_load_idx %arg7[%add3A_314] : memref<7936xf32, #tpu.memory_space<vmem>>[vector<16xi32>], vector<16xf32>,
      %max3A_316 = arith.maximumf %max3A_305, %gather3A_315 : vector<16xf32>
      %iota3A_317 = tpu.iota {dimensions = array<i32: 0>} : vector<16xi32>
      %add3A_318 = vector.broadcast %mul3A_164 : i32 to vector<16xi32>
      %add3A_319 = arith.addi %iota3A_317, %add3A_318 : vector<16xi32>
      %mul3A_320 = arith.constant 16 : i32
      %mul3A_321 = vector.broadcast %mul3A_320 : i32 to vector<16xi32>
      %mul3A_322 = arith.muli %add3A_319, %mul3A_321 : vector<16xi32>
      %add3A_323 = arith.constant 14 : i32
      %add3A_324 = vector.broadcast %add3A_323 : i32 to vector<16xi32>
      %add3A_325 = arith.addi %mul3A_322, %add3A_324 : vector<16xi32>
      %gather3A_326 = tpu.vector_load_idx %arg7[%add3A_325] : memref<7936xf32, #tpu.memory_space<vmem>>[vector<16xi32>], vector<16xf32>,
      %max3A_327 = arith.maximumf %max3A_316, %gather3A_326 : vector<16xf32>
      %iota3A_328 = tpu.iota {dimensions = array<i32: 0>} : vector<16xi32>
      %add3A_329 = vector.broadcast %mul3A_164 : i32 to vector<16xi32>
      %add3A_330 = arith.addi %iota3A_328, %add3A_329 : vector<16xi32>
      %mul3A_331 = arith.constant 16 : i32
      %mul3A_332 = vector.broadcast %mul3A_331 : i32 to vector<16xi32>
      %mul3A_333 = arith.muli %add3A_330, %mul3A_332 : vector<16xi32>
      %add3A_334 = arith.constant 15 : i32
      %add3A_335 = vector.broadcast %add3A_334 : i32 to vector<16xi32>
      %add3A_336 = arith.addi %mul3A_333, %add3A_335 : vector<16xi32>
      %gather3A_337 = tpu.vector_load_idx %arg7[%add3A_336] : memref<7936xf32, #tpu.memory_space<vmem>>[vector<16xi32>], vector<16xf32>,
      %max3A_338 = arith.maximumf %max3A_327, %gather3A_337 : vector<16xf32>
      %swap3A_339 = arith.index_cast %mul3A_164 : i32 to index
      %swap3A_340 = tpu.vector_load %arg8[%swap3A_339] {strides = array<i32>} : memref<496xf32, #tpu.memory_space<vmem>>, vector<16xf32>,
      tpu.vector_store %arg8[%swap3A_339], %max3A_338 {strides = array<i32>} : memref<496xf32, #tpu.memory_space<vmem>>, vector<16xf32>,
      %scan3A_341 = arith.constant 0 : i32
      scf.yield %scan3A_341 : i32
    }
    %scan3A_6 = arith.constant 31 : i32
    %scan3A_7 = arith.constant 0 : i32
    %scan3A_8 = arith.constant 0 : i32
    %scan3A_9 = arith.constant 10 : i32
    %scan3A_10 = arith.addi %scan3A_8, %scan3A_9 : i32
    %scan3A_11 = arith.constant 1 : i32
    %scan3A_12 = scf.for %scan3A_161 = %scan3A_8 to %scan3A_10 step %scan3A_11 iter_args(%scan3A_162 = %scan3A_7) -> (i32)  : i32 {
      %broadcast_in_dim3A = arith.constant 0xFF800000 : f32
      %broadcast_in_dim3A_163 = vector.broadcast %broadcast_in_dim3A : f32 to vector<16xf32>
      %scan3A_164 = arith.constant 0 : i32
      %scan3A_165 = arith.constant 31 : i32
      %scan3A_166 = arith.addi %scan3A_164, %scan3A_165 : i32
      %scan3A_167 = arith.constant 1 : i32
      %scan3A_168 = scf.for %scan3A_279 = %scan3A_164 to %scan3A_166 step %scan3A_167 iter_args(%scan3A_280 = %broadcast_in_dim3A_163) -> (vector<16xf32>)  : i32 {
        %mul3A_281 = arith.constant 1 : i32
        %mul3A_282 = arith.muli %scan3A_279, %mul3A_281 : i32
        %add3A_283 = arith.constant 0 : i32
        %add3A_284 = arith.addi %mul3A_282, %add3A_283 : i32
        %mul3A_285 = arith.constant 16 : i32
        %mul3A_286 = arith.muli %add3A_284, %mul3A_285 : i32
        %get3A_287 = arith.index_cast %mul3A_286 : i32 to index
        %get3A_288 = tpu.vector_load %arg8[%get3A_287] {strides = array<i32>} : memref<496xf32, #tpu.memory_space<vmem>>, vector<16xf32>,
        %max3A = arith.maximumf %scan3A_280, %get3A_288 : vector<16xf32>
        scf.yield %max3A : vector<16xf32>
      }
      %scan3A_169 = arith.constant 31 : i32
      %reduce_max3A = arith.constant true
      %reduce_max3A_170 = vector.broadcast %reduce_max3A : i1 to vector<16xi1>
      %reduce_max3A_171 = tpu.scan <max>, %scan3A_168 masked %reduce_max3A_170 : vector<16xf32>, vector<16xi1> -> vector<16xf32>
      %reduce_max3A_172 = vector.extract %reduce_max3A_171[15] : f32 from vector<16xf32>
      %scan3A_173 = arith.constant 496 : i32
      %scan3A_174 = arith.constant 496 : i32
      %scan3A_175 = arith.constant 0 : i32
      %scan3A_176 = arith.constant 31 : i32
      %scan3A_177 = arith.addi %scan3A_175, %scan3A_176 : i32
      %scan3A_178 = arith.constant 1 : i32
      %scan3A_179 = scf.for %scan3A_279 = %scan3A_175 to %scan3A_177 step %scan3A_178 iter_args(%scan3A_280 = %scan3A_174) -> (i32)  : i32 {
        %mul3A_281 = arith.constant 1 : i32
        %mul3A_282 = arith.muli %scan3A_279, %mul3A_281 : i32
        %add3A_283 = arith.constant 0 : i32
        %add3A_284 = arith.addi %mul3A_282, %add3A_283 : i32
        %mul3A_285 = arith.constant 16 : i32
        %mul3A_286 = arith.muli %add3A_284, %mul3A_285 : i32
        %get3A_287 = arith.index_cast %mul3A_286 : i32 to index
        %get3A_288 = tpu.vector_load %arg8[%get3A_287] {strides = array<i32>} : memref<496xf32, #tpu.memory_space<vmem>>, vector<16xf32>,
        %eq3A_289 = vector.broadcast %reduce_max3A_172 : f32 to vector<16xf32>
        %eq3A_290 = arith.cmpf oeq, %get3A_288, %eq3A_289 : vector<16xf32>
        %iota3A_291 = tpu.iota {dimensions = array<i32: 0>} : vector<16xi32>
        %add3A_292 = vector.broadcast %mul3A_286 : i32 to vector<16xi32>
        %add3A_293 = arith.addi %iota3A_291, %add3A_292 : vector<16xi32>
        %broadcast_in_dim3A_294 = vector.broadcast %scan3A_173 : i32 to vector<16xi32>
        %select_n3A_295 = arith.select %eq3A_290, %add3A_293, %broadcast_in_dim3A_294 : vector<16xi1>, vector<16xi32>
        %reduce_min3A_296 = arith.constant true
        %reduce_min3A_297 = vector.broadcast %reduce_min3A_296 : i1 to vector<16xi1>
        %reduce_min3A_298 = arith.constant -2147483648 : i32
        %reduce_min3A_299 = vector.broadcast %reduce_min3A_298 : i32 to vector<16xi32>
        %reduce_min3A_300 = arith.xori %select_n3A_295, %reduce_min3A_299 : vector<16xi32>
        %reduce_min3A_301 = tpu.scan <min>, %reduce_min3A_300 masked %reduce_min3A_297 : vector<16xi32>, vector<16xi1> -> vector<16xi32>
        %reduce_min3A_302 = arith.xori %reduce_min3A_301, %reduce_min3A_299 : vector<16xi32>
        %reduce_min3A_303 = vector.extract %reduce_min3A_302[15] : i32 from vector<16xi32>
        %min3A_304 = arith.minsi %scan3A_280, %reduce_min3A_303 : i32
        scf.yield %min3A_304 : i32
      }
      %scan3A_180 = arith.constant 31 : i32
      %mul3A_181 = arith.constant 16 : i32
      %mul3A_182 = arith.muli %scan3A_179, %mul3A_181 : i32
      %get3A_183 = arith.index_cast %mul3A_182 : i32 to index
      %get3A_184 = tpu.vector_load %arg7[%get3A_183] {strides = array<i32>} : memref<7936xf32, #tpu.memory_space<vmem>>, vector<16xf32>,
      %eq3A = vector.broadcast %reduce_max3A_172 : f32 to vector<16xf32>
      %eq3A_185 = arith.cmpf oeq, %get3A_184, %eq3A : vector<16xf32>
      %iota3A = tpu.iota {dimensions = array<i32: 0>} : vector<16xi32>
      %jit3A = arith.constant 16 : i32
      %broadcast_in_dim3A_186 = vector.broadcast %jit3A : i32 to vector<16xi32>
      %select_n3A = arith.select %eq3A_185, %iota3A, %broadcast_in_dim3A_186 : vector<16xi1>, vector<16xi32>
      %reduce_min3A = arith.constant true
      %reduce_min3A_187 = vector.broadcast %reduce_min3A : i1 to vector<16xi1>
      %reduce_min3A_188 = arith.constant -2147483648 : i32
      %reduce_min3A_189 = vector.broadcast %reduce_min3A_188 : i32 to vector<16xi32>
      %reduce_min3A_190 = arith.xori %select_n3A, %reduce_min3A_189 : vector<16xi32>
      %reduce_min3A_191 = tpu.scan <min>, %reduce_min3A_190 masked %reduce_min3A_187 : vector<16xi32>, vector<16xi1> -> vector<16xi32>
      %reduce_min3A_192 = arith.xori %reduce_min3A_191, %reduce_min3A_189 : vector<16xi32>
      %reduce_min3A_193 = vector.extract %reduce_min3A_192[15] : i32 from vector<16xi32>
      %mul3A_194 = arith.constant 16 : i32
      %mul3A_195 = arith.muli %scan3A_179, %mul3A_194 : i32
      %add3A_196 = arith.addi %mul3A_195, %reduce_min3A_193 : i32
      %iota3A_197 = tpu.iota {dimensions = array<i32: 0>} : vector<16xi32>
      %eq3A_198 = vector.broadcast %reduce_min3A_193 : i32 to vector<16xi32>
      %eq3A_199 = arith.cmpi eq, %iota3A_197, %eq3A_198 : vector<16xi32>
      %jit3A_200 = arith.constant 0xFF800000 : f32
      %broadcast_in_dim3A_201 = vector.broadcast %jit3A_200 : f32 to vector<16xf32>
      %select_n3A_202 = arith.select %eq3A_199, %broadcast_in_dim3A_201, %get3A_184 : vector<16xi1>, vector<16xf32>
      %mul3A_203 = arith.constant 16 : i32
      %mul3A_204 = arith.muli %scan3A_179, %mul3A_203 : i32
      %swap3A_205 = arith.index_cast %mul3A_204 : i32 to index
      %swap3A_206 = tpu.vector_load %arg7[%swap3A_205] {strides = array<i32>} : memref<7936xf32, #tpu.memory_space<vmem>>, vector<16xf32>,
      tpu.vector_store %arg7[%swap3A_205], %select_n3A_202 {strides = array<i32>} : memref<7936xf32, #tpu.memory_space<vmem>>, vector<16xf32>,
      %reduce_max3A_207 = arith.constant true
      %reduce_max3A_208 = vector.broadcast %reduce_max3A_207 : i1 to vector<16xi1>
      %reduce_max3A_209 = tpu.scan <max>, %select_n3A_202 masked %reduce_max3A_208 : vector<16xf32>, vector<16xi1> -> vector<16xf32>
      %reduce_max3A_210 = vector.extract %reduce_max3A_209[15] : f32 from vector<16xf32>
      %jit3A_211 = arith.constant 16 : i32
      %div3A = arith.divsi %scan3A_179, %jit3A_211 : i32
      %sign3A = arith.constant 0 : i32
      %sign3A_212 = arith.cmpi sgt, %scan3A_179, %sign3A : i32
      %sign3A_213 = arith.extui %sign3A_212 : i1 to i32
      %sign3A_214 = arith.constant 0 : i32
      %sign3A_215 = arith.cmpi slt, %scan3A_179, %sign3A_214 : i32
      %sign3A_216 = arith.extui %sign3A_215 : i1 to i32
      %sign3A_217 = arith.subi %sign3A_213, %sign3A_216 : i32
      %sign3A_218 = arith.constant 0 : i32
      %sign3A_219 = arith.cmpi sgt, %jit3A_211, %sign3A_218 : i32
      %sign3A_220 = arith.extui %sign3A_219 : i1 to i32
      %sign3A_221 = arith.constant 0 : i32
      %sign3A_222 = arith.cmpi slt, %jit3A_211, %sign3A_221 : i32
      %sign3A_223 = arith.extui %sign3A_222 : i1 to i32
      %sign3A_224 = arith.subi %sign3A_220, %sign3A_223 : i32
      %ne3A = arith.cmpi ne, %sign3A_217, %sign3A_224 : i32
      %rem3A = arith.remsi %scan3A_179, %jit3A_211 : i32
      %ne3A_225 = arith.constant 0 : i32
      %ne3A_226 = arith.cmpi ne, %rem3A, %ne3A_225 : i32
      %and3A = arith.andi %ne3A, %ne3A_226 : i1
      %sub3A = arith.constant 1 : i32
      %sub3A_227 = arith.subi %div3A, %sub3A : i32
      %select_n3A_228 = arith.select %and3A, %sub3A_227, %div3A : i32
      %jit3A_229 = arith.constant 16 : i32
      %eq3A_230 = arith.constant 0 : i32
      %eq3A_231 = arith.cmpi eq, %jit3A_229, %eq3A_230 : i32
      %jit3A_232 = arith.constant 1 : i32
      %select_n3A_233 = arith.select %eq3A_231, %jit3A_232, %jit3A_229 : i32
      %rem3A_234 = arith.remsi %scan3A_179, %select_n3A_233 : i32
      %ne3A_235 = arith.constant 0 : i32
      %ne3A_236 = arith.cmpi ne, %rem3A_234, %ne3A_235 : i32
      %lt3A = arith.constant 0 : i32
      %lt3A_237 = arith.cmpi slt, %rem3A_234, %lt3A : i32
      %lt3A_238 = arith.constant 0 : i32
      %lt3A_239 = arith.cmpi slt, %select_n3A_233, %lt3A_238 : i32
      %ne3A_240 = arith.xori %lt3A_237, %lt3A_239 : i1
      %and3A_241 = arith.andi %ne3A_240, %ne3A_236 : i1
      %add3A_242 = arith.addi %rem3A_234, %select_n3A_233 : i32
      %select_n3A_243 = arith.select %and3A_241, %add3A_242, %rem3A_234 : i32
      %mul3A_244 = arith.constant 16 : i32
      %mul3A_245 = arith.muli %select_n3A_228, %mul3A_244 : i32
      %get3A_246 = arith.index_cast %mul3A_245 : i32 to index
      %get3A_247 = tpu.vector_load %arg8[%get3A_246] {strides = array<i32>} : memref<496xf32, #tpu.memory_space<vmem>>, vector<16xf32>,
      %iota3A_248 = tpu.iota {dimensions = array<i32: 0>} : vector<16xi32>
      %eq3A_249 = vector.broadcast %select_n3A_243 : i32 to vector<16xi32>
      %eq3A_250 = arith.cmpi eq, %iota3A_248, %eq3A_249 : vector<16xi32>
      %broadcast_in_dim3A_251 = vector.broadcast %reduce_max3A_210 : f32 to vector<16xf32>
      %select_n3A_252 = arith.select %eq3A_250, %broadcast_in_dim3A_251, %get3A_247 : vector<16xi1>, vector<16xf32>
      %mul3A_253 = arith.constant 16 : i32
      %mul3A_254 = arith.muli %select_n3A_228, %mul3A_253 : i32
      %swap3A_255 = arith.index_cast %mul3A_254 : i32 to index
      %swap3A_256 = tpu.vector_load %arg8[%swap3A_255] {strides = array<i32>} : memref<496xf32, #tpu.memory_space<vmem>>, vector<16xf32>,
      tpu.vector_store %arg8[%swap3A_255], %select_n3A_252 {strides = array<i32>} : memref<496xf32, #tpu.memory_space<vmem>>, vector<16xf32>,
      %get3A_257 = arith.constant 0 : index
      %get3A_258 = tpu.vector_load %arg9[%get3A_257] {strides = array<i32>} : memref<16xi32, #tpu.memory_space<vmem>>, vector<16xi32>,
      %iota3A_259 = tpu.iota {dimensions = array<i32: 0>} : vector<16xi32>
      %eq3A_260 = vector.broadcast %scan3A_161 : i32 to vector<16xi32>
      %eq3A_261 = arith.cmpi eq, %iota3A_259, %eq3A_260 : vector<16xi32>
      %broadcast_in_dim3A_262 = vector.broadcast %add3A_196 : i32 to vector<16xi32>
      %select_n3A_263 = arith.select %eq3A_261, %broadcast_in_dim3A_262, %get3A_258 : vector<16xi1>, vector<16xi32>
      %swap3A_264 = arith.constant 0 : index
      %swap3A_265 = tpu.vector_load %arg9[%swap3A_264] {strides = array<i32>} : memref<16xi32, #tpu.memory_space<vmem>>, vector<16xi32>,
      tpu.vector_store %arg9[%swap3A_264], %select_n3A_263 {strides = array<i32>} : memref<16xi32, #tpu.memory_space<vmem>>, vector<16xi32>,
      %mul3A_266 = arith.constant 128 : i32
      %mul3A_267 = arith.muli %add3A_196, %mul3A_266 : i32
      %min3A = arith.constant 999872 : i32
      %min3A_268 = arith.minsi %mul3A_267, %min3A : i32
      %mul3A_269 = arith.constant 128 : i32
      %mul3A_270 = arith.muli %scan3A_161, %mul3A_269 : i32
      %dma_start3A = arith.constant 0 : i32
      %dma_start3A_271 = tpu.memref_slice %arg10[%mul3A_270, %dma_start3A] : memref<1280x64xf32, #tpu.memory_space<vmem>> -> memref<128x64xf32, #tpu.memory_space<vmem>>
      %dma_start3A_272 = arith.constant 0 : i32
      %dma_start3A_273 = tpu.memref_slice %arg4[%min3A_268, %dma_start3A_272] : memref<1000000x64xf32, #tpu.memory_space<hbm>> -> memref<128x64xf32, #tpu.memory_space<hbm>>
      %dma_start3A_274 = arith.constant 0 : i32
      %dma_start3A_275 = tpu.memref_slice %arg10[%mul3A_270, %dma_start3A_274] : memref<1280x64xf32, #tpu.memory_space<vmem>> -> memref<128x64xf32, #tpu.memory_space<vmem>>
      %dma_start3A_276 = arith.constant 0 : i32
      %dma_start3A_277 = tpu.memref_slice %arg4[%min3A_268, %dma_start3A_276] : memref<1000000x64xf32, #tpu.memory_space<hbm>> -> memref<128x64xf32, #tpu.memory_space<hbm>>
      tpu.enqueue_dma source(%dma_start3A_277 : memref<128x64xf32, #tpu.memory_space<hbm>>) target(%dma_start3A_275 : memref<128x64xf32, #tpu.memory_space<vmem>>) target_semaphore(%arg15 : memref<!tpu.dma_semaphore, #tpu.memory_space<semaphore_mem>>)
      %scan3A_278 = arith.constant 0 : i32
      scf.yield %scan3A_278 : i32
    }
    %scan3A_13 = arith.constant 10 : i32
    %dma_wait3A = arith.constant 0 : i32
    %dma_wait3A_14 = arith.constant 0 : i32
    %dma_wait3A_15 = tpu.memref_slice %arg10[%dma_wait3A, %dma_wait3A_14] : memref<1280x64xf32, #tpu.memory_space<vmem>> -> memref<128x64xf32, #tpu.memory_space<vmem>>
    %dma_wait3A_16 = arith.constant 0 : i32
    %dma_wait3A_17 = arith.constant 0 : i32
    %dma_wait3A_18 = tpu.memref_slice %arg4[%dma_wait3A_16, %dma_wait3A_17] : memref<1000000x64xf32, #tpu.memory_space<hbm>> -> memref<128x64xf32, #tpu.memory_space<hbm>>
    %dma_wait3A_19 = arith.constant 0 : i32
    %dma_wait3A_20 = arith.constant 0 : i32
    %dma_wait3A_21 = tpu.memref_slice %arg10[%dma_wait3A_19, %dma_wait3A_20] : memref<1280x64xf32, #tpu.memory_space<vmem>> -> memref<128x64xf32, #tpu.memory_space<vmem>>
    %dma_wait3A_22 = arith.constant 0 : i32
    %dma_wait3A_23 = arith.constant 0 : i32
    %dma_wait3A_24 = tpu.memref_slice %arg4[%dma_wait3A_22, %dma_wait3A_23] : memref<1000000x64xf32, #tpu.memory_space<hbm>> -> memref<128x64xf32, #tpu.memory_space<hbm>>
    tpu.wait_dma2 semaphore(%arg15 : memref<!tpu.dma_semaphore, #tpu.memory_space<semaphore_mem>>) src(%dma_wait3A_24 : memref<128x64xf32, #tpu.memory_space<hbm>>) dst(%dma_wait3A_21 : memref<128x64xf32, #tpu.memory_space<vmem>>)
    %dma_wait3A_25 = arith.constant 0 : i32
    %dma_wait3A_26 = arith.constant 0 : i32
    %dma_wait3A_27 = tpu.memref_slice %arg10[%dma_wait3A_25, %dma_wait3A_26] : memref<1280x64xf32, #tpu.memory_space<vmem>> -> memref<128x64xf32, #tpu.memory_space<vmem>>
    %dma_wait3A_28 = arith.constant 0 : i32
    %dma_wait3A_29 = arith.constant 0 : i32
    %dma_wait3A_30 = tpu.memref_slice %arg4[%dma_wait3A_28, %dma_wait3A_29] : memref<1000000x64xf32, #tpu.memory_space<hbm>> -> memref<128x64xf32, #tpu.memory_space<hbm>>
    %dma_wait3A_31 = arith.constant 0 : i32
    %dma_wait3A_32 = arith.constant 0 : i32
    %dma_wait3A_33 = tpu.memref_slice %arg10[%dma_wait3A_31, %dma_wait3A_32] : memref<1280x64xf32, #tpu.memory_space<vmem>> -> memref<128x64xf32, #tpu.memory_space<vmem>>
    %dma_wait3A_34 = arith.constant 0 : i32
    %dma_wait3A_35 = arith.constant 0 : i32
    %dma_wait3A_36 = tpu.memref_slice %arg4[%dma_wait3A_34, %dma_wait3A_35] : memref<1000000x64xf32, #tpu.memory_space<hbm>> -> memref<128x64xf32, #tpu.memory_space<hbm>>
    tpu.wait_dma2 semaphore(%arg15 : memref<!tpu.dma_semaphore, #tpu.memory_space<semaphore_mem>>) src(%dma_wait3A_36 : memref<128x64xf32, #tpu.memory_space<hbm>>) dst(%dma_wait3A_33 : memref<128x64xf32, #tpu.memory_space<vmem>>)
    %dma_wait3A_37 = arith.constant 0 : i32
    %dma_wait3A_38 = arith.constant 0 : i32
    %dma_wait3A_39 = tpu.memref_slice %arg10[%dma_wait3A_37, %dma_wait3A_38] : memref<1280x64xf32, #tpu.memory_space<vmem>> -> memref<128x64xf32, #tpu.memory_space<vmem>>
    %dma_wait3A_40 = arith.constant 0 : i32
    %dma_wait3A_41 = arith.constant 0 : i32
    %dma_wait3A_42 = tpu.memref_slice %arg4[%dma_wait3A_40, %dma_wait3A_41] : memref<1000000x64xf32, #tpu.memory_space<hbm>> -> memref<128x64xf32, #tpu.memory_space<hbm>>
    %dma_wait3A_43 = arith.constant 0 : i32
    %dma_wait3A_44 = arith.constant 0 : i32
    %dma_wait3A_45 = tpu.memref_slice %arg10[%dma_wait3A_43, %dma_wait3A_44] : memref<1280x64xf32, #tpu.memory_space<vmem>> -> memref<128x64xf32, #tpu.memory_space<vmem>>
    %dma_wait3A_46 = arith.constant 0 : i32
    %dma_wait3A_47 = arith.constant 0 : i32
    %dma_wait3A_48 = tpu.memref_slice %arg4[%dma_wait3A_46, %dma_wait3A_47] : memref<1000000x64xf32, #tpu.memory_space<hbm>> -> memref<128x64xf32, #tpu.memory_space<hbm>>
    tpu.wait_dma2 semaphore(%arg15 : memref<!tpu.dma_semaphore, #tpu.memory_space<semaphore_mem>>) src(%dma_wait3A_48 : memref<128x64xf32, #tpu.memory_space<hbm>>) dst(%dma_wait3A_45 : memref<128x64xf32, #tpu.memory_space<vmem>>)
    %dma_wait3A_49 = arith.constant 0 : i32
    %dma_wait3A_50 = arith.constant 0 : i32
    %dma_wait3A_51 = tpu.memref_slice %arg10[%dma_wait3A_49, %dma_wait3A_50] : memref<1280x64xf32, #tpu.memory_space<vmem>> -> memref<128x64xf32, #tpu.memory_space<vmem>>
    %dma_wait3A_52 = arith.constant 0 : i32
    %dma_wait3A_53 = arith.constant 0 : i32
    %dma_wait3A_54 = tpu.memref_slice %arg4[%dma_wait3A_52, %dma_wait3A_53] : memref<1000000x64xf32, #tpu.memory_space<hbm>> -> memref<128x64xf32, #tpu.memory_space<hbm>>
    %dma_wait3A_55 = arith.constant 0 : i32
    %dma_wait3A_56 = arith.constant 0 : i32
    %dma_wait3A_57 = tpu.memref_slice %arg10[%dma_wait3A_55, %dma_wait3A_56] : memref<1280x64xf32, #tpu.memory_space<vmem>> -> memref<128x64xf32, #tpu.memory_space<vmem>>
    %dma_wait3A_58 = arith.constant 0 : i32
    %dma_wait3A_59 = arith.constant 0 : i32
    %dma_wait3A_60 = tpu.memref_slice %arg4[%dma_wait3A_58, %dma_wait3A_59] : memref<1000000x64xf32, #tpu.memory_space<hbm>> -> memref<128x64xf32, #tpu.memory_space<hbm>>
    tpu.wait_dma2 semaphore(%arg15 : memref<!tpu.dma_semaphore, #tpu.memory_space<semaphore_mem>>) src(%dma_wait3A_60 : memref<128x64xf32, #tpu.memory_space<hbm>>) dst(%dma_wait3A_57 : memref<128x64xf32, #tpu.memory_space<vmem>>)
    %dma_wait3A_61 = arith.constant 0 : i32
    %dma_wait3A_62 = arith.constant 0 : i32
    %dma_wait3A_63 = tpu.memref_slice %arg10[%dma_wait3A_61, %dma_wait3A_62] : memref<1280x64xf32, #tpu.memory_space<vmem>> -> memref<128x64xf32, #tpu.memory_space<vmem>>
    %dma_wait3A_64 = arith.constant 0 : i32
    %dma_wait3A_65 = arith.constant 0 : i32
    %dma_wait3A_66 = tpu.memref_slice %arg4[%dma_wait3A_64, %dma_wait3A_65] : memref<1000000x64xf32, #tpu.memory_space<hbm>> -> memref<128x64xf32, #tpu.memory_space<hbm>>
    %dma_wait3A_67 = arith.constant 0 : i32
    %dma_wait3A_68 = arith.constant 0 : i32
    %dma_wait3A_69 = tpu.memref_slice %arg10[%dma_wait3A_67, %dma_wait3A_68] : memref<1280x64xf32, #tpu.memory_space<vmem>> -> memref<128x64xf32, #tpu.memory_space<vmem>>
    %dma_wait3A_70 = arith.constant 0 : i32
    %dma_wait3A_71 = arith.constant 0 : i32
    %dma_wait3A_72 = tpu.memref_slice %arg4[%dma_wait3A_70, %dma_wait3A_71] : memref<1000000x64xf32, #tpu.memory_space<hbm>> -> memref<128x64xf32, #tpu.memory_space<hbm>>
    tpu.wait_dma2 semaphore(%arg15 : memref<!tpu.dma_semaphore, #tpu.memory_space<semaphore_mem>>) src(%dma_wait3A_72 : memref<128x64xf32, #tpu.memory_space<hbm>>) dst(%dma_wait3A_69 : memref<128x64xf32, #tpu.memory_space<vmem>>)
    %dma_wait3A_73 = arith.constant 0 : i32
    %dma_wait3A_74 = arith.constant 0 : i32
    %dma_wait3A_75 = tpu.memref_slice %arg10[%dma_wait3A_73, %dma_wait3A_74] : memref<1280x64xf32, #tpu.memory_space<vmem>> -> memref<128x64xf32, #tpu.memory_space<vmem>>
    %dma_wait3A_76 = arith.constant 0 : i32
    %dma_wait3A_77 = arith.constant 0 : i32
    %dma_wait3A_78 = tpu.memref_slice %arg4[%dma_wait3A_76, %dma_wait3A_77] : memref<1000000x64xf32, #tpu.memory_space<hbm>> -> memref<128x64xf32, #tpu.memory_space<hbm>>
    %dma_wait3A_79 = arith.constant 0 : i32
    %dma_wait3A_80 = arith.constant 0 : i32
    %dma_wait3A_81 = tpu.memref_slice %arg10[%dma_wait3A_79, %dma_wait3A_80] : memref<1280x64xf32, #tpu.memory_space<vmem>> -> memref<128x64xf32, #tpu.memory_space<vmem>>
    %dma_wait3A_82 = arith.constant 0 : i32
    %dma_wait3A_83 = arith.constant 0 : i32
    %dma_wait3A_84 = tpu.memref_slice %arg4[%dma_wait3A_82, %dma_wait3A_83] : memref<1000000x64xf32, #tpu.memory_space<hbm>> -> memref<128x64xf32, #tpu.memory_space<hbm>>
    tpu.wait_dma2 semaphore(%arg15 : memref<!tpu.dma_semaphore, #tpu.memory_space<semaphore_mem>>) src(%dma_wait3A_84 : memref<128x64xf32, #tpu.memory_space<hbm>>) dst(%dma_wait3A_81 : memref<128x64xf32, #tpu.memory_space<vmem>>)
    %dma_wait3A_85 = arith.constant 0 : i32
    %dma_wait3A_86 = arith.constant 0 : i32
    %dma_wait3A_87 = tpu.memref_slice %arg10[%dma_wait3A_85, %dma_wait3A_86] : memref<1280x64xf32, #tpu.memory_space<vmem>> -> memref<128x64xf32, #tpu.memory_space<vmem>>
    %dma_wait3A_88 = arith.constant 0 : i32
    %dma_wait3A_89 = arith.constant 0 : i32
    %dma_wait3A_90 = tpu.memref_slice %arg4[%dma_wait3A_88, %dma_wait3A_89] : memref<1000000x64xf32, #tpu.memory_space<hbm>> -> memref<128x64xf32, #tpu.memory_space<hbm>>
    %dma_wait3A_91 = arith.constant 0 : i32
    %dma_wait3A_92 = arith.constant 0 : i32
    %dma_wait3A_93 = tpu.memref_slice %arg10[%dma_wait3A_91, %dma_wait3A_92] : memref<1280x64xf32, #tpu.memory_space<vmem>> -> memref<128x64xf32, #tpu.memory_space<vmem>>
    %dma_wait3A_94 = arith.constant 0 : i32
    %dma_wait3A_95 = arith.constant 0 : i32
    %dma_wait3A_96 = tpu.memref_slice %arg4[%dma_wait3A_94, %dma_wait3A_95] : memref<1000000x64xf32, #tpu.memory_space<hbm>> -> memref<128x64xf32, #tpu.memory_space<hbm>>
    tpu.wait_dma2 semaphore(%arg15 : memref<!tpu.dma_semaphore, #tpu.memory_space<semaphore_mem>>) src(%dma_wait3A_96 : memref<128x64xf32, #tpu.memory_space<hbm>>) dst(%dma_wait3A_93 : memref<128x64xf32, #tpu.memory_space<vmem>>)
    %dma_wait3A_97 = arith.constant 0 : i32
    %dma_wait3A_98 = arith.constant 0 : i32
    %dma_wait3A_99 = tpu.memref_slice %arg10[%dma_wait3A_97, %dma_wait3A_98] : memref<1280x64xf32, #tpu.memory_space<vmem>> -> memref<128x64xf32, #tpu.memory_space<vmem>>
    %dma_wait3A_100 = arith.constant 0 : i32
    %dma_wait3A_101 = arith.constant 0 : i32
    %dma_wait3A_102 = tpu.memref_slice %arg4[%dma_wait3A_100, %dma_wait3A_101] : memref<1000000x64xf32, #tpu.memory_space<hbm>> -> memref<128x64xf32, #tpu.memory_space<hbm>>
    %dma_wait3A_103 = arith.constant 0 : i32
    %dma_wait3A_104 = arith.constant 0 : i32
    %dma_wait3A_105 = tpu.memref_slice %arg10[%dma_wait3A_103, %dma_wait3A_104] : memref<1280x64xf32, #tpu.memory_space<vmem>> -> memref<128x64xf32, #tpu.memory_space<vmem>>
    %dma_wait3A_106 = arith.constant 0 : i32
    %dma_wait3A_107 = arith.constant 0 : i32
    %dma_wait3A_108 = tpu.memref_slice %arg4[%dma_wait3A_106, %dma_wait3A_107] : memref<1000000x64xf32, #tpu.memory_space<hbm>> -> memref<128x64xf32, #tpu.memory_space<hbm>>
    tpu.wait_dma2 semaphore(%arg15 : memref<!tpu.dma_semaphore, #tpu.memory_space<semaphore_mem>>) src(%dma_wait3A_108 : memref<128x64xf32, #tpu.memory_space<hbm>>) dst(%dma_wait3A_105 : memref<128x64xf32, #tpu.memory_space<vmem>>)
    %dma_wait3A_109 = arith.constant 0 : i32
    %dma_wait3A_110 = arith.constant 0 : i32
    %dma_wait3A_111 = tpu.memref_slice %arg10[%dma_wait3A_109, %dma_wait3A_110] : memref<1280x64xf32, #tpu.memory_space<vmem>> -> memref<128x64xf32, #tpu.memory_space<vmem>>
    %dma_wait3A_112 = arith.constant 0 : i32
    %dma_wait3A_113 = arith.constant 0 : i32
    %dma_wait3A_114 = tpu.memref_slice %arg4[%dma_wait3A_112, %dma_wait3A_113] : memref<1000000x64xf32, #tpu.memory_space<hbm>> -> memref<128x64xf32, #tpu.memory_space<hbm>>
    %dma_wait3A_115 = arith.constant 0 : i32
    %dma_wait3A_116 = arith.constant 0 : i32
    %dma_wait3A_117 = tpu.memref_slice %arg10[%dma_wait3A_115, %dma_wait3A_116] : memref<1280x64xf32, #tpu.memory_space<vmem>> -> memref<128x64xf32, #tpu.memory_space<vmem>>
    %dma_wait3A_118 = arith.constant 0 : i32
    %dma_wait3A_119 = arith.constant 0 : i32
    %dma_wait3A_120 = tpu.memref_slice %arg4[%dma_wait3A_118, %dma_wait3A_119] : memref<1000000x64xf32, #tpu.memory_space<hbm>> -> memref<128x64xf32, #tpu.memory_space<hbm>>
    tpu.wait_dma2 semaphore(%arg15 : memref<!tpu.dma_semaphore, #tpu.memory_space<semaphore_mem>>) src(%dma_wait3A_120 : memref<128x64xf32, #tpu.memory_space<hbm>>) dst(%dma_wait3A_117 : memref<128x64xf32, #tpu.memory_space<vmem>>)
    %dma_wait3A_121 = arith.constant 0 : i32
    %dma_wait3A_122 = arith.constant 0 : i32
    %dma_wait3A_123 = tpu.memref_slice %arg10[%dma_wait3A_121, %dma_wait3A_122] : memref<1280x64xf32, #tpu.memory_space<vmem>> -> memref<128x64xf32, #tpu.memory_space<vmem>>
    %dma_wait3A_124 = arith.constant 0 : i32
    %dma_wait3A_125 = arith.constant 0 : i32
    %dma_wait3A_126 = tpu.memref_slice %arg4[%dma_wait3A_124, %dma_wait3A_125] : memref<1000000x64xf32, #tpu.memory_space<hbm>> -> memref<128x64xf32, #tpu.memory_space<hbm>>
    %dma_wait3A_127 = arith.constant 0 : i32
    %dma_wait3A_128 = arith.constant 0 : i32
    %dma_wait3A_129 = tpu.memref_slice %arg10[%dma_wait3A_127, %dma_wait3A_128] : memref<1280x64xf32, #tpu.memory_space<vmem>> -> memref<128x64xf32, #tpu.memory_space<vmem>>
    %dma_wait3A_130 = arith.constant 0 : i32
    %dma_wait3A_131 = arith.constant 0 : i32
    %dma_wait3A_132 = tpu.memref_slice %arg4[%dma_wait3A_130, %dma_wait3A_131] : memref<1000000x64xf32, #tpu.memory_space<hbm>> -> memref<128x64xf32, #tpu.memory_space<hbm>>
    tpu.wait_dma2 semaphore(%arg15 : memref<!tpu.dma_semaphore, #tpu.memory_space<semaphore_mem>>) src(%dma_wait3A_132 : memref<128x64xf32, #tpu.memory_space<hbm>>) dst(%dma_wait3A_129 : memref<128x64xf32, #tpu.memory_space<vmem>>)
    %get3A = arith.constant 0 : index
    %get3A_133 = tpu.vector_load %arg12[%get3A] {strides = array<i32>} : memref<64xf32, #tpu.memory_space<vmem>>, vector<16xf32>,
    %get3A_134 = arith.constant 16 : index
    %get3A_135 = tpu.vector_load %arg12[%get3A_134] {strides = array<i32>} : memref<64xf32, #tpu.memory_space<vmem>>, vector<16xf32>,
    %get3A_136 = arith.constant 32 : index
    %get3A_137 = tpu.vector_load %arg12[%get3A_136] {strides = array<i32>} : memref<64xf32, #tpu.memory_space<vmem>>, vector<16xf32>,
    %get3A_138 = arith.constant 48 : index
    %get3A_139 = tpu.vector_load %arg12[%get3A_138] {strides = array<i32>} : memref<64xf32, #tpu.memory_space<vmem>>, vector<16xf32>,
    %scan3A_140 = arith.constant 0 : i32
    %scan3A_141 = arith.constant 0 : i32
    %scan3A_142 = arith.constant 80 : i32
    %scan3A_143 = arith.addi %scan3A_141, %scan3A_142 : i32
    %scan3A_144 = arith.constant 1 : i32
    %scan3A_145 = scf.for %scan3A_161 = %scan3A_141 to %scan3A_143 step %scan3A_144 iter_args(%scan3A_162 = %scan3A_140) -> (i32)  : i32 {
      %jit3A = arith.constant 8 : i32
      %div3A = arith.divsi %scan3A_161, %jit3A : i32
      %sign3A = arith.constant 0 : i32
      %sign3A_163 = arith.cmpi sgt, %scan3A_161, %sign3A : i32
      %sign3A_164 = arith.extui %sign3A_163 : i1 to i32
      %sign3A_165 = arith.constant 0 : i32
      %sign3A_166 = arith.cmpi slt, %scan3A_161, %sign3A_165 : i32
      %sign3A_167 = arith.extui %sign3A_166 : i1 to i32
      %sign3A_168 = arith.subi %sign3A_164, %sign3A_167 : i32
      %sign3A_169 = arith.constant 0 : i32
      %sign3A_170 = arith.cmpi sgt, %jit3A, %sign3A_169 : i32
      %sign3A_171 = arith.extui %sign3A_170 : i1 to i32
      %sign3A_172 = arith.constant 0 : i32
      %sign3A_173 = arith.cmpi slt, %jit3A, %sign3A_172 : i32
      %sign3A_174 = arith.extui %sign3A_173 : i1 to i32
      %sign3A_175 = arith.subi %sign3A_171, %sign3A_174 : i32
      %ne3A = arith.cmpi ne, %sign3A_168, %sign3A_175 : i32
      %rem3A = arith.remsi %scan3A_161, %jit3A : i32
      %ne3A_176 = arith.constant 0 : i32
      %ne3A_177 = arith.cmpi ne, %rem3A, %ne3A_176 : i32
      %and3A = arith.andi %ne3A, %ne3A_177 : i1
      %sub3A = arith.constant 1 : i32
      %sub3A_178 = arith.subi %div3A, %sub3A : i32
      %select_n3A = arith.select %and3A, %sub3A_178, %div3A : i32
      %jit3A_179 = arith.constant 8 : i32
      %eq3A = arith.constant 0 : i32
      %eq3A_180 = arith.cmpi eq, %jit3A_179, %eq3A : i32
      %jit3A_181 = arith.constant 1 : i32
      %select_n3A_182 = arith.select %eq3A_180, %jit3A_181, %jit3A_179 : i32
      %rem3A_183 = arith.remsi %scan3A_161, %select_n3A_182 : i32
      %ne3A_184 = arith.constant 0 : i32
      %ne3A_185 = arith.cmpi ne, %rem3A_183, %ne3A_184 : i32
      %lt3A = arith.constant 0 : i32
      %lt3A_186 = arith.cmpi slt, %rem3A_183, %lt3A : i32
      %lt3A_187 = arith.constant 0 : i32
      %lt3A_188 = arith.cmpi slt, %select_n3A_182, %lt3A_187 : i32
      %ne3A_189 = arith.xori %lt3A_186, %lt3A_188 : i1
      %and3A_190 = arith.andi %ne3A_189, %ne3A_185 : i1
      %add3A_191 = arith.addi %rem3A_183, %select_n3A_182 : i32
      %select_n3A_192 = arith.select %and3A_190, %add3A_191, %rem3A_183 : i32
      %broadcast_in_dim3A = vector.broadcast %select_n3A : i32 to vector<16xi32>
      %gather3A = tpu.vector_load_idx %arg9[%broadcast_in_dim3A] : memref<16xi32, #tpu.memory_space<vmem>>[vector<16xi32>], vector<16xi32>,
      %slice3A = vector.extract_strided_slice %gather3A {offsets = [0], sizes = [1], strides = [1]} : vector<16xi32> to vector<1xi32>
      %squeeze3A = vector.extract %slice3A[0] : i32 from vector<1xi32>
      %mul3A_193 = arith.constant 128 : i32
      %mul3A_194 = arith.muli %squeeze3A, %mul3A_193 : i32
      %min3A = arith.constant 999872 : i32
      %min3A_195 = arith.minsi %mul3A_194, %min3A : i32
      %mul3A_196 = arith.constant 16 : i32
      %mul3A_197 = arith.muli %scan3A_161, %mul3A_196 : i32
      %iota3A = tpu.iota {dimensions = array<i32: 0>} : vector<16xi32>
      %add3A_198 = vector.broadcast %mul3A_197 : i32 to vector<16xi32>
      %add3A_199 = arith.addi %add3A_198, %iota3A : vector<16xi32>
      %broadcast_in_dim3A_200 = arith.constant 0.000000e+00 : f32
      %broadcast_in_dim3A_201 = vector.broadcast %broadcast_in_dim3A_200 : f32 to vector<16xf32>
      %broadcast_in_dim3A_202 = arith.constant 0 : i32
      %broadcast_in_dim3A_203 = vector.broadcast %broadcast_in_dim3A_202 : i32 to vector<16xi32>
      %gather3A_204 = tpu.vector_load_idx %arg10[%add3A_199, %broadcast_in_dim3A_203] : memref<1280x64xf32, #tpu.memory_space<vmem>>[vector<16xi32>, vector<16xi32>], vector<16xf32>,
      %slice3A_205 = vector.extract_strided_slice %get3A_133 {offsets = [0], sizes = [1], strides = [1]} : vector<16xf32> to vector<1xf32>
      %squeeze3A_206 = vector.extract %slice3A_205[0] : f32 from vector<1xf32>
      %mul3A_207 = vector.broadcast %squeeze3A_206 : f32 to vector<16xf32>
      %mul3A_208 = arith.mulf %gather3A_204, %mul3A_207 : vector<16xf32>
      %add3A_209 = arith.addf %broadcast_in_dim3A_201, %mul3A_208 : vector<16xf32>
      %broadcast_in_dim3A_210 = arith.constant 1 : i32
      %broadcast_in_dim3A_211 = vector.broadcast %broadcast_in_dim3A_210 : i32 to vector<16xi32>
      %gather3A_212 = tpu.vector_load_idx %arg10[%add3A_199, %broadcast_in_dim3A_211] : memref<1280x64xf32, #tpu.memory_space<vmem>>[vector<16xi32>, vector<16xi32>], vector<16xf32>,
      %slice3A_213 = vector.extract_strided_slice %get3A_133 {offsets = [1], sizes = [1], strides = [1]} : vector<16xf32> to vector<1xf32>
      %squeeze3A_214 = vector.extract %slice3A_213[0] : f32 from vector<1xf32>
      %mul3A_215 = vector.broadcast %squeeze3A_214 : f32 to vector<16xf32>
      %mul3A_216 = arith.mulf %gather3A_212, %mul3A_215 : vector<16xf32>
      %add3A_217 = arith.addf %add3A_209, %mul3A_216 : vector<16xf32>
      %broadcast_in_dim3A_218 = arith.constant 2 : i32
      %broadcast_in_dim3A_219 = vector.broadcast %broadcast_in_dim3A_218 : i32 to vector<16xi32>
      %gather3A_220 = tpu.vector_load_idx %arg10[%add3A_199, %broadcast_in_dim3A_219] : memref<1280x64xf32, #tpu.memory_space<vmem>>[vector<16xi32>, vector<16xi32>], vector<16xf32>,
      %slice3A_221 = vector.extract_strided_slice %get3A_133 {offsets = [2], sizes = [1], strides = [1]} : vector<16xf32> to vector<1xf32>
      %squeeze3A_222 = vector.extract %slice3A_221[0] : f32 from vector<1xf32>
      %mul3A_223 = vector.broadcast %squeeze3A_222 : f32 to vector<16xf32>
      %mul3A_224 = arith.mulf %gather3A_220, %mul3A_223 : vector<16xf32>
      %add3A_225 = arith.addf %add3A_217, %mul3A_224 : vector<16xf32>
      %broadcast_in_dim3A_226 = arith.constant 3 : i32
      %broadcast_in_dim3A_227 = vector.broadcast %broadcast_in_dim3A_226 : i32 to vector<16xi32>
      %gather3A_228 = tpu.vector_load_idx %arg10[%add3A_199, %broadcast_in_dim3A_227] : memref<1280x64xf32, #tpu.memory_space<vmem>>[vector<16xi32>, vector<16xi32>], vector<16xf32>,
      %slice3A_229 = vector.extract_strided_slice %get3A_133 {offsets = [3], sizes = [1], strides = [1]} : vector<16xf32> to vector<1xf32>
      %squeeze3A_230 = vector.extract %slice3A_229[0] : f32 from vector<1xf32>
      %mul3A_231 = vector.broadcast %squeeze3A_230 : f32 to vector<16xf32>
      %mul3A_232 = arith.mulf %gather3A_228, %mul3A_231 : vector<16xf32>
      %add3A_233 = arith.addf %add3A_225, %mul3A_232 : vector<16xf32>
      %broadcast_in_dim3A_234 = arith.constant 4 : i32
      %broadcast_in_dim3A_235 = vector.broadcast %broadcast_in_dim3A_234 : i32 to vector<16xi32>
      %gather3A_236 = tpu.vector_load_idx %arg10[%add3A_199, %broadcast_in_dim3A_235] : memref<1280x64xf32, #tpu.memory_space<vmem>>[vector<16xi32>, vector<16xi32>], vector<16xf32>,
      %slice3A_237 = vector.extract_strided_slice %get3A_133 {offsets = [4], sizes = [1], strides = [1]} : vector<16xf32> to vector<1xf32>
      %squeeze3A_238 = vector.extract %slice3A_237[0] : f32 from vector<1xf32>
      %mul3A_239 = vector.broadcast %squeeze3A_238 : f32 to vector<16xf32>
      %mul3A_240 = arith.mulf %gather3A_236, %mul3A_239 : vector<16xf32>
      %add3A_241 = arith.addf %add3A_233, %mul3A_240 : vector<16xf32>
      %broadcast_in_dim3A_242 = arith.constant 5 : i32
      %broadcast_in_dim3A_243 = vector.broadcast %broadcast_in_dim3A_242 : i32 to vector<16xi32>
      %gather3A_244 = tpu.vector_load_idx %arg10[%add3A_199, %broadcast_in_dim3A_243] : memref<1280x64xf32, #tpu.memory_space<vmem>>[vector<16xi32>, vector<16xi32>], vector<16xf32>,
      %slice3A_245 = vector.extract_strided_slice %get3A_133 {offsets = [5], sizes = [1], strides = [1]} : vector<16xf32> to vector<1xf32>
      %squeeze3A_246 = vector.extract %slice3A_245[0] : f32 from vector<1xf32>
      %mul3A_247 = vector.broadcast %squeeze3A_246 : f32 to vector<16xf32>
      %mul3A_248 = arith.mulf %gather3A_244, %mul3A_247 : vector<16xf32>
      %add3A_249 = arith.addf %add3A_241, %mul3A_248 : vector<16xf32>
      %broadcast_in_dim3A_250 = arith.constant 6 : i32
      %broadcast_in_dim3A_251 = vector.broadcast %broadcast_in_dim3A_250 : i32 to vector<16xi32>
      %gather3A_252 = tpu.vector_load_idx %arg10[%add3A_199, %broadcast_in_dim3A_251] : memref<1280x64xf32, #tpu.memory_space<vmem>>[vector<16xi32>, vector<16xi32>], vector<16xf32>,
      %slice3A_253 = vector.extract_strided_slice %get3A_133 {offsets = [6], sizes = [1], strides = [1]} : vector<16xf32> to vector<1xf32>
      %squeeze3A_254 = vector.extract %slice3A_253[0] : f32 from vector<1xf32>
      %mul3A_255 = vector.broadcast %squeeze3A_254 : f32 to vector<16xf32>
      %mul3A_256 = arith.mulf %gather3A_252, %mul3A_255 : vector<16xf32>
      %add3A_257 = arith.addf %add3A_249, %mul3A_256 : vector<16xf32>
      %broadcast_in_dim3A_258 = arith.constant 7 : i32
      %broadcast_in_dim3A_259 = vector.broadcast %broadcast_in_dim3A_258 : i32 to vector<16xi32>
      %gather3A_260 = tpu.vector_load_idx %arg10[%add3A_199, %broadcast_in_dim3A_259] : memref<1280x64xf32, #tpu.memory_space<vmem>>[vector<16xi32>, vector<16xi32>], vector<16xf32>,
      %slice3A_261 = vector.extract_strided_slice %get3A_133 {offsets = [7], sizes = [1], strides = [1]} : vector<16xf32> to vector<1xf32>
      %squeeze3A_262 = vector.extract %slice3A_261[0] : f32 from vector<1xf32>
      %mul3A_263 = vector.broadcast %squeeze3A_262 : f32 to vector<16xf32>
      %mul3A_264 = arith.mulf %gather3A_260, %mul3A_263 : vector<16xf32>
      %add3A_265 = arith.addf %add3A_257, %mul3A_264 : vector<16xf32>
      %broadcast_in_dim3A_266 = arith.constant 8 : i32
      %broadcast_in_dim3A_267 = vector.broadcast %broadcast_in_dim3A_266 : i32 to vector<16xi32>
      %gather3A_268 = tpu.vector_load_idx %arg10[%add3A_199, %broadcast_in_dim3A_267] : memref<1280x64xf32, #tpu.memory_space<vmem>>[vector<16xi32>, vector<16xi32>], vector<16xf32>,
      %slice3A_269 = vector.extract_strided_slice %get3A_133 {offsets = [8], sizes = [1], strides = [1]} : vector<16xf32> to vector<1xf32>
      %squeeze3A_270 = vector.extract %slice3A_269[0] : f32 from vector<1xf32>
      %mul3A_271 = vector.broadcast %squeeze3A_270 : f32 to vector<16xf32>
      %mul3A_272 = arith.mulf %gather3A_268, %mul3A_271 : vector<16xf32>
      %add3A_273 = arith.addf %add3A_265, %mul3A_272 : vector<16xf32>
      %broadcast_in_dim3A_274 = arith.constant 9 : i32
      %broadcast_in_dim3A_275 = vector.broadcast %broadcast_in_dim3A_274 : i32 to vector<16xi32>
      %gather3A_276 = tpu.vector_load_idx %arg10[%add3A_199, %broadcast_in_dim3A_275] : memref<1280x64xf32, #tpu.memory_space<vmem>>[vector<16xi32>, vector<16xi32>], vector<16xf32>,
      %slice3A_277 = vector.extract_strided_slice %get3A_133 {offsets = [9], sizes = [1], strides = [1]} : vector<16xf32> to vector<1xf32>
      %squeeze3A_278 = vector.extract %slice3A_277[0] : f32 from vector<1xf32>
      %mul3A_279 = vector.broadcast %squeeze3A_278 : f32 to vector<16xf32>
      %mul3A_280 = arith.mulf %gather3A_276, %mul3A_279 : vector<16xf32>
      %add3A_281 = arith.addf %add3A_273, %mul3A_280 : vector<16xf32>
      %broadcast_in_dim3A_282 = arith.constant 10 : i32
      %broadcast_in_dim3A_283 = vector.broadcast %broadcast_in_dim3A_282 : i32 to vector<16xi32>
      %gather3A_284 = tpu.vector_load_idx %arg10[%add3A_199, %broadcast_in_dim3A_283] : memref<1280x64xf32, #tpu.memory_space<vmem>>[vector<16xi32>, vector<16xi32>], vector<16xf32>,
      %slice3A_285 = vector.extract_strided_slice %get3A_133 {offsets = [10], sizes = [1], strides = [1]} : vector<16xf32> to vector<1xf32>
      %squeeze3A_286 = vector.extract %slice3A_285[0] : f32 from vector<1xf32>
      %mul3A_287 = vector.broadcast %squeeze3A_286 : f32 to vector<16xf32>
      %mul3A_288 = arith.mulf %gather3A_284, %mul3A_287 : vector<16xf32>
      %add3A_289 = arith.addf %add3A_281, %mul3A_288 : vector<16xf32>
      %broadcast_in_dim3A_290 = arith.constant 11 : i32
      %broadcast_in_dim3A_291 = vector.broadcast %broadcast_in_dim3A_290 : i32 to vector<16xi32>
      %gather3A_292 = tpu.vector_load_idx %arg10[%add3A_199, %broadcast_in_dim3A_291] : memref<1280x64xf32, #tpu.memory_space<vmem>>[vector<16xi32>, vector<16xi32>], vector<16xf32>,
      %slice3A_293 = vector.extract_strided_slice %get3A_133 {offsets = [11], sizes = [1], strides = [1]} : vector<16xf32> to vector<1xf32>
      %squeeze3A_294 = vector.extract %slice3A_293[0] : f32 from vector<1xf32>
      %mul3A_295 = vector.broadcast %squeeze3A_294 : f32 to vector<16xf32>
      %mul3A_296 = arith.mulf %gather3A_292, %mul3A_295 : vector<16xf32>
      %add3A_297 = arith.addf %add3A_289, %mul3A_296 : vector<16xf32>
      %broadcast_in_dim3A_298 = arith.constant 12 : i32
      %broadcast_in_dim3A_299 = vector.broadcast %broadcast_in_dim3A_298 : i32 to vector<16xi32>
      %gather3A_300 = tpu.vector_load_idx %arg10[%add3A_199, %broadcast_in_dim3A_299] : memref<1280x64xf32, #tpu.memory_space<vmem>>[vector<16xi32>, vector<16xi32>], vector<16xf32>,
      %slice3A_301 = vector.extract_strided_slice %get3A_133 {offsets = [12], sizes = [1], strides = [1]} : vector<16xf32> to vector<1xf32>
      %squeeze3A_302 = vector.extract %slice3A_301[0] : f32 from vector<1xf32>
      %mul3A_303 = vector.broadcast %squeeze3A_302 : f32 to vector<16xf32>
      %mul3A_304 = arith.mulf %gather3A_300, %mul3A_303 : vector<16xf32>
      %add3A_305 = arith.addf %add3A_297, %mul3A_304 : vector<16xf32>
      %broadcast_in_dim3A_306 = arith.constant 13 : i32
      %broadcast_in_dim3A_307 = vector.broadcast %broadcast_in_dim3A_306 : i32 to vector<16xi32>
      %gather3A_308 = tpu.vector_load_idx %arg10[%add3A_199, %broadcast_in_dim3A_307] : memref<1280x64xf32, #tpu.memory_space<vmem>>[vector<16xi32>, vector<16xi32>], vector<16xf32>,
      %slice3A_309 = vector.extract_strided_slice %get3A_133 {offsets = [13], sizes = [1], strides = [1]} : vector<16xf32> to vector<1xf32>
      %squeeze3A_310 = vector.extract %slice3A_309[0] : f32 from vector<1xf32>
      %mul3A_311 = vector.broadcast %squeeze3A_310 : f32 to vector<16xf32>
      %mul3A_312 = arith.mulf %gather3A_308, %mul3A_311 : vector<16xf32>
      %add3A_313 = arith.addf %add3A_305, %mul3A_312 : vector<16xf32>
      %broadcast_in_dim3A_314 = arith.constant 14 : i32
      %broadcast_in_dim3A_315 = vector.broadcast %broadcast_in_dim3A_314 : i32 to vector<16xi32>
      %gather3A_316 = tpu.vector_load_idx %arg10[%add3A_199, %broadcast_in_dim3A_315] : memref<1280x64xf32, #tpu.memory_space<vmem>>[vector<16xi32>, vector<16xi32>], vector<16xf32>,
      %slice3A_317 = vector.extract_strided_slice %get3A_133 {offsets = [14], sizes = [1], strides = [1]} : vector<16xf32> to vector<1xf32>
      %squeeze3A_318 = vector.extract %slice3A_317[0] : f32 from vector<1xf32>
      %mul3A_319 = vector.broadcast %squeeze3A_318 : f32 to vector<16xf32>
      %mul3A_320 = arith.mulf %gather3A_316, %mul3A_319 : vector<16xf32>
      %add3A_321 = arith.addf %add3A_313, %mul3A_320 : vector<16xf32>
      %broadcast_in_dim3A_322 = arith.constant 15 : i32
      %broadcast_in_dim3A_323 = vector.broadcast %broadcast_in_dim3A_322 : i32 to vector<16xi32>
      %gather3A_324 = tpu.vector_load_idx %arg10[%add3A_199, %broadcast_in_dim3A_323] : memref<1280x64xf32, #tpu.memory_space<vmem>>[vector<16xi32>, vector<16xi32>], vector<16xf32>,
      %slice3A_325 = vector.extract_strided_slice %get3A_133 {offsets = [15], sizes = [1], strides = [1]} : vector<16xf32> to vector<1xf32>
      %squeeze3A_326 = vector.extract %slice3A_325[0] : f32 from vector<1xf32>
      %mul3A_327 = vector.broadcast %squeeze3A_326 : f32 to vector<16xf32>
      %mul3A_328 = arith.mulf %gather3A_324, %mul3A_327 : vector<16xf32>
      %add3A_329 = arith.addf %add3A_321, %mul3A_328 : vector<16xf32>
      %broadcast_in_dim3A_330 = arith.constant 16 : i32
      %broadcast_in_dim3A_331 = vector.broadcast %broadcast_in_dim3A_330 : i32 to vector<16xi32>
      %gather3A_332 = tpu.vector_load_idx %arg10[%add3A_199, %broadcast_in_dim3A_331] : memref<1280x64xf32, #tpu.memory_space<vmem>>[vector<16xi32>, vector<16xi32>], vector<16xf32>,
      %slice3A_333 = vector.extract_strided_slice %get3A_135 {offsets = [0], sizes = [1], strides = [1]} : vector<16xf32> to vector<1xf32>
      %squeeze3A_334 = vector.extract %slice3A_333[0] : f32 from vector<1xf32>
      %mul3A_335 = vector.broadcast %squeeze3A_334 : f32 to vector<16xf32>
      %mul3A_336 = arith.mulf %gather3A_332, %mul3A_335 : vector<16xf32>
      %add3A_337 = arith.addf %add3A_329, %mul3A_336 : vector<16xf32>
      %broadcast_in_dim3A_338 = arith.constant 17 : i32
      %broadcast_in_dim3A_339 = vector.broadcast %broadcast_in_dim3A_338 : i32 to vector<16xi32>
      %gather3A_340 = tpu.vector_load_idx %arg10[%add3A_199, %broadcast_in_dim3A_339] : memref<1280x64xf32, #tpu.memory_space<vmem>>[vector<16xi32>, vector<16xi32>], vector<16xf32>,
      %slice3A_341 = vector.extract_strided_slice %get3A_135 {offsets = [1], sizes = [1], strides = [1]} : vector<16xf32> to vector<1xf32>
      %squeeze3A_342 = vector.extract %slice3A_341[0] : f32 from vector<1xf32>
      %mul3A_343 = vector.broadcast %squeeze3A_342 : f32 to vector<16xf32>
      %mul3A_344 = arith.mulf %gather3A_340, %mul3A_343 : vector<16xf32>
      %add3A_345 = arith.addf %add3A_337, %mul3A_344 : vector<16xf32>
      %broadcast_in_dim3A_346 = arith.constant 18 : i32
      %broadcast_in_dim3A_347 = vector.broadcast %broadcast_in_dim3A_346 : i32 to vector<16xi32>
      %gather3A_348 = tpu.vector_load_idx %arg10[%add3A_199, %broadcast_in_dim3A_347] : memref<1280x64xf32, #tpu.memory_space<vmem>>[vector<16xi32>, vector<16xi32>], vector<16xf32>,
      %slice3A_349 = vector.extract_strided_slice %get3A_135 {offsets = [2], sizes = [1], strides = [1]} : vector<16xf32> to vector<1xf32>
      %squeeze3A_350 = vector.extract %slice3A_349[0] : f32 from vector<1xf32>
      %mul3A_351 = vector.broadcast %squeeze3A_350 : f32 to vector<16xf32>
      %mul3A_352 = arith.mulf %gather3A_348, %mul3A_351 : vector<16xf32>
      %add3A_353 = arith.addf %add3A_345, %mul3A_352 : vector<16xf32>
      %broadcast_in_dim3A_354 = arith.constant 19 : i32
      %broadcast_in_dim3A_355 = vector.broadcast %broadcast_in_dim3A_354 : i32 to vector<16xi32>
      %gather3A_356 = tpu.vector_load_idx %arg10[%add3A_199, %broadcast_in_dim3A_355] : memref<1280x64xf32, #tpu.memory_space<vmem>>[vector<16xi32>, vector<16xi32>], vector<16xf32>,
      %slice3A_357 = vector.extract_strided_slice %get3A_135 {offsets = [3], sizes = [1], strides = [1]} : vector<16xf32> to vector<1xf32>
      %squeeze3A_358 = vector.extract %slice3A_357[0] : f32 from vector<1xf32>
      %mul3A_359 = vector.broadcast %squeeze3A_358 : f32 to vector<16xf32>
      %mul3A_360 = arith.mulf %gather3A_356, %mul3A_359 : vector<16xf32>
      %add3A_361 = arith.addf %add3A_353, %mul3A_360 : vector<16xf32>
      %broadcast_in_dim3A_362 = arith.constant 20 : i32
      %broadcast_in_dim3A_363 = vector.broadcast %broadcast_in_dim3A_362 : i32 to vector<16xi32>
      %gather3A_364 = tpu.vector_load_idx %arg10[%add3A_199, %broadcast_in_dim3A_363] : memref<1280x64xf32, #tpu.memory_space<vmem>>[vector<16xi32>, vector<16xi32>], vector<16xf32>,
      %slice3A_365 = vector.extract_strided_slice %get3A_135 {offsets = [4], sizes = [1], strides = [1]} : vector<16xf32> to vector<1xf32>
      %squeeze3A_366 = vector.extract %slice3A_365[0] : f32 from vector<1xf32>
      %mul3A_367 = vector.broadcast %squeeze3A_366 : f32 to vector<16xf32>
      %mul3A_368 = arith.mulf %gather3A_364, %mul3A_367 : vector<16xf32>
      %add3A_369 = arith.addf %add3A_361, %mul3A_368 : vector<16xf32>
      %broadcast_in_dim3A_370 = arith.constant 21 : i32
      %broadcast_in_dim3A_371 = vector.broadcast %broadcast_in_dim3A_370 : i32 to vector<16xi32>
      %gather3A_372 = tpu.vector_load_idx %arg10[%add3A_199, %broadcast_in_dim3A_371] : memref<1280x64xf32, #tpu.memory_space<vmem>>[vector<16xi32>, vector<16xi32>], vector<16xf32>,
      %slice3A_373 = vector.extract_strided_slice %get3A_135 {offsets = [5], sizes = [1], strides = [1]} : vector<16xf32> to vector<1xf32>
      %squeeze3A_374 = vector.extract %slice3A_373[0] : f32 from vector<1xf32>
      %mul3A_375 = vector.broadcast %squeeze3A_374 : f32 to vector<16xf32>
      %mul3A_376 = arith.mulf %gather3A_372, %mul3A_375 : vector<16xf32>
      %add3A_377 = arith.addf %add3A_369, %mul3A_376 : vector<16xf32>
      %broadcast_in_dim3A_378 = arith.constant 22 : i32
      %broadcast_in_dim3A_379 = vector.broadcast %broadcast_in_dim3A_378 : i32 to vector<16xi32>
      %gather3A_380 = tpu.vector_load_idx %arg10[%add3A_199, %broadcast_in_dim3A_379] : memref<1280x64xf32, #tpu.memory_space<vmem>>[vector<16xi32>, vector<16xi32>], vector<16xf32>,
      %slice3A_381 = vector.extract_strided_slice %get3A_135 {offsets = [6], sizes = [1], strides = [1]} : vector<16xf32> to vector<1xf32>
      %squeeze3A_382 = vector.extract %slice3A_381[0] : f32 from vector<1xf32>
      %mul3A_383 = vector.broadcast %squeeze3A_382 : f32 to vector<16xf32>
      %mul3A_384 = arith.mulf %gather3A_380, %mul3A_383 : vector<16xf32>
      %add3A_385 = arith.addf %add3A_377, %mul3A_384 : vector<16xf32>
      %broadcast_in_dim3A_386 = arith.constant 23 : i32
      %broadcast_in_dim3A_387 = vector.broadcast %broadcast_in_dim3A_386 : i32 to vector<16xi32>
      %gather3A_388 = tpu.vector_load_idx %arg10[%add3A_199, %broadcast_in_dim3A_387] : memref<1280x64xf32, #tpu.memory_space<vmem>>[vector<16xi32>, vector<16xi32>], vector<16xf32>,
      %slice3A_389 = vector.extract_strided_slice %get3A_135 {offsets = [7], sizes = [1], strides = [1]} : vector<16xf32> to vector<1xf32>
      %squeeze3A_390 = vector.extract %slice3A_389[0] : f32 from vector<1xf32>
      %mul3A_391 = vector.broadcast %squeeze3A_390 : f32 to vector<16xf32>
      %mul3A_392 = arith.mulf %gather3A_388, %mul3A_391 : vector<16xf32>
      %add3A_393 = arith.addf %add3A_385, %mul3A_392 : vector<16xf32>
      %broadcast_in_dim3A_394 = arith.constant 24 : i32
      %broadcast_in_dim3A_395 = vector.broadcast %broadcast_in_dim3A_394 : i32 to vector<16xi32>
      %gather3A_396 = tpu.vector_load_idx %arg10[%add3A_199, %broadcast_in_dim3A_395] : memref<1280x64xf32, #tpu.memory_space<vmem>>[vector<16xi32>, vector<16xi32>], vector<16xf32>,
      %slice3A_397 = vector.extract_strided_slice %get3A_135 {offsets = [8], sizes = [1], strides = [1]} : vector<16xf32> to vector<1xf32>
      %squeeze3A_398 = vector.extract %slice3A_397[0] : f32 from vector<1xf32>
      %mul3A_399 = vector.broadcast %squeeze3A_398 : f32 to vector<16xf32>
      %mul3A_400 = arith.mulf %gather3A_396, %mul3A_399 : vector<16xf32>
      %add3A_401 = arith.addf %add3A_393, %mul3A_400 : vector<16xf32>
      %broadcast_in_dim3A_402 = arith.constant 25 : i32
      %broadcast_in_dim3A_403 = vector.broadcast %broadcast_in_dim3A_402 : i32 to vector<16xi32>
      %gather3A_404 = tpu.vector_load_idx %arg10[%add3A_199, %broadcast_in_dim3A_403] : memref<1280x64xf32, #tpu.memory_space<vmem>>[vector<16xi32>, vector<16xi32>], vector<16xf32>,
      %slice3A_405 = vector.extract_strided_slice %get3A_135 {offsets = [9], sizes = [1], strides = [1]} : vector<16xf32> to vector<1xf32>
      %squeeze3A_406 = vector.extract %slice3A_405[0] : f32 from vector<1xf32>
      %mul3A_407 = vector.broadcast %squeeze3A_406 : f32 to vector<16xf32>
      %mul3A_408 = arith.mulf %gather3A_404, %mul3A_407 : vector<16xf32>
      %add3A_409 = arith.addf %add3A_401, %mul3A_408 : vector<16xf32>
      %broadcast_in_dim3A_410 = arith.constant 26 : i32
      %broadcast_in_dim3A_411 = vector.broadcast %broadcast_in_dim3A_410 : i32 to vector<16xi32>
      %gather3A_412 = tpu.vector_load_idx %arg10[%add3A_199, %broadcast_in_dim3A_411] : memref<1280x64xf32, #tpu.memory_space<vmem>>[vector<16xi32>, vector<16xi32>], vector<16xf32>,
      %slice3A_413 = vector.extract_strided_slice %get3A_135 {offsets = [10], sizes = [1], strides = [1]} : vector<16xf32> to vector<1xf32>
      %squeeze3A_414 = vector.extract %slice3A_413[0] : f32 from vector<1xf32>
      %mul3A_415 = vector.broadcast %squeeze3A_414 : f32 to vector<16xf32>
      %mul3A_416 = arith.mulf %gather3A_412, %mul3A_415 : vector<16xf32>
      %add3A_417 = arith.addf %add3A_409, %mul3A_416 : vector<16xf32>
      %broadcast_in_dim3A_418 = arith.constant 27 : i32
      %broadcast_in_dim3A_419 = vector.broadcast %broadcast_in_dim3A_418 : i32 to vector<16xi32>
      %gather3A_420 = tpu.vector_load_idx %arg10[%add3A_199, %broadcast_in_dim3A_419] : memref<1280x64xf32, #tpu.memory_space<vmem>>[vector<16xi32>, vector<16xi32>], vector<16xf32>,
      %slice3A_421 = vector.extract_strided_slice %get3A_135 {offsets = [11], sizes = [1], strides = [1]} : vector<16xf32> to vector<1xf32>
      %squeeze3A_422 = vector.extract %slice3A_421[0] : f32 from vector<1xf32>
      %mul3A_423 = vector.broadcast %squeeze3A_422 : f32 to vector<16xf32>
      %mul3A_424 = arith.mulf %gather3A_420, %mul3A_423 : vector<16xf32>
      %add3A_425 = arith.addf %add3A_417, %mul3A_424 : vector<16xf32>
      %broadcast_in_dim3A_426 = arith.constant 28 : i32
      %broadcast_in_dim3A_427 = vector.broadcast %broadcast_in_dim3A_426 : i32 to vector<16xi32>
      %gather3A_428 = tpu.vector_load_idx %arg10[%add3A_199, %broadcast_in_dim3A_427] : memref<1280x64xf32, #tpu.memory_space<vmem>>[vector<16xi32>, vector<16xi32>], vector<16xf32>,
      %slice3A_429 = vector.extract_strided_slice %get3A_135 {offsets = [12], sizes = [1], strides = [1]} : vector<16xf32> to vector<1xf32>
      %squeeze3A_430 = vector.extract %slice3A_429[0] : f32 from vector<1xf32>
      %mul3A_431 = vector.broadcast %squeeze3A_430 : f32 to vector<16xf32>
      %mul3A_432 = arith.mulf %gather3A_428, %mul3A_431 : vector<16xf32>
      %add3A_433 = arith.addf %add3A_425, %mul3A_432 : vector<16xf32>
      %broadcast_in_dim3A_434 = arith.constant 29 : i32
      %broadcast_in_dim3A_435 = vector.broadcast %broadcast_in_dim3A_434 : i32 to vector<16xi32>
      %gather3A_436 = tpu.vector_load_idx %arg10[%add3A_199, %broadcast_in_dim3A_435] : memref<1280x64xf32, #tpu.memory_space<vmem>>[vector<16xi32>, vector<16xi32>], vector<16xf32>,
      %slice3A_437 = vector.extract_strided_slice %get3A_135 {offsets = [13], sizes = [1], strides = [1]} : vector<16xf32> to vector<1xf32>
      %squeeze3A_438 = vector.extract %slice3A_437[0] : f32 from vector<1xf32>
      %mul3A_439 = vector.broadcast %squeeze3A_438 : f32 to vector<16xf32>
      %mul3A_440 = arith.mulf %gather3A_436, %mul3A_439 : vector<16xf32>
      %add3A_441 = arith.addf %add3A_433, %mul3A_440 : vector<16xf32>
      %broadcast_in_dim3A_442 = arith.constant 30 : i32
      %broadcast_in_dim3A_443 = vector.broadcast %broadcast_in_dim3A_442 : i32 to vector<16xi32>
      %gather3A_444 = tpu.vector_load_idx %arg10[%add3A_199, %broadcast_in_dim3A_443] : memref<1280x64xf32, #tpu.memory_space<vmem>>[vector<16xi32>, vector<16xi32>], vector<16xf32>,
      %slice3A_445 = vector.extract_strided_slice %get3A_135 {offsets = [14], sizes = [1], strides = [1]} : vector<16xf32> to vector<1xf32>
      %squeeze3A_446 = vector.extract %slice3A_445[0] : f32 from vector<1xf32>
      %mul3A_447 = vector.broadcast %squeeze3A_446 : f32 to vector<16xf32>
      %mul3A_448 = arith.mulf %gather3A_444, %mul3A_447 : vector<16xf32>
      %add3A_449 = arith.addf %add3A_441, %mul3A_448 : vector<16xf32>
      %broadcast_in_dim3A_450 = arith.constant 31 : i32
      %broadcast_in_dim3A_451 = vector.broadcast %broadcast_in_dim3A_450 : i32 to vector<16xi32>
      %gather3A_452 = tpu.vector_load_idx %arg10[%add3A_199, %broadcast_in_dim3A_451] : memref<1280x64xf32, #tpu.memory_space<vmem>>[vector<16xi32>, vector<16xi32>], vector<16xf32>,
      %slice3A_453 = vector.extract_strided_slice %get3A_135 {offsets = [15], sizes = [1], strides = [1]} : vector<16xf32> to vector<1xf32>
      %squeeze3A_454 = vector.extract %slice3A_453[0] : f32 from vector<1xf32>
      %mul3A_455 = vector.broadcast %squeeze3A_454 : f32 to vector<16xf32>
      %mul3A_456 = arith.mulf %gather3A_452, %mul3A_455 : vector<16xf32>
      %add3A_457 = arith.addf %add3A_449, %mul3A_456 : vector<16xf32>
      %broadcast_in_dim3A_458 = arith.constant 32 : i32
      %broadcast_in_dim3A_459 = vector.broadcast %broadcast_in_dim3A_458 : i32 to vector<16xi32>
      %gather3A_460 = tpu.vector_load_idx %arg10[%add3A_199, %broadcast_in_dim3A_459] : memref<1280x64xf32, #tpu.memory_space<vmem>>[vector<16xi32>, vector<16xi32>], vector<16xf32>,
      %slice3A_461 = vector.extract_strided_slice %get3A_137 {offsets = [0], sizes = [1], strides = [1]} : vector<16xf32> to vector<1xf32>
      %squeeze3A_462 = vector.extract %slice3A_461[0] : f32 from vector<1xf32>
      %mul3A_463 = vector.broadcast %squeeze3A_462 : f32 to vector<16xf32>
      %mul3A_464 = arith.mulf %gather3A_460, %mul3A_463 : vector<16xf32>
      %add3A_465 = arith.addf %add3A_457, %mul3A_464 : vector<16xf32>
      %broadcast_in_dim3A_466 = arith.constant 33 : i32
      %broadcast_in_dim3A_467 = vector.broadcast %broadcast_in_dim3A_466 : i32 to vector<16xi32>
      %gather3A_468 = tpu.vector_load_idx %arg10[%add3A_199, %broadcast_in_dim3A_467] : memref<1280x64xf32, #tpu.memory_space<vmem>>[vector<16xi32>, vector<16xi32>], vector<16xf32>,
      %slice3A_469 = vector.extract_strided_slice %get3A_137 {offsets = [1], sizes = [1], strides = [1]} : vector<16xf32> to vector<1xf32>
      %squeeze3A_470 = vector.extract %slice3A_469[0] : f32 from vector<1xf32>
      %mul3A_471 = vector.broadcast %squeeze3A_470 : f32 to vector<16xf32>
      %mul3A_472 = arith.mulf %gather3A_468, %mul3A_471 : vector<16xf32>
      %add3A_473 = arith.addf %add3A_465, %mul3A_472 : vector<16xf32>
      %broadcast_in_dim3A_474 = arith.constant 34 : i32
      %broadcast_in_dim3A_475 = vector.broadcast %broadcast_in_dim3A_474 : i32 to vector<16xi32>
      %gather3A_476 = tpu.vector_load_idx %arg10[%add3A_199, %broadcast_in_dim3A_475] : memref<1280x64xf32, #tpu.memory_space<vmem>>[vector<16xi32>, vector<16xi32>], vector<16xf32>,
      %slice3A_477 = vector.extract_strided_slice %get3A_137 {offsets = [2], sizes = [1], strides = [1]} : vector<16xf32> to vector<1xf32>
      %squeeze3A_478 = vector.extract %slice3A_477[0] : f32 from vector<1xf32>
      %mul3A_479 = vector.broadcast %squeeze3A_478 : f32 to vector<16xf32>
      %mul3A_480 = arith.mulf %gather3A_476, %mul3A_479 : vector<16xf32>
      %add3A_481 = arith.addf %add3A_473, %mul3A_480 : vector<16xf32>
      %broadcast_in_dim3A_482 = arith.constant 35 : i32
      %broadcast_in_dim3A_483 = vector.broadcast %broadcast_in_dim3A_482 : i32 to vector<16xi32>
      %gather3A_484 = tpu.vector_load_idx %arg10[%add3A_199, %broadcast_in_dim3A_483] : memref<1280x64xf32, #tpu.memory_space<vmem>>[vector<16xi32>, vector<16xi32>], vector<16xf32>,
      %slice3A_485 = vector.extract_strided_slice %get3A_137 {offsets = [3], sizes = [1], strides = [1]} : vector<16xf32> to vector<1xf32>
      %squeeze3A_486 = vector.extract %slice3A_485[0] : f32 from vector<1xf32>
      %mul3A_487 = vector.broadcast %squeeze3A_486 : f32 to vector<16xf32>
      %mul3A_488 = arith.mulf %gather3A_484, %mul3A_487 : vector<16xf32>
      %add3A_489 = arith.addf %add3A_481, %mul3A_488 : vector<16xf32>
      %broadcast_in_dim3A_490 = arith.constant 36 : i32
      %broadcast_in_dim3A_491 = vector.broadcast %broadcast_in_dim3A_490 : i32 to vector<16xi32>
      %gather3A_492 = tpu.vector_load_idx %arg10[%add3A_199, %broadcast_in_dim3A_491] : memref<1280x64xf32, #tpu.memory_space<vmem>>[vector<16xi32>, vector<16xi32>], vector<16xf32>,
      %slice3A_493 = vector.extract_strided_slice %get3A_137 {offsets = [4], sizes = [1], strides = [1]} : vector<16xf32> to vector<1xf32>
      %squeeze3A_494 = vector.extract %slice3A_493[0] : f32 from vector<1xf32>
      %mul3A_495 = vector.broadcast %squeeze3A_494 : f32 to vector<16xf32>
      %mul3A_496 = arith.mulf %gather3A_492, %mul3A_495 : vector<16xf32>
      %add3A_497 = arith.addf %add3A_489, %mul3A_496 : vector<16xf32>
      %broadcast_in_dim3A_498 = arith.constant 37 : i32
      %broadcast_in_dim3A_499 = vector.broadcast %broadcast_in_dim3A_498 : i32 to vector<16xi32>
      %gather3A_500 = tpu.vector_load_idx %arg10[%add3A_199, %broadcast_in_dim3A_499] : memref<1280x64xf32, #tpu.memory_space<vmem>>[vector<16xi32>, vector<16xi32>], vector<16xf32>,
      %slice3A_501 = vector.extract_strided_slice %get3A_137 {offsets = [5], sizes = [1], strides = [1]} : vector<16xf32> to vector<1xf32>
      %squeeze3A_502 = vector.extract %slice3A_501[0] : f32 from vector<1xf32>
      %mul3A_503 = vector.broadcast %squeeze3A_502 : f32 to vector<16xf32>
      %mul3A_504 = arith.mulf %gather3A_500, %mul3A_503 : vector<16xf32>
      %add3A_505 = arith.addf %add3A_497, %mul3A_504 : vector<16xf32>
      %broadcast_in_dim3A_506 = arith.constant 38 : i32
      %broadcast_in_dim3A_507 = vector.broadcast %broadcast_in_dim3A_506 : i32 to vector<16xi32>
      %gather3A_508 = tpu.vector_load_idx %arg10[%add3A_199, %broadcast_in_dim3A_507] : memref<1280x64xf32, #tpu.memory_space<vmem>>[vector<16xi32>, vector<16xi32>], vector<16xf32>,
      %slice3A_509 = vector.extract_strided_slice %get3A_137 {offsets = [6], sizes = [1], strides = [1]} : vector<16xf32> to vector<1xf32>
      %squeeze3A_510 = vector.extract %slice3A_509[0] : f32 from vector<1xf32>
      %mul3A_511 = vector.broadcast %squeeze3A_510 : f32 to vector<16xf32>
      %mul3A_512 = arith.mulf %gather3A_508, %mul3A_511 : vector<16xf32>
      %add3A_513 = arith.addf %add3A_505, %mul3A_512 : vector<16xf32>
      %broadcast_in_dim3A_514 = arith.constant 39 : i32
      %broadcast_in_dim3A_515 = vector.broadcast %broadcast_in_dim3A_514 : i32 to vector<16xi32>
      %gather3A_516 = tpu.vector_load_idx %arg10[%add3A_199, %broadcast_in_dim3A_515] : memref<1280x64xf32, #tpu.memory_space<vmem>>[vector<16xi32>, vector<16xi32>], vector<16xf32>,
      %slice3A_517 = vector.extract_strided_slice %get3A_137 {offsets = [7], sizes = [1], strides = [1]} : vector<16xf32> to vector<1xf32>
      %squeeze3A_518 = vector.extract %slice3A_517[0] : f32 from vector<1xf32>
      %mul3A_519 = vector.broadcast %squeeze3A_518 : f32 to vector<16xf32>
      %mul3A_520 = arith.mulf %gather3A_516, %mul3A_519 : vector<16xf32>
      %add3A_521 = arith.addf %add3A_513, %mul3A_520 : vector<16xf32>
      %broadcast_in_dim3A_522 = arith.constant 40 : i32
      %broadcast_in_dim3A_523 = vector.broadcast %broadcast_in_dim3A_522 : i32 to vector<16xi32>
      %gather3A_524 = tpu.vector_load_idx %arg10[%add3A_199, %broadcast_in_dim3A_523] : memref<1280x64xf32, #tpu.memory_space<vmem>>[vector<16xi32>, vector<16xi32>], vector<16xf32>,
      %slice3A_525 = vector.extract_strided_slice %get3A_137 {offsets = [8], sizes = [1], strides = [1]} : vector<16xf32> to vector<1xf32>
      %squeeze3A_526 = vector.extract %slice3A_525[0] : f32 from vector<1xf32>
      %mul3A_527 = vector.broadcast %squeeze3A_526 : f32 to vector<16xf32>
      %mul3A_528 = arith.mulf %gather3A_524, %mul3A_527 : vector<16xf32>
      %add3A_529 = arith.addf %add3A_521, %mul3A_528 : vector<16xf32>
      %broadcast_in_dim3A_530 = arith.constant 41 : i32
      %broadcast_in_dim3A_531 = vector.broadcast %broadcast_in_dim3A_530 : i32 to vector<16xi32>
      %gather3A_532 = tpu.vector_load_idx %arg10[%add3A_199, %broadcast_in_dim3A_531] : memref<1280x64xf32, #tpu.memory_space<vmem>>[vector<16xi32>, vector<16xi32>], vector<16xf32>,
      %slice3A_533 = vector.extract_strided_slice %get3A_137 {offsets = [9], sizes = [1], strides = [1]} : vector<16xf32> to vector<1xf32>
      %squeeze3A_534 = vector.extract %slice3A_533[0] : f32 from vector<1xf32>
      %mul3A_535 = vector.broadcast %squeeze3A_534 : f32 to vector<16xf32>
      %mul3A_536 = arith.mulf %gather3A_532, %mul3A_535 : vector<16xf32>
      %add3A_537 = arith.addf %add3A_529, %mul3A_536 : vector<16xf32>
      %broadcast_in_dim3A_538 = arith.constant 42 : i32
      %broadcast_in_dim3A_539 = vector.broadcast %broadcast_in_dim3A_538 : i32 to vector<16xi32>
      %gather3A_540 = tpu.vector_load_idx %arg10[%add3A_199, %broadcast_in_dim3A_539] : memref<1280x64xf32, #tpu.memory_space<vmem>>[vector<16xi32>, vector<16xi32>], vector<16xf32>,
      %slice3A_541 = vector.extract_strided_slice %get3A_137 {offsets = [10], sizes = [1], strides = [1]} : vector<16xf32> to vector<1xf32>
      %squeeze3A_542 = vector.extract %slice3A_541[0] : f32 from vector<1xf32>
      %mul3A_543 = vector.broadcast %squeeze3A_542 : f32 to vector<16xf32>
      %mul3A_544 = arith.mulf %gather3A_540, %mul3A_543 : vector<16xf32>
      %add3A_545 = arith.addf %add3A_537, %mul3A_544 : vector<16xf32>
      %broadcast_in_dim3A_546 = arith.constant 43 : i32
      %broadcast_in_dim3A_547 = vector.broadcast %broadcast_in_dim3A_546 : i32 to vector<16xi32>
      %gather3A_548 = tpu.vector_load_idx %arg10[%add3A_199, %broadcast_in_dim3A_547] : memref<1280x64xf32, #tpu.memory_space<vmem>>[vector<16xi32>, vector<16xi32>], vector<16xf32>,
      %slice3A_549 = vector.extract_strided_slice %get3A_137 {offsets = [11], sizes = [1], strides = [1]} : vector<16xf32> to vector<1xf32>
      %squeeze3A_550 = vector.extract %slice3A_549[0] : f32 from vector<1xf32>
      %mul3A_551 = vector.broadcast %squeeze3A_550 : f32 to vector<16xf32>
      %mul3A_552 = arith.mulf %gather3A_548, %mul3A_551 : vector<16xf32>
      %add3A_553 = arith.addf %add3A_545, %mul3A_552 : vector<16xf32>
      %broadcast_in_dim3A_554 = arith.constant 44 : i32
      %broadcast_in_dim3A_555 = vector.broadcast %broadcast_in_dim3A_554 : i32 to vector<16xi32>
      %gather3A_556 = tpu.vector_load_idx %arg10[%add3A_199, %broadcast_in_dim3A_555] : memref<1280x64xf32, #tpu.memory_space<vmem>>[vector<16xi32>, vector<16xi32>], vector<16xf32>,
      %slice3A_557 = vector.extract_strided_slice %get3A_137 {offsets = [12], sizes = [1], strides = [1]} : vector<16xf32> to vector<1xf32>
      %squeeze3A_558 = vector.extract %slice3A_557[0] : f32 from vector<1xf32>
      %mul3A_559 = vector.broadcast %squeeze3A_558 : f32 to vector<16xf32>
      %mul3A_560 = arith.mulf %gather3A_556, %mul3A_559 : vector<16xf32>
      %add3A_561 = arith.addf %add3A_553, %mul3A_560 : vector<16xf32>
      %broadcast_in_dim3A_562 = arith.constant 45 : i32
      %broadcast_in_dim3A_563 = vector.broadcast %broadcast_in_dim3A_562 : i32 to vector<16xi32>
      %gather3A_564 = tpu.vector_load_idx %arg10[%add3A_199, %broadcast_in_dim3A_563] : memref<1280x64xf32, #tpu.memory_space<vmem>>[vector<16xi32>, vector<16xi32>], vector<16xf32>,
      %slice3A_565 = vector.extract_strided_slice %get3A_137 {offsets = [13], sizes = [1], strides = [1]} : vector<16xf32> to vector<1xf32>
      %squeeze3A_566 = vector.extract %slice3A_565[0] : f32 from vector<1xf32>
      %mul3A_567 = vector.broadcast %squeeze3A_566 : f32 to vector<16xf32>
      %mul3A_568 = arith.mulf %gather3A_564, %mul3A_567 : vector<16xf32>
      %add3A_569 = arith.addf %add3A_561, %mul3A_568 : vector<16xf32>
      %broadcast_in_dim3A_570 = arith.constant 46 : i32
      %broadcast_in_dim3A_571 = vector.broadcast %broadcast_in_dim3A_570 : i32 to vector<16xi32>
      %gather3A_572 = tpu.vector_load_idx %arg10[%add3A_199, %broadcast_in_dim3A_571] : memref<1280x64xf32, #tpu.memory_space<vmem>>[vector<16xi32>, vector<16xi32>], vector<16xf32>,
      %slice3A_573 = vector.extract_strided_slice %get3A_137 {offsets = [14], sizes = [1], strides = [1]} : vector<16xf32> to vector<1xf32>
      %squeeze3A_574 = vector.extract %slice3A_573[0] : f32 from vector<1xf32>
      %mul3A_575 = vector.broadcast %squeeze3A_574 : f32 to vector<16xf32>
      %mul3A_576 = arith.mulf %gather3A_572, %mul3A_575 : vector<16xf32>
      %add3A_577 = arith.addf %add3A_569, %mul3A_576 : vector<16xf32>
      %broadcast_in_dim3A_578 = arith.constant 47 : i32
      %broadcast_in_dim3A_579 = vector.broadcast %broadcast_in_dim3A_578 : i32 to vector<16xi32>
      %gather3A_580 = tpu.vector_load_idx %arg10[%add3A_199, %broadcast_in_dim3A_579] : memref<1280x64xf32, #tpu.memory_space<vmem>>[vector<16xi32>, vector<16xi32>], vector<16xf32>,
      %slice3A_581 = vector.extract_strided_slice %get3A_137 {offsets = [15], sizes = [1], strides = [1]} : vector<16xf32> to vector<1xf32>
      %squeeze3A_582 = vector.extract %slice3A_581[0] : f32 from vector<1xf32>
      %mul3A_583 = vector.broadcast %squeeze3A_582 : f32 to vector<16xf32>
      %mul3A_584 = arith.mulf %gather3A_580, %mul3A_583 : vector<16xf32>
      %add3A_585 = arith.addf %add3A_577, %mul3A_584 : vector<16xf32>
      %broadcast_in_dim3A_586 = arith.constant 48 : i32
      %broadcast_in_dim3A_587 = vector.broadcast %broadcast_in_dim3A_586 : i32 to vector<16xi32>
      %gather3A_588 = tpu.vector_load_idx %arg10[%add3A_199, %broadcast_in_dim3A_587] : memref<1280x64xf32, #tpu.memory_space<vmem>>[vector<16xi32>, vector<16xi32>], vector<16xf32>,
      %slice3A_589 = vector.extract_strided_slice %get3A_139 {offsets = [0], sizes = [1], strides = [1]} : vector<16xf32> to vector<1xf32>
      %squeeze3A_590 = vector.extract %slice3A_589[0] : f32 from vector<1xf32>
      %mul3A_591 = vector.broadcast %squeeze3A_590 : f32 to vector<16xf32>
      %mul3A_592 = arith.mulf %gather3A_588, %mul3A_591 : vector<16xf32>
      %add3A_593 = arith.addf %add3A_585, %mul3A_592 : vector<16xf32>
      %broadcast_in_dim3A_594 = arith.constant 49 : i32
      %broadcast_in_dim3A_595 = vector.broadcast %broadcast_in_dim3A_594 : i32 to vector<16xi32>
      %gather3A_596 = tpu.vector_load_idx %arg10[%add3A_199, %broadcast_in_dim3A_595] : memref<1280x64xf32, #tpu.memory_space<vmem>>[vector<16xi32>, vector<16xi32>], vector<16xf32>,
      %slice3A_597 = vector.extract_strided_slice %get3A_139 {offsets = [1], sizes = [1], strides = [1]} : vector<16xf32> to vector<1xf32>
      %squeeze3A_598 = vector.extract %slice3A_597[0] : f32 from vector<1xf32>
      %mul3A_599 = vector.broadcast %squeeze3A_598 : f32 to vector<16xf32>
      %mul3A_600 = arith.mulf %gather3A_596, %mul3A_599 : vector<16xf32>
      %add3A_601 = arith.addf %add3A_593, %mul3A_600 : vector<16xf32>
      %broadcast_in_dim3A_602 = arith.constant 50 : i32
      %broadcast_in_dim3A_603 = vector.broadcast %broadcast_in_dim3A_602 : i32 to vector<16xi32>
      %gather3A_604 = tpu.vector_load_idx %arg10[%add3A_199, %broadcast_in_dim3A_603] : memref<1280x64xf32, #tpu.memory_space<vmem>>[vector<16xi32>, vector<16xi32>], vector<16xf32>,
      %slice3A_605 = vector.extract_strided_slice %get3A_139 {offsets = [2], sizes = [1], strides = [1]} : vector<16xf32> to vector<1xf32>
      %squeeze3A_606 = vector.extract %slice3A_605[0] : f32 from vector<1xf32>
      %mul3A_607 = vector.broadcast %squeeze3A_606 : f32 to vector<16xf32>
      %mul3A_608 = arith.mulf %gather3A_604, %mul3A_607 : vector<16xf32>
      %add3A_609 = arith.addf %add3A_601, %mul3A_608 : vector<16xf32>
      %broadcast_in_dim3A_610 = arith.constant 51 : i32
      %broadcast_in_dim3A_611 = vector.broadcast %broadcast_in_dim3A_610 : i32 to vector<16xi32>
      %gather3A_612 = tpu.vector_load_idx %arg10[%add3A_199, %broadcast_in_dim3A_611] : memref<1280x64xf32, #tpu.memory_space<vmem>>[vector<16xi32>, vector<16xi32>], vector<16xf32>,
      %slice3A_613 = vector.extract_strided_slice %get3A_139 {offsets = [3], sizes = [1], strides = [1]} : vector<16xf32> to vector<1xf32>
      %squeeze3A_614 = vector.extract %slice3A_613[0] : f32 from vector<1xf32>
      %mul3A_615 = vector.broadcast %squeeze3A_614 : f32 to vector<16xf32>
      %mul3A_616 = arith.mulf %gather3A_612, %mul3A_615 : vector<16xf32>
      %add3A_617 = arith.addf %add3A_609, %mul3A_616 : vector<16xf32>
      %broadcast_in_dim3A_618 = arith.constant 52 : i32
      %broadcast_in_dim3A_619 = vector.broadcast %broadcast_in_dim3A_618 : i32 to vector<16xi32>
      %gather3A_620 = tpu.vector_load_idx %arg10[%add3A_199, %broadcast_in_dim3A_619] : memref<1280x64xf32, #tpu.memory_space<vmem>>[vector<16xi32>, vector<16xi32>], vector<16xf32>,
      %slice3A_621 = vector.extract_strided_slice %get3A_139 {offsets = [4], sizes = [1], strides = [1]} : vector<16xf32> to vector<1xf32>
      %squeeze3A_622 = vector.extract %slice3A_621[0] : f32 from vector<1xf32>
      %mul3A_623 = vector.broadcast %squeeze3A_622 : f32 to vector<16xf32>
      %mul3A_624 = arith.mulf %gather3A_620, %mul3A_623 : vector<16xf32>
      %add3A_625 = arith.addf %add3A_617, %mul3A_624 : vector<16xf32>
      %broadcast_in_dim3A_626 = arith.constant 53 : i32
      %broadcast_in_dim3A_627 = vector.broadcast %broadcast_in_dim3A_626 : i32 to vector<16xi32>
      %gather3A_628 = tpu.vector_load_idx %arg10[%add3A_199, %broadcast_in_dim3A_627] : memref<1280x64xf32, #tpu.memory_space<vmem>>[vector<16xi32>, vector<16xi32>], vector<16xf32>,
      %slice3A_629 = vector.extract_strided_slice %get3A_139 {offsets = [5], sizes = [1], strides = [1]} : vector<16xf32> to vector<1xf32>
      %squeeze3A_630 = vector.extract %slice3A_629[0] : f32 from vector<1xf32>
      %mul3A_631 = vector.broadcast %squeeze3A_630 : f32 to vector<16xf32>
      %mul3A_632 = arith.mulf %gather3A_628, %mul3A_631 : vector<16xf32>
      %add3A_633 = arith.addf %add3A_625, %mul3A_632 : vector<16xf32>
      %broadcast_in_dim3A_634 = arith.constant 54 : i32
      %broadcast_in_dim3A_635 = vector.broadcast %broadcast_in_dim3A_634 : i32 to vector<16xi32>
      %gather3A_636 = tpu.vector_load_idx %arg10[%add3A_199, %broadcast_in_dim3A_635] : memref<1280x64xf32, #tpu.memory_space<vmem>>[vector<16xi32>, vector<16xi32>], vector<16xf32>,
      %slice3A_637 = vector.extract_strided_slice %get3A_139 {offsets = [6], sizes = [1], strides = [1]} : vector<16xf32> to vector<1xf32>
      %squeeze3A_638 = vector.extract %slice3A_637[0] : f32 from vector<1xf32>
      %mul3A_639 = vector.broadcast %squeeze3A_638 : f32 to vector<16xf32>
      %mul3A_640 = arith.mulf %gather3A_636, %mul3A_639 : vector<16xf32>
      %add3A_641 = arith.addf %add3A_633, %mul3A_640 : vector<16xf32>
      %broadcast_in_dim3A_642 = arith.constant 55 : i32
      %broadcast_in_dim3A_643 = vector.broadcast %broadcast_in_dim3A_642 : i32 to vector<16xi32>
      %gather3A_644 = tpu.vector_load_idx %arg10[%add3A_199, %broadcast_in_dim3A_643] : memref<1280x64xf32, #tpu.memory_space<vmem>>[vector<16xi32>, vector<16xi32>], vector<16xf32>,
      %slice3A_645 = vector.extract_strided_slice %get3A_139 {offsets = [7], sizes = [1], strides = [1]} : vector<16xf32> to vector<1xf32>
      %squeeze3A_646 = vector.extract %slice3A_645[0] : f32 from vector<1xf32>
      %mul3A_647 = vector.broadcast %squeeze3A_646 : f32 to vector<16xf32>
      %mul3A_648 = arith.mulf %gather3A_644, %mul3A_647 : vector<16xf32>
      %add3A_649 = arith.addf %add3A_641, %mul3A_648 : vector<16xf32>
      %broadcast_in_dim3A_650 = arith.constant 56 : i32
      %broadcast_in_dim3A_651 = vector.broadcast %broadcast_in_dim3A_650 : i32 to vector<16xi32>
      %gather3A_652 = tpu.vector_load_idx %arg10[%add3A_199, %broadcast_in_dim3A_651] : memref<1280x64xf32, #tpu.memory_space<vmem>>[vector<16xi32>, vector<16xi32>], vector<16xf32>,
      %slice3A_653 = vector.extract_strided_slice %get3A_139 {offsets = [8], sizes = [1], strides = [1]} : vector<16xf32> to vector<1xf32>
      %squeeze3A_654 = vector.extract %slice3A_653[0] : f32 from vector<1xf32>
      %mul3A_655 = vector.broadcast %squeeze3A_654 : f32 to vector<16xf32>
      %mul3A_656 = arith.mulf %gather3A_652, %mul3A_655 : vector<16xf32>
      %add3A_657 = arith.addf %add3A_649, %mul3A_656 : vector<16xf32>
      %broadcast_in_dim3A_658 = arith.constant 57 : i32
      %broadcast_in_dim3A_659 = vector.broadcast %broadcast_in_dim3A_658 : i32 to vector<16xi32>
      %gather3A_660 = tpu.vector_load_idx %arg10[%add3A_199, %broadcast_in_dim3A_659] : memref<1280x64xf32, #tpu.memory_space<vmem>>[vector<16xi32>, vector<16xi32>], vector<16xf32>,
      %slice3A_661 = vector.extract_strided_slice %get3A_139 {offsets = [9], sizes = [1], strides = [1]} : vector<16xf32> to vector<1xf32>
      %squeeze3A_662 = vector.extract %slice3A_661[0] : f32 from vector<1xf32>
      %mul3A_663 = vector.broadcast %squeeze3A_662 : f32 to vector<16xf32>
      %mul3A_664 = arith.mulf %gather3A_660, %mul3A_663 : vector<16xf32>
      %add3A_665 = arith.addf %add3A_657, %mul3A_664 : vector<16xf32>
      %broadcast_in_dim3A_666 = arith.constant 58 : i32
      %broadcast_in_dim3A_667 = vector.broadcast %broadcast_in_dim3A_666 : i32 to vector<16xi32>
      %gather3A_668 = tpu.vector_load_idx %arg10[%add3A_199, %broadcast_in_dim3A_667] : memref<1280x64xf32, #tpu.memory_space<vmem>>[vector<16xi32>, vector<16xi32>], vector<16xf32>,
      %slice3A_669 = vector.extract_strided_slice %get3A_139 {offsets = [10], sizes = [1], strides = [1]} : vector<16xf32> to vector<1xf32>
      %squeeze3A_670 = vector.extract %slice3A_669[0] : f32 from vector<1xf32>
      %mul3A_671 = vector.broadcast %squeeze3A_670 : f32 to vector<16xf32>
      %mul3A_672 = arith.mulf %gather3A_668, %mul3A_671 : vector<16xf32>
      %add3A_673 = arith.addf %add3A_665, %mul3A_672 : vector<16xf32>
      %broadcast_in_dim3A_674 = arith.constant 59 : i32
      %broadcast_in_dim3A_675 = vector.broadcast %broadcast_in_dim3A_674 : i32 to vector<16xi32>
      %gather3A_676 = tpu.vector_load_idx %arg10[%add3A_199, %broadcast_in_dim3A_675] : memref<1280x64xf32, #tpu.memory_space<vmem>>[vector<16xi32>, vector<16xi32>], vector<16xf32>,
      %slice3A_677 = vector.extract_strided_slice %get3A_139 {offsets = [11], sizes = [1], strides = [1]} : vector<16xf32> to vector<1xf32>
      %squeeze3A_678 = vector.extract %slice3A_677[0] : f32 from vector<1xf32>
      %mul3A_679 = vector.broadcast %squeeze3A_678 : f32 to vector<16xf32>
      %mul3A_680 = arith.mulf %gather3A_676, %mul3A_679 : vector<16xf32>
      %add3A_681 = arith.addf %add3A_673, %mul3A_680 : vector<16xf32>
      %broadcast_in_dim3A_682 = arith.constant 60 : i32
      %broadcast_in_dim3A_683 = vector.broadcast %broadcast_in_dim3A_682 : i32 to vector<16xi32>
      %gather3A_684 = tpu.vector_load_idx %arg10[%add3A_199, %broadcast_in_dim3A_683] : memref<1280x64xf32, #tpu.memory_space<vmem>>[vector<16xi32>, vector<16xi32>], vector<16xf32>,
      %slice3A_685 = vector.extract_strided_slice %get3A_139 {offsets = [12], sizes = [1], strides = [1]} : vector<16xf32> to vector<1xf32>
      %squeeze3A_686 = vector.extract %slice3A_685[0] : f32 from vector<1xf32>
      %mul3A_687 = vector.broadcast %squeeze3A_686 : f32 to vector<16xf32>
      %mul3A_688 = arith.mulf %gather3A_684, %mul3A_687 : vector<16xf32>
      %add3A_689 = arith.addf %add3A_681, %mul3A_688 : vector<16xf32>
      %broadcast_in_dim3A_690 = arith.constant 61 : i32
      %broadcast_in_dim3A_691 = vector.broadcast %broadcast_in_dim3A_690 : i32 to vector<16xi32>
      %gather3A_692 = tpu.vector_load_idx %arg10[%add3A_199, %broadcast_in_dim3A_691] : memref<1280x64xf32, #tpu.memory_space<vmem>>[vector<16xi32>, vector<16xi32>], vector<16xf32>,
      %slice3A_693 = vector.extract_strided_slice %get3A_139 {offsets = [13], sizes = [1], strides = [1]} : vector<16xf32> to vector<1xf32>
      %squeeze3A_694 = vector.extract %slice3A_693[0] : f32 from vector<1xf32>
      %mul3A_695 = vector.broadcast %squeeze3A_694 : f32 to vector<16xf32>
      %mul3A_696 = arith.mulf %gather3A_692, %mul3A_695 : vector<16xf32>
      %add3A_697 = arith.addf %add3A_689, %mul3A_696 : vector<16xf32>
      %broadcast_in_dim3A_698 = arith.constant 62 : i32
      %broadcast_in_dim3A_699 = vector.broadcast %broadcast_in_dim3A_698 : i32 to vector<16xi32>
      %gather3A_700 = tpu.vector_load_idx %arg10[%add3A_199, %broadcast_in_dim3A_699] : memref<1280x64xf32, #tpu.memory_space<vmem>>[vector<16xi32>, vector<16xi32>], vector<16xf32>,
      %slice3A_701 = vector.extract_strided_slice %get3A_139 {offsets = [14], sizes = [1], strides = [1]} : vector<16xf32> to vector<1xf32>
      %squeeze3A_702 = vector.extract %slice3A_701[0] : f32 from vector<1xf32>
      %mul3A_703 = vector.broadcast %squeeze3A_702 : f32 to vector<16xf32>
      %mul3A_704 = arith.mulf %gather3A_700, %mul3A_703 : vector<16xf32>
      %add3A_705 = arith.addf %add3A_697, %mul3A_704 : vector<16xf32>
      %broadcast_in_dim3A_706 = arith.constant 63 : i32
      %broadcast_in_dim3A_707 = vector.broadcast %broadcast_in_dim3A_706 : i32 to vector<16xi32>
      %gather3A_708 = tpu.vector_load_idx %arg10[%add3A_199, %broadcast_in_dim3A_707] : memref<1280x64xf32, #tpu.memory_space<vmem>>[vector<16xi32>, vector<16xi32>], vector<16xf32>,
      %slice3A_709 = vector.extract_strided_slice %get3A_139 {offsets = [15], sizes = [1], strides = [1]} : vector<16xf32> to vector<1xf32>
      %squeeze3A_710 = vector.extract %slice3A_709[0] : f32 from vector<1xf32>
      %mul3A_711 = vector.broadcast %squeeze3A_710 : f32 to vector<16xf32>
      %mul3A_712 = arith.mulf %gather3A_708, %mul3A_711 : vector<16xf32>
      %add3A_713 = arith.addf %add3A_705, %mul3A_712 : vector<16xf32>
      %mul3A_714 = arith.constant 16 : i32
      %mul3A_715 = arith.muli %select_n3A_192, %mul3A_714 : i32
      %add3A_716 = arith.addi %min3A_195, %mul3A_715 : i32
      %iota3A_717 = tpu.iota {dimensions = array<i32: 0>} : vector<16xi32>
      %add3A_718 = vector.broadcast %add3A_716 : i32 to vector<16xi32>
      %add3A_719 = arith.addi %add3A_718, %iota3A_717 : vector<16xi32>
      %mul3A_720 = arith.constant 128 : i32
      %mul3A_721 = arith.muli %squeeze3A, %mul3A_720 : i32
      %ge3A = vector.broadcast %mul3A_721 : i32 to vector<16xi32>
      %ge3A_722 = arith.cmpi sge, %add3A_719, %ge3A : vector<16xi32>
      %jit3A_723 = arith.constant 0xFF800000 : f32
      %broadcast_in_dim3A_724 = vector.broadcast %jit3A_723 : f32 to vector<16xf32>
      %select_n3A_725 = arith.select %ge3A_722, %add3A_713, %broadcast_in_dim3A_724 : vector<16xi1>, vector<16xf32>
      %swap3A_726 = arith.index_cast %mul3A_197 : i32 to index
      %swap3A_727 = tpu.vector_load %arg11[%swap3A_726] {strides = array<i32>} : memref<1280xf32, #tpu.memory_space<vmem>>, vector<16xf32>,
      tpu.vector_store %arg11[%swap3A_726], %select_n3A_725 {strides = array<i32>} : memref<1280xf32, #tpu.memory_space<vmem>>, vector<16xf32>,
      %scan3A_728 = arith.constant 0 : i32
      scf.yield %scan3A_728 : i32
    }
    %scan3A_146 = arith.constant 80 : i32
    %scan3A_147 = arith.constant 0.000000e+00 : f32
    %scan3A_148 = arith.constant 0 : i32
    %scan3A_149 = arith.constant 10 : i32
    %scan3A_150 = arith.addi %scan3A_148, %scan3A_149 : i32
    %scan3A_151 = arith.constant 1 : i32
    %scan3A_152 = scf.for %scan3A_161 = %scan3A_148 to %scan3A_150 step %scan3A_151 iter_args(%scan3A_162 = %scan3A_147) -> (f32)  : i32 {
      %broadcast_in_dim3A = arith.constant 0xFF800000 : f32
      %broadcast_in_dim3A_163 = vector.broadcast %broadcast_in_dim3A : f32 to vector<16xf32>
      %scan3A_164 = arith.constant 0 : i32
      %scan3A_165 = arith.constant 20 : i32
      %scan3A_166 = arith.addi %scan3A_164, %scan3A_165 : i32
      %scan3A_167 = arith.constant 1 : i32
      %scan3A_168 = scf.for %scan3A_225 = %scan3A_164 to %scan3A_166 step %scan3A_167 iter_args(%scan3A_226 = %broadcast_in_dim3A_163) -> (vector<16xf32>)  : i32 {
        %mul3A_227 = arith.constant 4 : i32
        %mul3A_228 = arith.muli %scan3A_225, %mul3A_227 : i32
        %add3A_229 = arith.constant 0 : i32
        %add3A_230 = arith.addi %mul3A_228, %add3A_229 : i32
        %mul3A_231 = arith.constant 16 : i32
        %mul3A_232 = arith.muli %add3A_230, %mul3A_231 : i32
        %get3A_233 = arith.index_cast %mul3A_232 : i32 to index
        %get3A_234 = tpu.vector_load %arg11[%get3A_233] {strides = array<i32>} : memref<1280xf32, #tpu.memory_space<vmem>>, vector<16xf32>,
        %max3A = arith.maximumf %scan3A_226, %get3A_234 : vector<16xf32>
        %mul3A_235 = arith.constant 4 : i32
        %mul3A_236 = arith.muli %scan3A_225, %mul3A_235 : i32
        %add3A_237 = arith.constant 1 : i32
        %add3A_238 = arith.addi %mul3A_236, %add3A_237 : i32
        %mul3A_239 = arith.constant 16 : i32
        %mul3A_240 = arith.muli %add3A_238, %mul3A_239 : i32
        %get3A_241 = arith.index_cast %mul3A_240 : i32 to index
        %get3A_242 = tpu.vector_load %arg11[%get3A_241] {strides = array<i32>} : memref<1280xf32, #tpu.memory_space<vmem>>, vector<16xf32>,
        %max3A_243 = arith.maximumf %max3A, %get3A_242 : vector<16xf32>
        %mul3A_244 = arith.constant 4 : i32
        %mul3A_245 = arith.muli %scan3A_225, %mul3A_244 : i32
        %add3A_246 = arith.constant 2 : i32
        %add3A_247 = arith.addi %mul3A_245, %add3A_246 : i32
        %mul3A_248 = arith.constant 16 : i32
        %mul3A_249 = arith.muli %add3A_247, %mul3A_248 : i32
        %get3A_250 = arith.index_cast %mul3A_249 : i32 to index
        %get3A_251 = tpu.vector_load %arg11[%get3A_250] {strides = array<i32>} : memref<1280xf32, #tpu.memory_space<vmem>>, vector<16xf32>,
        %max3A_252 = arith.maximumf %max3A_243, %get3A_251 : vector<16xf32>
        %mul3A_253 = arith.constant 4 : i32
        %mul3A_254 = arith.muli %scan3A_225, %mul3A_253 : i32
        %add3A_255 = arith.constant 3 : i32
        %add3A_256 = arith.addi %mul3A_254, %add3A_255 : i32
        %mul3A_257 = arith.constant 16 : i32
        %mul3A_258 = arith.muli %add3A_256, %mul3A_257 : i32
        %get3A_259 = arith.index_cast %mul3A_258 : i32 to index
        %get3A_260 = tpu.vector_load %arg11[%get3A_259] {strides = array<i32>} : memref<1280xf32, #tpu.memory_space<vmem>>, vector<16xf32>,
        %max3A_261 = arith.maximumf %max3A_252, %get3A_260 : vector<16xf32>
        scf.yield %max3A_261 : vector<16xf32>
      }
      %scan3A_169 = arith.constant 20 : i32
      %reduce_max3A = arith.constant true
      %reduce_max3A_170 = vector.broadcast %reduce_max3A : i1 to vector<16xi1>
      %reduce_max3A_171 = tpu.scan <max>, %scan3A_168 masked %reduce_max3A_170 : vector<16xf32>, vector<16xi1> -> vector<16xf32>
      %reduce_max3A_172 = vector.extract %reduce_max3A_171[15] : f32 from vector<16xf32>
      %scan3A_173 = arith.constant 1280 : i32
      %scan3A_174 = arith.constant 1280 : i32
      %scan3A_175 = arith.constant 0 : i32
      %scan3A_176 = arith.constant 20 : i32
      %scan3A_177 = arith.addi %scan3A_175, %scan3A_176 : i32
      %scan3A_178 = arith.constant 1 : i32
      %scan3A_179 = scf.for %scan3A_225 = %scan3A_175 to %scan3A_177 step %scan3A_178 iter_args(%scan3A_226 = %scan3A_174) -> (i32)  : i32 {
        %mul3A_227 = arith.constant 4 : i32
        %mul3A_228 = arith.muli %scan3A_225, %mul3A_227 : i32
        %add3A_229 = arith.constant 0 : i32
        %add3A_230 = arith.addi %mul3A_228, %add3A_229 : i32
        %mul3A_231 = arith.constant 16 : i32
        %mul3A_232 = arith.muli %add3A_230, %mul3A_231 : i32
        %get3A_233 = arith.index_cast %mul3A_232 : i32 to index
        %get3A_234 = tpu.vector_load %arg11[%get3A_233] {strides = array<i32>} : memref<1280xf32, #tpu.memory_space<vmem>>, vector<16xf32>,
        %eq3A_235 = vector.broadcast %reduce_max3A_172 : f32 to vector<16xf32>
        %eq3A_236 = arith.cmpf oeq, %get3A_234, %eq3A_235 : vector<16xf32>
        %iota3A_237 = tpu.iota {dimensions = array<i32: 0>} : vector<16xi32>
        %add3A_238 = vector.broadcast %mul3A_232 : i32 to vector<16xi32>
        %add3A_239 = arith.addi %iota3A_237, %add3A_238 : vector<16xi32>
        %broadcast_in_dim3A_240 = vector.broadcast %scan3A_173 : i32 to vector<16xi32>
        %select_n3A_241 = arith.select %eq3A_236, %add3A_239, %broadcast_in_dim3A_240 : vector<16xi1>, vector<16xi32>
        %reduce_min3A = arith.constant true
        %reduce_min3A_242 = vector.broadcast %reduce_min3A : i1 to vector<16xi1>
        %reduce_min3A_243 = arith.constant -2147483648 : i32
        %reduce_min3A_244 = vector.broadcast %reduce_min3A_243 : i32 to vector<16xi32>
        %reduce_min3A_245 = arith.xori %select_n3A_241, %reduce_min3A_244 : vector<16xi32>
        %reduce_min3A_246 = tpu.scan <min>, %reduce_min3A_245 masked %reduce_min3A_242 : vector<16xi32>, vector<16xi1> -> vector<16xi32>
        %reduce_min3A_247 = arith.xori %reduce_min3A_246, %reduce_min3A_244 : vector<16xi32>
        %reduce_min3A_248 = vector.extract %reduce_min3A_247[15] : i32 from vector<16xi32>
        %min3A = arith.minsi %scan3A_226, %reduce_min3A_248 : i32
        %mul3A_249 = arith.constant 4 : i32
        %mul3A_250 = arith.muli %scan3A_225, %mul3A_249 : i32
        %add3A_251 = arith.constant 1 : i32
        %add3A_252 = arith.addi %mul3A_250, %add3A_251 : i32
        %mul3A_253 = arith.constant 16 : i32
        %mul3A_254 = arith.muli %add3A_252, %mul3A_253 : i32
        %get3A_255 = arith.index_cast %mul3A_254 : i32 to index
        %get3A_256 = tpu.vector_load %arg11[%get3A_255] {strides = array<i32>} : memref<1280xf32, #tpu.memory_space<vmem>>, vector<16xf32>,
        %eq3A_257 = vector.broadcast %reduce_max3A_172 : f32 to vector<16xf32>
        %eq3A_258 = arith.cmpf oeq, %get3A_256, %eq3A_257 : vector<16xf32>
        %iota3A_259 = tpu.iota {dimensions = array<i32: 0>} : vector<16xi32>
        %add3A_260 = vector.broadcast %mul3A_254 : i32 to vector<16xi32>
        %add3A_261 = arith.addi %iota3A_259, %add3A_260 : vector<16xi32>
        %broadcast_in_dim3A_262 = vector.broadcast %scan3A_173 : i32 to vector<16xi32>
        %select_n3A_263 = arith.select %eq3A_258, %add3A_261, %broadcast_in_dim3A_262 : vector<16xi1>, vector<16xi32>
        %reduce_min3A_264 = arith.constant true
        %reduce_min3A_265 = vector.broadcast %reduce_min3A_264 : i1 to vector<16xi1>
        %reduce_min3A_266 = arith.constant -2147483648 : i32
        %reduce_min3A_267 = vector.broadcast %reduce_min3A_266 : i32 to vector<16xi32>
        %reduce_min3A_268 = arith.xori %select_n3A_263, %reduce_min3A_267 : vector<16xi32>
        %reduce_min3A_269 = tpu.scan <min>, %reduce_min3A_268 masked %reduce_min3A_265 : vector<16xi32>, vector<16xi1> -> vector<16xi32>
        %reduce_min3A_270 = arith.xori %reduce_min3A_269, %reduce_min3A_267 : vector<16xi32>
        %reduce_min3A_271 = vector.extract %reduce_min3A_270[15] : i32 from vector<16xi32>
        %min3A_272 = arith.minsi %min3A, %reduce_min3A_271 : i32
        %mul3A_273 = arith.constant 4 : i32
        %mul3A_274 = arith.muli %scan3A_225, %mul3A_273 : i32
        %add3A_275 = arith.constant 2 : i32
        %add3A_276 = arith.addi %mul3A_274, %add3A_275 : i32
        %mul3A_277 = arith.constant 16 : i32
        %mul3A_278 = arith.muli %add3A_276, %mul3A_277 : i32
        %get3A_279 = arith.index_cast %mul3A_278 : i32 to index
        %get3A_280 = tpu.vector_load %arg11[%get3A_279] {strides = array<i32>} : memref<1280xf32, #tpu.memory_space<vmem>>, vector<16xf32>,
        %eq3A_281 = vector.broadcast %reduce_max3A_172 : f32 to vector<16xf32>
        %eq3A_282 = arith.cmpf oeq, %get3A_280, %eq3A_281 : vector<16xf32>
        %iota3A_283 = tpu.iota {dimensions = array<i32: 0>} : vector<16xi32>
        %add3A_284 = vector.broadcast %mul3A_278 : i32 to vector<16xi32>
        %add3A_285 = arith.addi %iota3A_283, %add3A_284 : vector<16xi32>
        %broadcast_in_dim3A_286 = vector.broadcast %scan3A_173 : i32 to vector<16xi32>
        %select_n3A_287 = arith.select %eq3A_282, %add3A_285, %broadcast_in_dim3A_286 : vector<16xi1>, vector<16xi32>
        %reduce_min3A_288 = arith.constant true
        %reduce_min3A_289 = vector.broadcast %reduce_min3A_288 : i1 to vector<16xi1>
        %reduce_min3A_290 = arith.constant -2147483648 : i32
        %reduce_min3A_291 = vector.broadcast %reduce_min3A_290 : i32 to vector<16xi32>
        %reduce_min3A_292 = arith.xori %select_n3A_287, %reduce_min3A_291 : vector<16xi32>
        %reduce_min3A_293 = tpu.scan <min>, %reduce_min3A_292 masked %reduce_min3A_289 : vector<16xi32>, vector<16xi1> -> vector<16xi32>
        %reduce_min3A_294 = arith.xori %reduce_min3A_293, %reduce_min3A_291 : vector<16xi32>
        %reduce_min3A_295 = vector.extract %reduce_min3A_294[15] : i32 from vector<16xi32>
        %min3A_296 = arith.minsi %min3A_272, %reduce_min3A_295 : i32
        %mul3A_297 = arith.constant 4 : i32
        %mul3A_298 = arith.muli %scan3A_225, %mul3A_297 : i32
        %add3A_299 = arith.constant 3 : i32
        %add3A_300 = arith.addi %mul3A_298, %add3A_299 : i32
        %mul3A_301 = arith.constant 16 : i32
        %mul3A_302 = arith.muli %add3A_300, %mul3A_301 : i32
        %get3A_303 = arith.index_cast %mul3A_302 : i32 to index
        %get3A_304 = tpu.vector_load %arg11[%get3A_303] {strides = array<i32>} : memref<1280xf32, #tpu.memory_space<vmem>>, vector<16xf32>,
        %eq3A_305 = vector.broadcast %reduce_max3A_172 : f32 to vector<16xf32>
        %eq3A_306 = arith.cmpf oeq, %get3A_304, %eq3A_305 : vector<16xf32>
        %iota3A_307 = tpu.iota {dimensions = array<i32: 0>} : vector<16xi32>
        %add3A_308 = vector.broadcast %mul3A_302 : i32 to vector<16xi32>
        %add3A_309 = arith.addi %iota3A_307, %add3A_308 : vector<16xi32>
        %broadcast_in_dim3A_310 = vector.broadcast %scan3A_173 : i32 to vector<16xi32>
        %select_n3A_311 = arith.select %eq3A_306, %add3A_309, %broadcast_in_dim3A_310 : vector<16xi1>, vector<16xi32>
        %reduce_min3A_312 = arith.constant true
        %reduce_min3A_313 = vector.broadcast %reduce_min3A_312 : i1 to vector<16xi1>
        %reduce_min3A_314 = arith.constant -2147483648 : i32
        %reduce_min3A_315 = vector.broadcast %reduce_min3A_314 : i32 to vector<16xi32>
        %reduce_min3A_316 = arith.xori %select_n3A_311, %reduce_min3A_315 : vector<16xi32>
        %reduce_min3A_317 = tpu.scan <min>, %reduce_min3A_316 masked %reduce_min3A_313 : vector<16xi32>, vector<16xi1> -> vector<16xi32>
        %reduce_min3A_318 = arith.xori %reduce_min3A_317, %reduce_min3A_315 : vector<16xi32>
        %reduce_min3A_319 = vector.extract %reduce_min3A_318[15] : i32 from vector<16xi32>
        %min3A_320 = arith.minsi %min3A_296, %reduce_min3A_319 : i32
        scf.yield %min3A_320 : i32
      }
      %scan3A_180 = arith.constant 20 : i32
      %jit3A = arith.constant 16 : i32
      %div3A = arith.divsi %scan3A_179, %jit3A : i32
      %sign3A = arith.constant 0 : i32
      %sign3A_181 = arith.cmpi sgt, %scan3A_179, %sign3A : i32
      %sign3A_182 = arith.extui %sign3A_181 : i1 to i32
      %sign3A_183 = arith.constant 0 : i32
      %sign3A_184 = arith.cmpi slt, %scan3A_179, %sign3A_183 : i32
      %sign3A_185 = arith.extui %sign3A_184 : i1 to i32
      %sign3A_186 = arith.subi %sign3A_182, %sign3A_185 : i32
      %sign3A_187 = arith.constant 0 : i32
      %sign3A_188 = arith.cmpi sgt, %jit3A, %sign3A_187 : i32
      %sign3A_189 = arith.extui %sign3A_188 : i1 to i32
      %sign3A_190 = arith.constant 0 : i32
      %sign3A_191 = arith.cmpi slt, %jit3A, %sign3A_190 : i32
      %sign3A_192 = arith.extui %sign3A_191 : i1 to i32
      %sign3A_193 = arith.subi %sign3A_189, %sign3A_192 : i32
      %ne3A = arith.cmpi ne, %sign3A_186, %sign3A_193 : i32
      %rem3A = arith.remsi %scan3A_179, %jit3A : i32
      %ne3A_194 = arith.constant 0 : i32
      %ne3A_195 = arith.cmpi ne, %rem3A, %ne3A_194 : i32
      %and3A = arith.andi %ne3A, %ne3A_195 : i1
      %sub3A = arith.constant 1 : i32
      %sub3A_196 = arith.subi %div3A, %sub3A : i32
      %select_n3A = arith.select %and3A, %sub3A_196, %div3A : i32
      %jit3A_197 = arith.constant 16 : i32
      %eq3A = arith.constant 0 : i32
      %eq3A_198 = arith.cmpi eq, %jit3A_197, %eq3A : i32
      %jit3A_199 = arith.constant 1 : i32
      %select_n3A_200 = arith.select %eq3A_198, %jit3A_199, %jit3A_197 : i32
      %rem3A_201 = arith.remsi %scan3A_179, %select_n3A_200 : i32
      %ne3A_202 = arith.constant 0 : i32
      %ne3A_203 = arith.cmpi ne, %rem3A_201, %ne3A_202 : i32
      %lt3A = arith.constant 0 : i32
      %lt3A_204 = arith.cmpi slt, %rem3A_201, %lt3A : i32
      %lt3A_205 = arith.constant 0 : i32
      %lt3A_206 = arith.cmpi slt, %select_n3A_200, %lt3A_205 : i32
      %ne3A_207 = arith.xori %lt3A_204, %lt3A_206 : i1
      %and3A_208 = arith.andi %ne3A_207, %ne3A_203 : i1
      %add3A_209 = arith.addi %rem3A_201, %select_n3A_200 : i32
      %select_n3A_210 = arith.select %and3A_208, %add3A_209, %rem3A_201 : i32
      %mul3A_211 = arith.constant 16 : i32
      %mul3A_212 = arith.muli %select_n3A, %mul3A_211 : i32
      %get3A_213 = arith.index_cast %mul3A_212 : i32 to index
      %get3A_214 = tpu.vector_load %arg11[%get3A_213] {strides = array<i32>} : memref<1280xf32, #tpu.memory_space<vmem>>, vector<16xf32>,
      %iota3A = tpu.iota {dimensions = array<i32: 0>} : vector<16xi32>
      %eq3A_215 = vector.broadcast %select_n3A_210 : i32 to vector<16xi32>
      %eq3A_216 = arith.cmpi eq, %iota3A, %eq3A_215 : vector<16xi32>
      %jit3A_217 = arith.constant 0xFF800000 : f32
      %broadcast_in_dim3A_218 = vector.broadcast %jit3A_217 : f32 to vector<16xf32>
      %select_n3A_219 = arith.select %eq3A_216, %broadcast_in_dim3A_218, %get3A_214 : vector<16xi1>, vector<16xf32>
      %mul3A_220 = arith.constant 16 : i32
      %mul3A_221 = arith.muli %select_n3A, %mul3A_220 : i32
      %swap3A_222 = arith.index_cast %mul3A_221 : i32 to index
      %swap3A_223 = tpu.vector_load %arg11[%swap3A_222] {strides = array<i32>} : memref<1280xf32, #tpu.memory_space<vmem>>, vector<16xf32>,
      tpu.vector_store %arg11[%swap3A_222], %select_n3A_219 {strides = array<i32>} : memref<1280xf32, #tpu.memory_space<vmem>>, vector<16xf32>,
      %add3A_224 = arith.addf %scan3A_162, %reduce_max3A_172 : f32
      scf.yield %add3A_224 : f32
    }
    %scan3A_153 = arith.constant 10 : i32
    %get3A_154 = arith.constant 0 : index
    %get3A_155 = tpu.vector_load %arg13[%get3A_154] {strides = array<i32>} : memref<16xf32, #tpu.memory_space<vmem>>, vector<16xf32>,
    %mul3A_156 = arith.constant 1.000000e-01 : f32
    %mul3A_157 = arith.mulf %scan3A_152, %mul3A_156 : f32
    %mul3A_158 = vector.broadcast %mul3A_157 : f32 to vector<16xf32>
    %mul3A_159 = arith.mulf %get3A_155, %mul3A_158 : vector<16xf32>
    %swap3A = arith.constant 0 : index
    %swap3A_160 = tpu.vector_load %arg14[%swap3A] {strides = array<i32>} : memref<16xf32, #tpu.memory_space<vmem>>, vector<16xf32>,
    tpu.vector_store %arg14[%swap3A], %mul3A_159 {strides = array<i32>} : memref<16xf32, #tpu.memory_space<vmem>>, vector<16xf32>,
    "tpu.region"() ({
      %run_scoped3A = tpu.sem_alloc : memref<!tpu.dma_semaphore, #tpu.memory_space<semaphore_mem>>
      %dma_start3A = arith.constant 0 : i32
      %dma_start3A_161 = tpu.memref_slice %arg6[%add3A, %dma_start3A] : memref<32x16xf32, #tpu.memory_space<hbm>> -> memref<1x16xf32, #tpu.memory_space<hbm>>
      %dma_start3A_162 = tpu.memref_squeeze %dma_start3A_161 : memref<1x16xf32, #tpu.memory_space<hbm>> -> memref<16xf32, #tpu.memory_space<hbm>>
      %dma_start3A_163 = arith.constant 0 : i32
      %dma_start3A_164 = tpu.memref_slice %arg6[%add3A, %dma_start3A_163] : memref<32x16xf32, #tpu.memory_space<hbm>> -> memref<1x16xf32, #tpu.memory_space<hbm>>
      %dma_start3A_165 = tpu.memref_squeeze %dma_start3A_164 : memref<1x16xf32, #tpu.memory_space<hbm>> -> memref<16xf32, #tpu.memory_space<hbm>>
      tpu.enqueue_dma source(%arg14 : memref<16xf32, #tpu.memory_space<vmem>>) target(%dma_start3A_165 : memref<16xf32, #tpu.memory_space<hbm>>) target_semaphore(%run_scoped3A : memref<!tpu.dma_semaphore, #tpu.memory_space<semaphore_mem>>)
      %dma_wait3A_166 = arith.constant 0 : i32
      %dma_wait3A_167 = tpu.memref_slice %arg6[%add3A, %dma_wait3A_166] : memref<32x16xf32, #tpu.memory_space<hbm>> -> memref<1x16xf32, #tpu.memory_space<hbm>>
      %dma_wait3A_168 = tpu.memref_squeeze %dma_wait3A_167 : memref<1x16xf32, #tpu.memory_space<hbm>> -> memref<16xf32, #tpu.memory_space<hbm>>
      %dma_wait3A_169 = arith.constant 0 : i32
      %dma_wait3A_170 = tpu.memref_slice %arg6[%add3A, %dma_wait3A_169] : memref<32x16xf32, #tpu.memory_space<hbm>> -> memref<1x16xf32, #tpu.memory_space<hbm>>
      %dma_wait3A_171 = tpu.memref_squeeze %dma_wait3A_170 : memref<1x16xf32, #tpu.memory_space<hbm>> -> memref<16xf32, #tpu.memory_space<hbm>>
      tpu.wait_dma2 semaphore(%run_scoped3A : memref<!tpu.dma_semaphore, #tpu.memory_space<semaphore_mem>>) src(%arg14 : memref<16xf32, #tpu.memory_space<vmem>>) dst(%dma_wait3A_171 : memref<16xf32, #tpu.memory_space<hbm>>)
      tpu.yield
    }) : () -> ()
    return
  }
}

module attributes {stable_mosaic.version = 14 : i64} {
  func.func @_k1_blockmax(%arg0: i32, %arg1: memref<32x64xf32, #tpu.memory_space<vmem>>, %arg2: memref<16384x64xf32, #tpu.memory_space<vmem>>, %arg3: memref<32x128xf32, #tpu.memory_space<vmem>>) attributes {dimension_semantics = [#tpu.dimension_semantics<arbitrary>], iteration_bounds = array<i64: 62>, scalar_prefetch = 0 : i64, scratch_operands = 0 : i64, tpu.core_type = #tpu.core_type<tc>, window_params = [{pipeline_mode = #tpu.pipeline_mode<synchronous>, transform_indices = @transform_0, window_bounds = array<i64: 32, 64>}, {transform_indices = @transform_1, window_bounds = array<i64: 16384, 64>}, {transform_indices = @transform_2, window_bounds = array<i64: 32, 128>}]} {
    %get3A = arith.constant 0 : index
    %get3A_0 = arith.constant 0 : index
    %get3A_1 = vector.load %arg1[%get3A, %get3A_0] : memref<32x64xf32, #tpu.memory_space<vmem>>, vector<32x64xf32>
    %get3A_2 = arith.constant 0 : index
    %get3A_3 = arith.constant 0 : index
    %get3A_4 = vector.load %arg2[%get3A_2, %get3A_3] : memref<16384x64xf32, #tpu.memory_space<vmem>>, vector<16384x64xf32>
    %dot_general3A = arith.constant dense<0.000000e+00> : vector<32x16384xf32>
    %dot_general3A_5 = tpu.matmul %get3A_1, %get3A_4, %dot_general3A {dimension_numbers = #tpu.dot_dimension_numbers<[1], [1], [0], [0], [0, 0, 1, 0], [], []>, transpose_lhs_hint = false} : vector<32x64xf32>, vector<16384x64xf32>, vector<32x16384xf32> -> vector<32x16384xf32>
    %iota3A = tpu.iota {dimensions = array<i32: 1>} : vector<32x16384xi32>
    %mul3A = arith.constant 16384 : i32
    %mul3A_6 = arith.muli %arg0, %mul3A : i32
    %add3A = vector.broadcast %mul3A_6 : i32 to vector<32x16384xi32>
    %add3A_7 = arith.addi %iota3A, %add3A : vector<32x16384xi32>
    %lt3A = arith.constant 1000000 : i32
    %lt3A_8 = vector.broadcast %lt3A : i32 to vector<32x16384xi32>
    %lt3A_9 = arith.cmpi slt, %add3A_7, %lt3A_8 : vector<32x16384xi32>
    %jit3A = arith.constant 0xFF800000 : f32
    %broadcast_in_dim3A = vector.broadcast %jit3A : f32 to vector<32x16384xf32>
    %select_n3A = arith.select %lt3A_9, %dot_general3A_5, %broadcast_in_dim3A : vector<32x16384xi1>, vector<32x16384xf32>
    %reshape3A = vector.shape_cast %select_n3A : vector<32x16384xf32> to vector<32x128x128xf32>
    %reduce_max3A = arith.constant dense<0xFF800000> : vector<32x128xf32>
    %reduce_max3A_10 = vector.multi_reduction <maximumf>, %reshape3A, %reduce_max3A [2] : vector<32x128x128xf32> to vector<32x128xf32>
    %swap3A = arith.constant 0 : index
    %swap3A_11 = arith.constant 0 : index
    %swap3A_12 = vector.load %arg3[%swap3A, %swap3A_11] : memref<32x128xf32, #tpu.memory_space<vmem>>, vector<32x128xf32>
    tpu.vector_store %arg3[%swap3A, %swap3A_11], %reduce_max3A_10 {strides = array<i32>} : memref<32x128xf32, #tpu.memory_space<vmem>>, vector<32x128xf32>,
    return
  }
  func.func @transform_0(%arg0: i32) -> (i32, i32) {
    %c0_i32 = arith.constant 0 : i32
    %c0_i32_0 = arith.constant 0 : i32
    %c0_i32_1 = arith.constant 0 : i32
    return %c0_i32, %c0_i32_0 : i32, i32
  }
  func.func @transform_1(%arg0: i32) -> (i32, i32) {
    %c0_i32 = arith.constant 0 : i32
    %c0_i32_0 = arith.constant 0 : i32
    return %arg0, %c0_i32 : i32, i32
  }
  func.func @transform_2(%arg0: i32) -> (i32, i32) {
    %c0_i32 = arith.constant 0 : i32
    %c0_i32_0 = arith.constant 0 : i32
    return %c0_i32, %arg0 : i32, i32
  }
}

module attributes {stable_mosaic.version = 14 : i64} {
  func.func @_k2_conf(%arg0: memref<32x1000xf32, #tpu.memory_space<vmem>>, %arg1: memref<32x16xf32, #tpu.memory_space<vmem>>) attributes {dimension_semantics = [], scalar_prefetch = 0 : i64, scratch_operands = 0 : i64, tpu.core_type = #tpu.core_type<tc>} {
    %get3A = arith.constant 0 : index
    %get3A_0 = arith.constant 0 : index
    %get3A_1 = vector.load %arg0[%get3A, %get3A_0] : memref<32x1000xf32, #tpu.memory_space<vmem>>, vector<32x1000xf32>
    %reduce_max3A = arith.constant dense<0xFF800000> : vector<32xf32>
    %reduce_max3A_2 = vector.multi_reduction <maximumf>, %get3A_1, %reduce_max3A [1] : vector<32x1000xf32> to vector<32xf32>
    %broadcast_in_dim3A = vector.shape_cast %reduce_max3A_2 : vector<32xf32> to vector<32x1xf32>
    %sub3A = vector.broadcast %broadcast_in_dim3A : vector<32x1xf32> to vector<32x1000xf32>
    %sub3A_3 = arith.subf %get3A_1, %sub3A : vector<32x1000xf32>
    %exp3A = math.exp %sub3A_3 : vector<32x1000xf32>
    %reduce_sum3A = arith.constant dense<0.000000e+00> : vector<32xf32>
    %reduce_sum3A_4 = vector.multi_reduction <add>, %exp3A, %reduce_sum3A [1] : vector<32x1000xf32> to vector<32xf32>
    %broadcast_in_dim3A_5 = vector.shape_cast %reduce_sum3A_4 : vector<32xf32> to vector<32x1xf32>
    %log3A = math.log %broadcast_in_dim3A_5 : vector<32x1xf32>
    %add3A = arith.addf %log3A, %broadcast_in_dim3A : vector<32x1xf32>
    %broadcast_in_dim3A_6 = vector.shape_cast %add3A : vector<32x1xf32> to vector<32x1xf32>
    %broadcast_in_dim3A_7 = vector.broadcast %broadcast_in_dim3A_6 : vector<32x1xf32> to vector<32x16xf32>
    %swap3A = arith.constant 0 : index
    %swap3A_8 = arith.constant 0 : index
    %swap3A_9 = vector.load %arg1[%swap3A, %swap3A_8] : memref<32x16xf32, #tpu.memory_space<vmem>>, vector<32x16xf32>
    tpu.vector_store %arg1[%swap3A, %swap3A_8], %broadcast_in_dim3A_7 {strides = array<i32>} : memref<32x16xf32, #tpu.memory_space<vmem>>, vector<32x16xf32>,
    return
  }
}

</mosaic_0001>

<sc_bundles>
// kernel: kernel.5.cloned.1.call-start
scs
__scs_entry_jumppad:
0x0: {  	(pc) =	sbr.rel $0x88, $3  }
0x1: {  	(tag) =	ssettag $0x0;
	lr =	simm.s32 $0x1  }
0x2: {  	[smem:$0x3F9E] =	sst lr;
	_ =	strace $0xD0000000  }
0x3: {  	_ = 	snop  }
0x4: {  	_ = 	snop  }
0x5: {  	_ = 	snop  }
0x6: {  	_ = 	snop  }
0x7: {  	_ = 	snop  }
__scs_overlays_trampoline_lowered:
0x8: {  	[smem:$0x3FAD] =	sst s0  }
0x9: {  	[smem:$0x3FAE] =	sst s1  }
0xa: {  	[smem:$0x3FAF] =	sst s2  }
0xb: {  	[smem:$0x3FB0] =	sst s3  }
0xc: {  	[smem:$0x3FB1] =	sst s4  }
0xd: {  	[smem:$0x3FB2] =	sst s5  }
0xe: {  	[smem:$0x3FB3] =	sst s6  }
0xf: {  	[smem:$0x3FB4] =	sst s7  }
0x10: {  	[smem:$0x3FB5] =	sst s8  }
0x11: {  	[smem:$0x3FB6] =	sst s9;
	s0 =	simm.s32 @!p0 $0x0  }
0x12: {  	s1 =	sld [smem:$0x3F9C];
	s0 =	simm.s32 @p0 $0x1  }
0x13: {  	[smem:$0x3FB7] =	sst s0;
	s0 =	simm.s32 @!p1 $0x0  }
0x14: {  	s2 =	sld [smem:$0x3F9B];
	s0 =	simm.s32 @p1 $0x1  }
0x15: {  	[smem:$0x3FB8] =	sst s0;
	s0 =	simm.s32 @!p2 $0x0  }
0x16: {  	s3 =	sld [smem:$0x3FDB];
	s0 =	simm.s32 @p2 $0x1  }
0x17: {  	s4 =	simm.s32 $0x1BF5;
	[smem:$0x3FBA] =	sst s0  }
0x18: {  	s0 =	sld [smem:$0x3F9D];
	_ =	swait.ge [sflag:s4], $0x0  }
0x19: {  	s7 =	sld [smem:$0x3F9E]  }
0x1a: {  	s8 =	sadd.s32 $0xFFFFE003, lr  }
0x1b: {  	s9 =	sadd.s32 $0xFFFFFEF7, lr;
	s5 =	simm.s32 $0xFFFFFFFF;
	p2 =	slt.u32 s8, $0xFFFFF086  }
0x1c: {  	p1 =	slt.u32 s9, $0xF7A;
	s5 =	simm.s32 @!p2 $0x0  }
0x1d: {  	s5 =	simm.s32 @p1 $0x1;
	p0 =	seq.s32 s7, s2  }
0x1e: {  	s7 =	smul.u32 @!p0 $0xF7A, s2;
	p2 =	seq.s32 @!p0 s5, $0x0  }
0x1f: {  	s9 =	smul.u32 $0xF7A, s1;
	s8 =	simm.s32 @!p0 $0x1BF5;
	p2 =	por !p2, p0  }
0x20: {  	[sflag:s8] =	ssyncset.s32 @!p0 $0xFFFFF086;
	s6 =	sadd.s32 @!p0 s3, s7;
	s7 =	simm.s32 @!p0 $0x108  }
0x21: {  	s3 =	sadd.s32 s3, s9;
	s6 =	sadd.s32 @!p0 $0x88, s6;
	s7 =	simm.s32 @p2 $0x1082  }
0x22: {  	[simem:s7], [sflag:s8] =	dma.local @!p0 [hbm:s6], $0xF7A  }
0x23: {  	s9 =	sor.u32 $0xD0000000, s2;
	s6 =	simm.s32 $0x108;
	_ =	swait.ge @!p0 [sflag:s8], $0x0  }
0x24: {  	s3 =	sadd.s32 $0x88, s3;
	s6 =	simm.s32 @!p1 $0x1082;
	[sflag:s4] =	ssyncset.s32 $0xFFFFF086  }
0x25: {  	[simem:s6], [sflag:s4] =	dma.local [hbm:s3], $0xF7A  }
0x26: {  	[smem:$0x3F9E] =	sst s1;
	(tag) =	ssettag s2;
	_ =	strace s9  }
0x27: {  	s1 =	sld [smem:$0x3FAE]  }
0x28: {  	s2 =	sld [smem:$0x3FAF]  }
0x29: {  	s4 =	sld [smem:$0x3FB1]  }
0x2a: {  	p0 =	seq.s32 s5, $0x0;
	s5 =	sld [smem:$0x3FB2]  }
0x2b: {  	s6 =	sld [smem:$0x3FB3]  }
0x2c: {  	s7 =	sld [smem:$0x3FB4]  }
0x2d: {  	s3 =	simm.s32 $0x108;
	s8 =	sld [smem:$0x3FB5]  }
0x2e: {  	s3 =	simm.s32 @!p0 $0x1082;
	s9 =	sld [smem:$0x3FB6]  }
0x2f: {  	lr =	sadd.s32 s0, s3;
	s0 =	sld [smem:$0x3FAD]  }
0x30: {  	s3 =	sld [smem:$0x3FB0]  }
0x31: {  	[smem:$0x3FB9] =	sst s10  }
0x32: {  	s10 =	sld [smem:$0x3FB7];
	_ =	sdelay $0x3  }
0x33: {  	p0 =	seq.s32 s10, $0x1;
	s10 =	sld [smem:$0x3FB9];
	_ =	sdelay $0x3  }
0x34: {  	[smem:$0x3FB9] =	sst s10  }
0x35: {  	s10 =	sld [smem:$0x3FB8];
	_ =	sdelay $0x3  }
0x36: {  	p1 =	seq.s32 s10, $0x1;
	s10 =	sld [smem:$0x3FB9];
	_ =	sdelay $0x3  }
0x37: {  	[smem:$0x3FB9] =	sst s10  }
0x38: {  	s10 =	sld [smem:$0x3FBA]  }
0x39: {  	_ = 	snop;
	(pc) =	sbr.ind lr, $3  }
0x3a: {  	_ = 	snop  }
0x3b: {  	_ = 	snop  }
0x3c: {  	p2 =	seq.s32 s10, $0x1;
	s10 =	sld [smem:$0x3FB9]  }
0x3d: {  	_ =	shalt  }
0x3e: {  	_ =	shalt  }
0x3f: {  	_ =	shalt  }
0x40: {  	_ =	shalt  }
0x41: {  	_ =	shalt  }
0x42: {  	_ =	shalt  }
0x43: {  	_ =	shalt  }
0x44: {  	_ =	shalt  }
0x45: {  	_ =	shalt  }
0x46: {  	_ =	shalt  }
0x47: {  	_ =	shalt  }
0x48: {  	_ =	shalt  }
0x49: {  	_ =	shalt  }
0x4a: {  	_ =	shalt  }
0x4b: {  	_ =	shalt  }
0x4c: {  	_ =	shalt  }
0x4d: {  	_ =	shalt  }
0x4e: {  	_ =	shalt  }
0x4f: {  	_ =	shalt  }
0x50: {  	_ =	shalt  }
0x51: {  	_ =	shalt  }
0x52: {  	_ =	shalt  }
0x53: {  	_ =	shalt  }
0x54: {  	_ =	shalt  }
0x55: {  	_ =	shalt  }
0x56: {  	_ =	shalt  }
0x57: {  	_ =	shalt  }
0x58: {  	_ =	shalt  }
0x59: {  	_ =	shalt  }
0x5a: {  	_ =	shalt  }
0x5b: {  	_ =	shalt  }
0x5c: {  	_ =	shalt  }
0x5d: {  	_ =	shalt  }
0x5e: {  	_ =	shalt  }
0x5f: {  	_ =	shalt  }
0x60: {  	_ =	shalt  }
0x61: {  	_ =	shalt  }
0x62: {  	_ =	shalt  }
0x63: {  	_ =	shalt  }
0x64: {  	_ =	shalt  }
0x65: {  	_ =	shalt  }
0x66: {  	_ =	shalt  }
0x67: {  	_ =	shalt  }
0x68: {  	_ =	shalt  }
0x69: {  	_ =	shalt  }
0x6a: {  	_ =	shalt  }
0x6b: {  	_ =	shalt  }
0x6c: {  	_ =	shalt  }
0x6d: {  	_ =	shalt  }
0x6e: {  	_ =	shalt  }
0x6f: {  	_ =	shalt  }
0x70: {  	_ =	shalt  }
0x71: {  	_ =	shalt  }
0x72: {  	_ =	shalt  }
0x73: {  	_ =	shalt  }
0x74: {  	_ =	shalt  }
0x75: {  	_ =	shalt  }
0x76: {  	_ =	shalt  }
0x77: {  	_ =	shalt  }
0x78: {  	_ =	shalt  }
0x79: {  	_ =	shalt  }
0x7a: {  	_ =	shalt  }
0x7b: {  	_ =	shalt  }
0x7c: {  	_ =	shalt  }
0x7d: {  	_ =	shalt  }
0x7e: {  	_ =	shalt  }
0x7f: {  	_ =	shalt  }
0x80: {  	_ =	shalt  }
0x81: {  	_ =	shalt  }
0x82: {  	_ =	shalt  }
0x83: {  	_ =	shalt  }
0x84: {  	_ =	shalt  }
0x85: {  	_ =	shalt  }
0x86: {  	_ =	shalt  }
0x87: {  	_ =	shalt  }
.Lfunc_end0:
.L_simem_size_0:
called_computation_lowered:
.L_overlay_start_0:
0x88: {  	s2 =	sld [smem:$0x3FD9]  }
0x89: {  	s3 =	sld [smem:$0x3FFE];
	_ =	sdelay $0x1  }
0x8a: {  	s1 =	srdreg.scid  }
0x8b: {  	s0 =	sand.u32 $0x1, s1  }
0x8c: {  	s16 =	sshll.u32 s0, $0xA;
	s2 =	sadd.s32 s3, s2  }
0x8d: {  	s2 =	sadd.s32 s2, s16  }
0x8e: {  	[smem:$0x3FC5] =	sst s2  }
0x8f: {  	_ = 	snop  }
0x90: {  	(tm) =	ssettm $0x1  }
0x91: {  	s17 =	sld [smem:$0x3FFB];
	_ =	sdelay $0x3  }
0x92: {  	_ =	strace s17  }
0x93: {  	s2 =	sld [smem:$0x3FFC];
	_ =	sdelay $0x3  }
0x94: {  	_ =	strace s2  }
0x95: {  	s2 =	sld [smem:$0x3FFD];
	_ =	sdelay $0x3  }
0x96: {  	_ =	strace s2  }
0x97: {  	_ =	strace $0x8FFFFFFF  }
0x98: {  	s18 =	sld [smem:$0x3FDB];
	_ =	sdelay $0x1  }
0x99: {  	s19 =	simm.s32 $_scs_section_size  }
0x9a: {  	s4 =	simm.s32 $_size__tile_overlayer_lowered;
	s5 =	simm.s32 $_tile_overlayer_lowered  }
0x9b: {  	s22 =	simm.s32 $0x1BFF;
	s21 =	sshll.u32 s5, $0x1;
	s2 =	sadd.s32 s19, s18  }
0x9c: {  	s6 =	simm.s32 $0x0;
	s20 =	sshll.u32 s4, $0x1;
	s4 =	sadd.s32 s21, s2  }
0x9d: {  	[timem:s6], [sflag:s22] =	dma.local [hbm:s4], s20  }
0x9e: {  	_ =	swait.ge [sflag:s22], s20  }
0x9f: {  	s3 =	ssub.s32 $0x0, s20;
	[sflag:s22] =	ssyncset.done $0x0  }
0xa0: {  	[sflag:s22] =	ssyncadd.s32 s3;
	_ =	sdelay $0x1  }
0xa1: {  	s23 =	simm.s32 $0x1B8B  }
0xa2: {  	_ =	swait.ge [sflag:s23], $0x1  }
0xa3: {  	[sflag:s23] =	ssyncset.done $0x0  }
0xa4: {  	s25 =	simm.s32 $0x1B8E;
	s24 =	sld [smem:$0x3FFE];
	[sflag:s23] =	ssyncadd.s32 $0xFFFFFFFF  }
0xa5: {  	s26 =	simm.s32 $execute0_lowered;
	[smem:$0x3FD2] =	sst s25  }
0xa6: {  	s4 =	sshll.u32 s26, $0x1;
	_ =	strace $0x80000046;
	[dreg:$0x1] =	wrdreg $0xFFFFFFFF  }
0xa7: {  	s28 =	simm.s32 $_size_execute0_lowered;
	s2 =	sadd.s32 s2, s4;
	[dreg:$0x0] =	wrdreg $0x0  }
0xa8: {  	s4 =	sshll.u32 s28, $0x1;
	[dreg:$0x2] =	wrdreg s2  }
0xa9: {  	[dreg:$0x3] =	wrdreg s4  }
0xaa: {  	[dreg:$0x4] =	wrdreg $0xC0  }
0xab: {  	_ =	task [dreg:s6], $0x5FFFF  }
0xac: {  	[dreg:$0x1] =	wrdreg $0xFFFFFFFF  }
0xad: {  	[dreg:$0x0] =	wrdreg $0x60  }
0xae: {  	[dreg:$0x2] =	wrdreg s24  }
0xaf: {  	[dreg:$0x3] =	wrdreg $0x9  }
0xb0: {  	_ =	task.clear_ibuf [dreg:s6], $0x4FFFF;
	_ =	strace $0x90000046  }
0xb1: {  	s29 =	simm.s32 $0x9;
	_ =	strace $0x80000048  }
0xb2: {  	_ =	swait.ge [sflag:s29], $0x1  }
0xb3: {  	[sflag:s29] =	ssyncadd.s32 $0xFFFFFFFF  }
0xb4: {  	_ =	strace $0x90000048  }
0xb5: {  	_ =	sfence  }
0xb6: {  	s30 =	sld [smem:$0x0];
	_ =	sdelay $0x2  }
0xb7: {  	s31 =	sshll.u32 s1, $0xD;
	s1 =	sshrl.u32 s1, $0x2  }
0xb8: {  	s3 =	sand.u32 $0x4000, s31;
	s1 =	sadd.s32 s1, s30  }
0xb9: {  	s0 =	sor.u32 s3, s0;
	s1 =	sshll.u32 s1, $0x11  }
0xba: {  	s0 =	sor.u32 s1, s0  }
0xbb: {  	s0 =	sadd.s32 $0x8F2B, s0  }
0xbc: {  	[sflag:s0] =	ssyncadd.remote.s32 $0x1  }
0xbd: {  	_ =	sfence.sel $0xFFFF  }
0xbe: {  	[dreg:$0x0] =	wrdreg $0xFFFFFFFF;
	(pc) =	sbr.abs _section_cstart, $3  }
0xbf: {  	[dreg:$0x1] =	wrdreg $0xFFFFFFFF  }
0xc0: {  	_ =	task.clear_ibuf [dreg:s6], $0x2FFFF;
	_ =	strace $0x9FFFFFFF  }
0xc1: {  	(tm) =	ssettm $0x7FFFFFFF  }
tec
execute0_lowered:
.L_overlay_start_1:
0x0: {  	(tag) =	ssettag $0x1  }
0x1: {  	s1 =	srdreg.scid  }
0x2: {  	s0 =	stileid.u32;
	s4 =	rddreg [dreg:$0x0]  }
0x3: {  	s2 =	simm.s32 $0x0;
	s11 =	simm.s32 $0x16640;
	s12 =	simm.s32 $0x1  }
0x4: {  	s13 =	simm.s32 $0x20F0;
	s14 =	simm.s32 $0x2100;
	s15 =	simm.s32 $0x16650  }
0x5: {  	s3 =	sand.u32 $0x1, s1;
	s5 =	sshll.u32 s0, $0x1;
	s1 =	rddreg [dreg:$0x1]  }
0x6: {  	s16 =	simm.s32 $0x0;
	[smem:$0x7FF] =	sst s2;
	s5 =	sor.u32 s3, s5  }
0x7: {  	_ =	strace $0x80000047;
	s8 =	ssub.s32 $0x2, s3;
	s3 =	sadd.s32 $0xF42800, s4  }
0x8: {  	s6 =	smul.u32 $0x3E0, s5;
	s7 =	sshll.u32 s5, $0x3;
	s5 =	sshll.u32 s5, $0x1  }
0x9: {  	v0 =	vlaneseq.u32;
	s9 =	sshrl.u32 s8, $0x1;
	s7 =	sadd.s32 s7, s4;
	s10 =	sadd.s32 s5, s4  }
0xa: {  	v16 =	vmul.u32 $0x10, v0;
	s8 =	ssub.s32 s8, s9;
	s9 =	simm.s32 $0x2;
	s6 =	sadd.s32 s6, s4  }
0xb: {  	s5 =	sadd.s32 $0x400, s7;
	s7 =	sadd.s32 $0x8400, s10;
	s8 =	smax.u32 s8, $0x1  }
0xc: {  	v2 =	vor.u32 $0x80000000, v0;
	[tilespmem:$0x1FFF0] =	vst v16;
	s4 =	sadd.s32 $0x600, s6;
	s6 =	sadd.s32 $0x8200, s10;
	s10 =	simm.s32 $0x16600  }
.LBB2_1:
0xd: {  	[tilespmem:s2], [sflag:$0x2] =	stream.linear.gather [hbm4b:s4+s2], $0x1F00, $0x38;
	[tilespmem:$0x16660] =	vst v63  }
0xe: {  	_ =	swait.ge [sflag:s9], $0x1F00  }
0xf: {  	[sflag:s9] =	ssyncset.done $0x0  }
0x10: {  	[sflag:s9] =	ssyncadd.s32 $0xFFFFE100  }
0x11: {  	v0 =	vmov s2;
	[tilespmem:s10], [sflag:$0x2] =	stream.linear.gather [hbm4b:s5+s2], $0x40, $0x38;
	[tilespmem:$0x16660] =	vst v63  }
0x12: {  	v0 =	vshll.u32 v0, $0x4;
	_ =	swait.ge [sflag:s9], $0x40  }
0x13: {  	v0 =	vor.u32 v16, v0;
	[sflag:s9] =	ssyncset.done $0x0  }
0x14: {  	v1 =	vor.u32 $0x1, v0;
	[sflag:s9] =	ssyncadd.s32 $0xFFFFFFC0  }
0x15: {  	[tilespmem:s11], [sflag:$0x2] =	stream.linear.gather [hbm4b:s6+s2], $0x10, $0x38;
	[tilespmem:$0x16660] =	vst v63  }
0x16: {  	v3 =	vor.u32 $0x2, v0;
	_ =	swait.ge [sflag:s9], $0x10  }
0x17: {  	v4 =	vor.u32 $0x3, v0;
	[sflag:s9] =	ssyncset.done $0x0  }
0x18: {  	v5 =	vor.u32 $0x4, v0;
	[sflag:s9] =	ssyncadd.s32 $0xFFFFFFF0  }
0x19: {  	v6 =	vor.u32 $0x5, v0;
	v1 =	vld.idx.msk [tilespmem:v1+s2+$0x0], $0xffff  }
0x1a: {  	v8 =	vor.u32 $0x6, v0;
	v7 =	vld.idx.msk [tilespmem:v0+s2+$0x0], $0xffff  }
0x1b: {  	v9 =	vor.u32 $0x7, v0;
	v3 =	vld.idx.msk [tilespmem:v3+s2+$0x0], $0xffff  }
0x1c: {  	v10 =	vor.u32 $0x8, v0;
	v4 =	vld.idx.msk [tilespmem:v4+s2+$0x0], $0xffff  }
0x1d: {  	v11 =	vor.u32 $0x9, v0;
	v5 =	vld.idx.msk [tilespmem:v5+s2+$0x0], $0xffff  }
0x1e: {  	v12 =	vor.u32 $0xA, v0;
	v6 =	vld.idx.msk [tilespmem:v6+s2+$0x0], $0xffff  }
0x1f: {  	v13 =	vor.u32 $0xB, v0;
	v8 =	vld.idx.msk [tilespmem:v8+s2+$0x0], $0xffff;
	v1 =	vmax.f32 v7, v1  }
0x20: {  	v53 =	vor.u32 $0xC, v0;
	v7 =	vld.idx.msk [tilespmem:v9+s2+$0x0], $0xffff;
	v1 =	vmax.f32 v1, v3  }
0x21: {  	v54 =	vor.u32 $0xD, v0;
	v3 =	vld.idx.msk [tilespmem:v10+s2+$0x0], $0xffff;
	v1 =	vmax.f32 v1, v4  }
0x22: {  	v55 =	vor.u32 $0xE, v0;
	v4 =	vld.idx.msk [tilespmem:v11+s2+$0x0], $0xffff;
	v1 =	vmax.f32 v1, v5  }
0x23: {  	v0 =	vor.u32 $0xF, v0;
	v5 =	vld.idx.msk [tilespmem:v12+s2+$0x0], $0xffff;
	v1 =	vmax.f32 v1, v6  }
0x24: {  	v6 =	vld.idx.msk [tilespmem:v13+s2+$0x0], $0xffff;
	v1 =	vmax.f32 v1, v8  }
0x25: {  	v8 =	vld.idx.msk [tilespmem:v53+s2+$0x0], $0xffff;
	v1 =	vmax.f32 v1, v7  }
0x26: {  	s17 =	simm.s32 $0x10;
	v7 =	vld.idx.msk [tilespmem:v54+s2+$0x0], $0xffff;
	v1 =	vmax.f32 v1, v3  }
0x27: {  	v56 =	vmov s17;
	v3 =	vld.idx.msk [tilespmem:v55+s2+$0x0], $0xffff;
	v1 =	vmax.f32 v1, v4  }
0x28: {  	v0 =	vld.idx.msk [tilespmem:v0+s2+$0x0], $0xffff;
	v4 =	vshll.u32 v56, $0x4;
	v1 =	vmax.f32 v1, v5  }
0x29: {  	v4 =	vor.u32 v16, v4;
	v1 =	vmax.f32 v1, v6  }
0x2a: {  	v5 =	vor.u32 $0x1, v4;
	v1 =	vmax.f32 v1, v8  }
0x2b: {  	v1 =	vmax.f32 v1, v7  }
0x2c: {  	v6 =	vor.u32 $0x2, v4;
	v1 =	vmax.f32 v1, v3  }
0x2d: {  	s18 =	simm.s32 $0x1F00;
	v3 =	vor.u32 $0x3, v4;
	v0 =	vmax.f32 v1, v0  }
0x2e: {  	v1 =	vor.u32 $0x4, v4;
	[tilespmem:s18+$0x0] =	vst v0  }
0x2f: {  	v0 =	vld.idx.msk [tilespmem:v5+s2+$0x0], $0xffff;
	v5 =	vor.u32 $0x5, v4  }
0x30: {  	v8 =	vor.u32 $0x6, v4;
	v7 =	vld.idx.msk [tilespmem:v4+s2+$0x0], $0xffff  }
0x31: {  	v57 =	vor.u32 $0x7, v4;
	v6 =	vld.idx.msk [tilespmem:v6+s2+$0x0], $0xffff  }
0x32: {  	v58 =	vor.u32 $0x8, v4;
	v3 =	vld.idx.msk [tilespmem:v3+s2+$0x0], $0xffff  }
0x33: {  	v59 =	vor.u32 $0x9, v4;
	v1 =	vld.idx.msk [tilespmem:v1+s2+$0x0], $0xffff  }
0x34: {  	v60 =	vor.u32 $0xA, v4;
	v5 =	vld.idx.msk [tilespmem:v5+s2+$0x0], $0xffff  }
0x35: {  	v61 =	vor.u32 $0xB, v4;
	v8 =	vld.idx.msk [tilespmem:v8+s2+$0x0], $0xffff;
	v0 =	vmax.f32 v7, v0  }
0x36: {  	v62 =	vor.u32 $0xC, v4;
	v7 =	vld.idx.msk [tilespmem:v57+s2+$0x0], $0xffff;
	v0 =	vmax.f32 v0, v6  }
0x37: {  	v63 =	vor.u32 $0xD, v4;
	v6 =	vld.idx.msk [tilespmem:v58+s2+$0x0], $0xffff;
	v0 =	vmax.f32 v0, v3  }
0x38: {  	v14 =	vor.u32 $0xE, v4;
	v11 =	vld.idx.msk [tilespmem:v59+s2+$0x0], $0xffff;
	v0 =	vmax.f32 v0, v1  }
0x39: {  	v15 =	vor.u32 $0xF, v4;
	v12 =	vld.idx.msk [tilespmem:v60+s2+$0x0], $0xffff;
	v1 =	vmax.f32 v0, v5  }
0x3a: {  	v0 =	vld.idx.msk [tilespmem:v61+s2+$0x0], $0xffff;
	v3 =	vmax.f32 v1, v8  }
0x3b: {  	v1 =	vld.idx.msk [tilespmem:v62+s2+$0x0], $0xffff;
	v4 =	vmax.f32 v3, v7  }
0x3c: {  	s31 =	simm.s32 $0x20;
	v3 =	vld.idx.msk [tilespmem:v63+s2+$0x0], $0xffff;
	v5 =	vmax.f32 v4, v6  }
0x3d: {  	v4 =	vld.idx.msk [tilespmem:v14+s2+$0x0], $0xffff;
	v6 =	vmov s31;
	v7 =	vmax.f32 v5, v11  }
0x3e: {  	s19 =	simm.s32 $0x30;
	v5 =	vld.idx.msk [tilespmem:v15+s2+$0x0], $0xffff;
	v6 =	vshll.u32 v6, $0x4;
	v7 =	vmax.f32 v7, v12  }
.LBB2_2:
0x3f: {  	p0 =	sne.s32 s19, $0x1E0;
	v6 =	vor.u32 v16, v6;
	v0 =	vmax.f32 v7, v0  }
0x40: {  	v7 =	vor.u32 $0x1, v6;
	v0 =	vmax.f32 v0, v1  }
0x41: {  	v0 =	vmax.f32 v0, v3  }
0x42: {  	v1 =	vor.u32 $0x2, v6;
	v0 =	vmax.f32 v0, v4  }
0x43: {  	s18 =	sadd.s32 $0x10, s18;
	v3 =	vor.u32 $0x3, v6;
	v0 =	vmax.f32 v0, v5  }
0x44: {  	s17 =	simm.s32 $0x0;
	v4 =	vor.u32 $0x4, v6;
	[tilespmem:s18+$0x0] =	vst v0  }
0x45: {  	v5 =	vor.u32 $0x5, v6;
	v0 =	vld.idx.msk [tilespmem:v7+s17+$0x0], $0xffff  }
0x46: {  	v8 =	vor.u32 $0x6, v6;
	v7 =	vld.idx.msk [tilespmem:v6+s17+$0x0], $0xffff  }
0x47: {  	v9 =	vor.u32 $0x7, v6;
	v1 =	vld.idx.msk [tilespmem:v1+s17+$0x0], $0xffff  }
0x48: {  	v10 =	vor.u32 $0x8, v6;
	v3 =	vld.idx.msk [tilespmem:v3+s17+$0x0], $0xffff  }
0x49: {  	v11 =	vor.u32 $0x9, v6;
	v4 =	vld.idx.msk [tilespmem:v4+s17+$0x0], $0xffff  }
0x4a: {  	v12 =	vor.u32 $0xA, v6;
	v5 =	vld.idx.msk [tilespmem:v5+s17+$0x0], $0xffff  }
0x4b: {  	v13 =	vor.u32 $0xB, v6;
	v8 =	vld.idx.msk [tilespmem:v8+s17+$0x0], $0xffff  }
0x4c: {  	v0 =	vmax.f32 v7, v0;
	v7 =	vld.idx.msk [tilespmem:v9+s17+$0x0], $0xffff;
	v9 =	vor.u32 $0xC, v6  }
0x4d: {  	v14 =	vor.u32 $0xD, v6;
	v0 =	vmax.f32 v0, v1;
	v10 =	vld.idx.msk [tilespmem:v10+s17+$0x0], $0xffff  }
0x4e: {  	v15 =	vor.u32 $0xE, v6;
	v0 =	vmax.f32 v0, v3;
	v11 =	vld.idx.msk [tilespmem:v11+s17+$0x0], $0xffff  }
0x4f: {  	v6 =	vor.u32 $0xF, v6;
	v0 =	vmax.f32 v0, v4;
	v12 =	vld.idx.msk [tilespmem:v12+s17+$0x0], $0xffff  }
0x50: {  	v1 =	vmax.f32 v0, v5;
	v0 =	vld.idx.msk [tilespmem:v13+s17+$0x0], $0xffff  }
.Ltmp0:
0x51: {  	v3 =	vmax.f32 v1, v8;
	v1 =	vld.idx.msk [tilespmem:v9+s17+$0x0], $0xffff;
	(pc) =	sbr.rel @p0 .LBB2_2-.Ltmp0, $4  }
0x52: {  	v4 =	vmax.f32 v3, v7;
	v3 =	vld.idx.msk [tilespmem:v14+s17+$0x0], $0xffff  }
0x53: {  	v5 =	vmax.f32 v4, v10;
	v4 =	vld.idx.msk [tilespmem:v15+s17+$0x0], $0xffff  }
0x54: {  	v7 =	vmov s19;
	v8 =	vmax.f32 v5, v11;
	v5 =	vld.idx.msk [tilespmem:v6+s17+$0x0], $0xffff  }
0x55: {  	s19 =	sadd.s32 $0x10, s19;
	v6 =	vshll.u32 v7, $0x4;
	v7 =	vmax.f32 v8, v12  }
0x56: {  	v6 =	vor.u32 v16, v6;
	v0 =	vmax.f32 v7, v0  }
0x57: {  	v56 =	vor.u32 $0x1, v6;
	v0 =	vmax.f32 v0, v1  }
0x58: {  	v0 =	vmax.f32 v0, v3  }
0x59: {  	v1 =	vor.u32 $0x2, v6;
	v0 =	vmax.f32 v0, v4  }
0x5a: {  	s18 =	sadd.s32 $0x10, s18;
	v3 =	vor.u32 $0x3, v6;
	v0 =	vmax.f32 v0, v5  }
0x5b: {  	v57 =	vor.u32 $0x4, v6;
	[tilespmem:s18+$0x0] =	vst v0  }
0x5c: {  	v58 =	vor.u32 $0x5, v6;
	v0 =	vld.idx.msk [tilespmem:v56+s17+$0x0], $0xffff  }
0x5d: {  	v8 =	vor.u32 $0x6, v6;
	v59 =	vld.idx.msk [tilespmem:v6+s17+$0x0], $0xffff  }
0x5e: {  	v9 =	vor.u32 $0x7, v6;
	v1 =	vld.idx.msk [tilespmem:v1+s17+$0x0], $0xffff  }
0x5f: {  	v10 =	vor.u32 $0x8, v6;
	v3 =	vld.idx.msk [tilespmem:v3+s17+$0x0], $0xffff  }
0x60: {  	v11 =	vor.u32 $0x9, v6;
	v4 =	vld.idx.msk [tilespmem:v57+s17+$0x0], $0xffff  }
0x61: {  	v12 =	vor.u32 $0xA, v6;
	v5 =	vld.idx.msk [tilespmem:v58+s17+$0x0], $0xffff  }
0x62: {  	v13 =	vor.u32 $0xB, v6;
	v8 =	vld.idx.msk [tilespmem:v8+s17+$0x0], $0xffff;
	v0 =	vmax.f32 v59, v0  }
0x63: {  	v60 =	vld.idx.msk [tilespmem:v9+s17+$0x0], $0xffff;
	v9 =	vor.u32 $0xC, v6;
	v0 =	vmax.f32 v0, v1  }
0x64: {  	v1 =	vld.idx.msk [tilespmem:v10+s17+$0x0], $0xffff;
	v10 =	vor.u32 $0xD, v6;
	v0 =	vmax.f32 v0, v3  }
0x65: {  	v3 =	vld.idx.msk [tilespmem:v11+s17+$0x0], $0xffff;
	v11 =	vor.u32 $0xE, v6;
	v0 =	vmax.f32 v0, v4  }
0x66: {  	v61 =	vld.idx.msk [tilespmem:v12+s17+$0x0], $0xffff;
	v6 =	vor.u32 $0xF, v6;
	v0 =	vmax.f32 v0, v5  }
0x67: {  	v62 =	vld.idx.msk [tilespmem:v13+s17+$0x0], $0xffff;
	v0 =	vmax.f32 v0, v8  }
0x68: {  	v8 =	vld.idx.msk [tilespmem:v9+s17+$0x0], $0xffff;
	v0 =	vmax.f32 v0, v60  }
0x69: {  	v63 =	vld.idx.msk [tilespmem:v10+s17+$0x0], $0xffff;
	v0 =	vmax.f32 v0, v1  }
0x6a: {  	v1 =	vld.idx.msk [tilespmem:v11+s17+$0x0], $0xffff;
	v0 =	vmax.f32 v0, v3  }
0x6b: {  	v3 =	vld.idx.msk [tilespmem:v6+s17+$0x0], $0xffff;
	v0 =	vmax.f32 v0, v61  }
0x6c: {  	v0 =	vmax.f32 v0, v62  }
0x6d: {  	v0 =	vmax.f32 v0, v8  }
0x6e: {  	v0 =	vmax.f32 v0, v63  }
0x6f: {  	v0 =	vmax.f32 v0, v1  }
0x70: {  	s18 =	sadd.s32 $0x10, s18;
	v0 =	vmax.f32 v0, v3  }
0x71: {  	v10 =	vlaneseq.u32;
	[tilespmem:s18+$0x0] =	vst v0;
	s18 =	simm.s32 $0x0  }
.LBB2_4:
0x72: {  	v0 =	vld [tilespmem:$0x1F00]  }
0x73: {  	v1 =	vld [tilespmem:$0x1F10]  }
0x74: {  	v3 =	vld [tilespmem:$0x1F20]  }
0x75: {  	v4 =	vld [tilespmem:$0x1F30]  }
0x76: {  	v5 =	vld [tilespmem:$0x1F40]  }
0x77: {  	v6 =	vld [tilespmem:$0x1F50]  }
0x78: {  	v0 =	vmax.f32 v0, v1;
	v1 =	vld [tilespmem:$0x1F60]  }
0x79: {  	v0 =	vmax.f32 v0, v3;
	v3 =	vld [tilespmem:$0x1F70]  }
0x7a: {  	v49 =	vld [tilespmem:$0x1F80];
	v0 =	vmax.f32 v0, v4  }
0x7b: {  	v50 =	vld [tilespmem:$0x1F90];
	v0 =	vmax.f32 v0, v5  }
0x7c: {  	v51 =	vld [tilespmem:$0x1FA0];
	v0 =	vmax.f32 v0, v6  }
0x7d: {  	v0 =	vmax.f32 v0, v1;
	v1 =	vld [tilespmem:$0x1FB0]  }
0x7e: {  	v0 =	vmax.f32 v0, v3;
	v3 =	vld [tilespmem:$0x1FC0]  }
0x7f: {  	v52 =	vld [tilespmem:$0x1FD0];
	v0 =	vmax.f32 v0, v49  }
0x80: {  	v53 =	vld [tilespmem:$0x1FE0];
	v0 =	vmax.f32 v0, v50  }
0x81: {  	v54 =	vld [tilespmem:$0x1FF0];
	v0 =	vmax.f32 v0, v51  }
0x82: {  	v0 =	vmax.f32 v0, v1;
	v1 =	vld [tilespmem:$0x2000]  }
0x83: {  	v0 =	vmax.f32 v0, v3;
	v3 =	vld [tilespmem:$0x2010]  }
0x84: {  	v55 =	vld [tilespmem:$0x2020];
	v0 =	vmax.f32 v0, v52  }
0x85: {  	v56 =	vld [tilespmem:$0x2030];
	v0 =	vmax.f32 v0, v53  }
0x86: {  	v57 =	vld [tilespmem:$0x2040];
	v0 =	vmax.f32 v0, v54  }
0x87: {  	v0 =	vmax.f32 v0, v1;
	v1 =	vld [tilespmem:$0x2050]  }
0x88: {  	v0 =	vmax.f32 v0, v3;
	v3 =	vld [tilespmem:$0x2060]  }
0x89: {  	v58 =	vld [tilespmem:$0x2070];
	v0 =	vmax.f32 v0, v55  }
0x8a: {  	v59 =	vld [tilespmem:$0x2080];
	v0 =	vmax.f32 v0, v56  }
0x8b: {  	v60 =	vld [tilespmem:$0x2090];
	v0 =	vmax.f32 v0, v57  }
0x8c: {  	v0 =	vmax.f32 v0, v1;
	v1 =	vld [tilespmem:$0x20A0]  }
0x8d: {  	v0 =	vmax.f32 v0, v3;
	v3 =	vld [tilespmem:$0x20B0]  }
0x8e: {  	v61 =	vld [tilespmem:$0x20C0];
	v0 =	vmax.f32 v0, v58  }
0x8f: {  	v62 =	vld [tilespmem:$0x20D0];
	v0 =	vmax.f32 v0, v59  }
0x90: {  	v63 =	vld [tilespmem:$0x20E0];
	v0 =	vmax.f32 v0, v60  }
0x91: {  	v0 =	vmax.f32 v0, v1  }
0x92: {  	v0 =	vmax.f32 v0, v3  }
0x93: {  	v0 =	vmax.f32 v0, v61  }
0x94: {  	v0 =	vmax.f32 v0, v62  }
0x95: {  	v0 =	vmax.f32 v0, v63  }
0x96: {  	(xrf0) =	vmax.scan.msk.f32 $0xffff, v0;
	_ =	sdelay $0x2  }
0x97: {  	s19 =	simm.s32 $0x1F00  }
0x98: {  	p4 =	por $0x1, $0x1;
	v1 =	vld [tilespmem:s19+$0x0]  }
.Ltmp1:
0x99: {  	_ = 	snop;
	(pc) =	sbr.rel @!p4 .LBB2_5-.Ltmp1, $4  }
0x9a: {  	v0, _, _ =	vpop (xrf0)  }
0x9b: {  	s20 =	simm.s32 $0x10;
	v0 =	vbroadcast v0, $0xF  }
0x9c: {  	s21 =	simm.s32 $0x1F10;
	p0 =	por $0x0, $0x0;
	p1 =	por $0x0, $0x0  }
0x9d: {  	p2 =	por $0x0, $0x0;
	p3 =	por $0x0, $0x0;
	s19 =	simm.s32 $0x1F0;
	vm0 =	veq.f32 v1, v0;
	v1 =	vor.u32 s17, v2  }
0x9e: {  	v3 =	vld [tilespmem:s21+$0x0];
	p4 =	por $0x1, $0x1  }
.Ltmp2:
0x9f: {  	_ = 	snop;
	(pc) =	sbr.rel @!p4 .LBB2_7-.Ltmp2, $3  }
0xa0: {  	_ =	sdelay $0x1  }
0xa1: {  	v1 =	vnsel vm0, $0x800001F0, v1  }
0xa2: {  	s22 =	simm.s32 $0x20;
	p0 =	por $0x1, $0x1;
	(xrf0) =	vmin.scan.msk.u32 $0xffff, v1;
	v1 =	vor.u32 s20, v2;
	s20 =	simm.s32 $0x1F20;
	vm0 =	veq.f32 v3, v0  }
0xa3: {  	_ = 	snop  }
0xa4: {  	v3 =	vld [tilespmem:s20+$0x0];
	p4 =	por $0x1, $0x1  }
.Ltmp3:
0xa5: {  	_ = 	snop;
	(pc) =	sbr.rel @!p4 .LBB2_9-.Ltmp3, $3  }
0xa6: {  	_ =	sdelay $0x1  }
0xa7: {  	v1 =	vnsel vm0, $0x800001F0, v1;
	v4, _, _ =	vpop (xrf0)  }
0xa8: {  	s21 =	simm.s32 $0x30;
	s20 =	simm.s32 $0x1F30;
	p1 =	por $0x1, $0x1;
	(xrf0) =	vmin.scan.msk.u32 $0xffff, v1;
	vm0 =	veq.f32 v3, v0;
	v1 =	vor.u32 s22, v2;
	(v2sf) =	vpush v4, $0xF  }
0xa9: {  	_ =	sdelay $0x4  }
0xaa: {  	v4, _, _ =	vpop (xrf0)  }
0xab: {  	(v2sf) =	vpush v4, $0xF;
	_ =	sdelay $0x2  }
0xac: {  	v3 =	vld [tilespmem:s20+$0x0];
	p4 =	por $0x1, $0x1  }
.Ltmp4:
0xad: {  	_ = 	snop;
	(pc) =	sbr.rel @!p4 .LBB2_11-.Ltmp4, $3  }
0xae: {  	_ =	sdelay $0x1  }
0xaf: {  	v1 =	vnsel vm0, $0x800001F0, v1  }
0xb0: {  	s20 =	simm.s32 $0x40;
	p2 =	por $0x1, $0x1;
	(xrf0) =	vmin.scan.msk.u32 $0xffff, v1;
	vm0 =	veq.f32 v3, v0;
	v1 =	vor.u32 s21, v2;
	s21 =	simm.s32 $0x1F40  }
0xb1: {  	_ =	sdelay $0x4  }
0xb2: {  	v4, _, _ =	vpop (xrf0)  }
0xb3: {  	(v2sf) =	vpush v4, $0xF;
	_ =	sdelay $0x2  }
0xb4: {  	v3 =	vld [tilespmem:s21+$0x0];
	p4 =	por $0x1, $0x1  }
.Ltmp5:
0xb5: {  	v1 =	vnsel vm0, $0x800001F0, v1;
	(pc) =	sbr.rel @!p4 .LBB2_13-.Ltmp5, $3  }
0xb6: {  	(xrf0) =	vmin.scan.msk.u32 $0xffff, v1;
	_ =	sdelay $0x1  }
0xb7: {  	s22 =	simm.s32 $0x50;
	s23 =	simm.s32 $0x1F50  }
0xb8: {  	s21 =	spop (v2sf);
	p3 =	por $0x1, $0x1;
	vm0 =	veq.f32 v3, v0;
	v1 =	vor.u32 s20, v2;
	s20 =	simm.s32 $0x1F0  }
.LBB2_14:
0xb9: {  	s24 =	smov.u32 s20;
	p4 =	sne.s32 s22, $0x1E0  }
0xba: {  	v4 =	vnsel vm0, $0x800001F0, v1;
	s20 =	sxor.u32 $0x80000000, s21;
	s21 =	smov.u32 s22;
	s22 =	sadd.s32 $0x10, s22;
	v3 =	vld [tilespmem:s23+$0x0]  }
.Ltmp6:
0xbb: {  	p5 =	slt.s32 s24, s20;
	(xrf0) =	vmin.scan.msk.u32 $0xffff, v4;
	v1, _, _ =	vpop (xrf0);
	(pc) =	sbr.rel @p4 .LBB2_14-.Ltmp6, $2  }
0xbc: {  	s20 =	smov.u32 @p5 s24;
	(v2sf) =	vpush v1, $0xF;
	_ =	sdelay $0x2  }
0xbd: {  	s23 =	sadd.s32 $0x10, s23;
	v1 =	vor.u32 s21, v2;
	vm0 =	veq.f32 v3, v0;
	s21 =	spop (v2sf)  }
0xbe: {  	_ = 	snop  }
.LBB2_16:
0xbf: {  	v1 =	vnsel vm0, $0x800001F0, v1;
	_ =	sdelay $0x1  }
0xc0: {  	(xrf0) =	vmin.scan.msk.u32 $0xffff, v1  }
0xc1: {  	v1, _, _ =	vpop @p0 (xrf0)  }
0xc2: {  	(v2sf) =	vpush @p0 v1, $0xF;
	_ =	sdelay $0x3  }
0xc3: {  	v1, _, _ =	vpop (xrf0)  }
0xc4: {  	s21 =	sxor.u32 @p3 $0x80000000, s21;
	(v2sf) =	vpush v1, $0xF  }
0xc5: {  	p4 =	slt.s32 @p3 s20, s21  }
0xc6: {  	s22 =	spop @p2 (v2sf);
	p4 =	por !p4, !p3  }
0xc7: {  	s20 =	smov.u32 @p4 s21;
	s21 =	smov.u32 @p2 s22;
	s22 =	simm.s32 $0x1F0  }
0xc8: {  	s22 =	smov.u32 @p3 s20;
	s20 =	sxor.u32 @p2 $0x80000000, s21  }
0xc9: {  	p3 =	slt.s32 @p2 s22, s20  }
0xca: {  	p3 =	por !p3, !p2;
	s21 =	spop @p1 (v2sf)  }
0xcb: {  	s22 =	smov.u32 @p3 s20;
	s20 =	smov.u32 @p1 s21;
	s21 =	simm.s32 $0x1F0  }
0xcc: {  	s21 =	smov.u32 @p2 s22;
	s20 =	sxor.u32 @p1 $0x80000000, s20  }
0xcd: {  	p2 =	slt.s32 @p1 s21, s20  }
0xce: {  	p2 =	por !p2, !p1;
	s22 =	spop @p0 (v2sf)  }
0xcf: {  	s21 =	smov.u32 @p2 s20;
	s20 =	smov.u32 @p0 s22;
	s22 =	simm.s32 $0x1F0  }
0xd0: {  	s22 =	smov.u32 @p1 s21;
	s20 =	sxor.u32 @p0 $0x80000000, s20  }
0xd1: {  	p1 =	slt.s32 @p0 s22, s20  }
0xd2: {  	p1 =	por !p1, !p0  }
0xd3: {  	s26 =	spop (v2sf);
	s22 =	smov.u32 @p1 s20  }
0xd4: {  	s20 =	sxor.u32 $0x80000000, s26;
	s19 =	smov.u32 @p0 s22  }
0xd5: {  	p0 =	slt.s32 s19, s20  }
0xd6: {  	s20 =	smov.u32 @p0 s19  }
0xd7: {  	s19 =	sshll.u32 s20, $0x4  }
0xd8: {  	v1 =	vld [tilespmem:s19+$0x0];
	_ =	sdelay $0x4  }
0xd9: {  	vm12 =	veq.f32 v1, v0  }
0xda: {  	v0 =	vnsel vm12, $0x80000010, v2  }
0xdb: {  	(xrf0) =	vmin.scan.msk.u32 $0xffff, v0;
	_ =	sdelay $0x5  }
0xdc: {  	v0, _, _ =	vpop (xrf0)  }
0xdd: {  	(v2sf) =	vpush v0, $0xF;
	_ =	sdelay $0xc  }
0xde: {  	s28 =	sshra.s32 s20, $0x1F  }
0xdf: {  	s21 =	sshrl.u32 s28, $0x1C  }
0xe0: {  	s21 =	sadd.s32 s21, s20;
	s29 =	spop (v2sf)  }
0xe1: {  	s23 =	sand.u32 $0xFFFFFFF0, s21;
	s22 =	sxor.u32 $0x80000000, s29  }
0xe2: {  	p0 =	slt.s32 s20, $0x1;
	p6 =	sne.s32 s20, s23;
	v0 =	vmov s22  }
0xe3: {  	p0 =	por !p0, !p6;
	vm13 =	veq.s32 v0, v10  }
0xe4: {  	s23 =	simm.s32 $0x1;
	p0 =	por !p0, !p0;
	v0 =	vsel vm13, $0xFF800000, v1  }
0xe5: {  	s21 =	sshrl.u32 s21, $0x4;
	s23 =	simm.s32 @!p0 $0x0;
	(xrf0) =	vmax.scan.msk.f32 $0xffff, v0  }
0xe6: {  	s21 =	ssub.s32 s21, s23  }
0xe7: {  	s21 =	sshll.u32 s21, $0x6  }
0xe8: {  	s21 =	sshra.s32 s21, $0x2;
	[tilespmem:s19+$0x0] =	vst v0  }
0xe9: {  	v0 =	vld [tilespmem:s21+$0x1F00];
	_ =	sdelay $0x1  }
0xea: {  	s20 =	sand.u32 $0xF, s20;
	v1, _, _ =	vpop (xrf0)  }
0xeb: {  	v3 =	vmov s20;
	v1 =	vbroadcast v1, $0xF  }
0xec: {  	vm14 =	veq.s32 v3, v10  }
0xed: {  	v0 =	vsel vm14, v1, v0  }
0xee: {  	s19 =	sadd.s32 s19, s22;
	[tilespmem:s21+$0x1F00] =	vst v0  }
0xef: {  	s20 =	sshll.u32 s19, $0x7;
	v0 =	vld [tilespmem:$0x20F0]  }
0xf0: {  	s30 =	sshll.u32 s18, $0xD;
	p0 =	slt.s32 s20, $0xF41C0;
	v1 =	vmov s18;
	s18 =	sadd.s32 $0x1, s18  }
0xf1: {  	s20 =	simm.s32 @!p0 $0xF41C0;
	p0 =	sne.s32 s18, $0xA  }
.Ltmp7:
0xf2: {  	_ = 	snop;
	(pc) =	sbr.rel @p0 .LBB2_4-.Ltmp7, $4  }
.Ltmp8:
0xf3: {  	s20 =	sshll.u32 s20, $0x3;
	vm15 =	veq.s32 v1, v10;
	(pc) =	sbr.rel @!p0 .LBB2_17-.Ltmp8, $4  }
0xf4: {  	s31 =	sand.u32 $0x3FFFE000, s30;
	s20 =	sand.u32 $0x1FFFFE00, s20;
	v0 =	vsel vm15, s19, v0  }
0xf5: {  	s20 =	sadd.s32 s3, s20;
	s19 =	sadd.s32 $0x2100, s31;
	[tilespmem:$0x20F0] =	vst v0  }
0xf6: {  	[tilespmem:s19], [sflag:$0x1] =	stream.linear.gather [hbm4b:s20+s2], $0x2000, $0x38;
	[tilespmem:$0x16660] =	vst v63  }
0xf7: {  	_ = 	snop  }
.LBB2_5:
.Ltmp9:
0xf8: {  	(pc) =	sbr.rel .LBB2_16-.Ltmp9, $2  }
0xf9: {  	_ =	sdelay $0x2  }
0xfa: {  	s20 =	simm.s32 $0x1F0  }
.LBB2_7:
.Ltmp10:
0xfb: {  	(pc) =	sbr.rel .LBB2_16-.Ltmp10, $2  }
0xfc: {  	_ =	sdelay $0x2  }
0xfd: {  	s20 =	simm.s32 $0x1F0  }
.LBB2_9:
.Ltmp11:
0xfe: {  	(pc) =	sbr.rel .LBB2_16-.Ltmp11, $2  }
0xff: {  	_ =	sdelay $0x2  }
0x100: {  	s20 =	simm.s32 $0x1F0  }
.LBB2_11:
.Ltmp12:
0x101: {  	(pc) =	sbr.rel .LBB2_16-.Ltmp12, $2  }
0x102: {  	_ =	sdelay $0x2  }
0x103: {  	s20 =	simm.s32 $0x1F0  }
.LBB2_13:
.Ltmp13:
0x104: {  	(pc) =	sbr.rel .LBB2_16-.Ltmp13, $2  }
0x105: {  	_ =	sdelay $0x2  }
0x106: {  	s20 =	simm.s32 $0x1F0  }
.LBB2_17:
0x107: {  	_ =	swait.ge [sflag:s12], $0x2000  }
0x108: {  	[sflag:s12] =	ssyncset.done $0x0  }
0x109: {  	[sflag:s12] =	ssyncadd.s32 $0xFFFFE000  }
0x10a: {  	_ =	swait.ge [sflag:s12], $0x2000  }
0x10b: {  	[sflag:s12] =	ssyncset.done $0x0  }
0x10c: {  	[sflag:s12] =	ssyncadd.s32 $0xFFFFE000  }
0x10d: {  	_ =	swait.ge [sflag:s12], $0x2000  }
0x10e: {  	[sflag:s12] =	ssyncset.done $0x0  }
0x10f: {  	[sflag:s12] =	ssyncadd.s32 $0xFFFFE000  }
0x110: {  	_ =	swait.ge [sflag:s12], $0x2000  }
0x111: {  	[sflag:s12] =	ssyncset.done $0x0  }
0x112: {  	[sflag:s12] =	ssyncadd.s32 $0xFFFFE000  }
0x113: {  	_ =	swait.ge [sflag:s12], $0x2000  }
0x114: {  	[sflag:s12] =	ssyncset.done $0x0  }
0x115: {  	[sflag:s12] =	ssyncadd.s32 $0xFFFFE000  }
0x116: {  	_ =	swait.ge [sflag:s12], $0x2000  }
0x117: {  	[sflag:s12] =	ssyncset.done $0x0  }
0x118: {  	[sflag:s12] =	ssyncadd.s32 $0xFFFFE000  }
0x119: {  	_ =	swait.ge [sflag:s12], $0x2000  }
0x11a: {  	[sflag:s12] =	ssyncset.done $0x0  }
0x11b: {  	[sflag:s12] =	ssyncadd.s32 $0xFFFFE000  }
0x11c: {  	_ =	swait.ge [sflag:s12], $0x2000  }
0x11d: {  	[sflag:s12] =	ssyncset.done $0x0  }
0x11e: {  	[sflag:s12] =	ssyncadd.s32 $0xFFFFE000  }
0x11f: {  	s17 =	simm.s32 $0x0;
	_ =	swait.ge [sflag:s12], $0x2000  }
0x120: {  	v18 =	vmul.u32 $0x40, v10;
	v0 =	vmov s17;
	[sflag:s12] =	ssyncset.done $0x0  }
0x121: {  	v0 =	vshll.u32 v0, $0x6;
	[sflag:s12] =	ssyncadd.s32 $0xFFFFE000  }
0x122: {  	v0 =	vor.u32 v18, v0;
	_ =	swait.ge [sflag:s12], $0x2000  }
0x123: {  	[sflag:s12] =	ssyncset.done $0x0  }
0x124: {  	v1 =	vor.u32 $0x1, v0;
	[sflag:s12] =	ssyncadd.s32 $0xFFFFE000  }
0x125: {  	v3 =	vld [tilespmem:$0x16600]  }
0x126: {  	v4 =	vor.u32 $0x2, v0  }
0x127: {  	v5 =	vld.idx.msk [tilespmem:v0+s14+$0x0], $0xffff  }
0x128: {  	v6 =	vor.u32 $0x3, v0  }
0x129: {  	v1 =	vld.idx.msk [tilespmem:v1+s14+$0x0], $0xffff  }
0x12a: {  	v7 =	vor.u32 $0x4, v0;
	v9 =	vbroadcast v3, $0x0  }
0x12b: {  	v4 =	vld.idx.msk [tilespmem:v4+s14+$0x0], $0xffff  }
0x12c: {  	v8 =	vor.u32 $0x5, v0;
	v11 =	vbroadcast v3, $0x1;
	v5 =	vmul.f32 v5, v9  }
0x12d: {  	v6 =	vld.idx.msk [tilespmem:v6+s14+$0x0], $0xffff;
	v12 =	vbroadcast v3, $0x2  }
0x12e: {  	[tilespmem:$0x1FB90] =	vst v9;
	v9 =	vor.u32 $0x6, v0;
	v1 =	vmul.f32 v1, v11;
	v5 =	vadd.f32 $0.0e+00, v5  }
0x12f: {  	v7 =	vld.idx.msk [tilespmem:v7+s14+$0x0], $0xffff;
	v13 =	vbroadcast v3, $0x3  }
0x130: {  	[tilespmem:$0x1FBA0] =	vst v11;
	v11 =	vor.u32 $0x7, v0;
	v4 =	vmul.f32 v4, v12;
	v1 =	vadd.f32 v1, v5  }
0x131: {  	[tilespmem:$0x1FBB0] =	vst v12;
	v12 =	vbroadcast v3, $0x4;
	v5 =	vld.idx.msk [tilespmem:v8+s14+$0x0], $0xffff  }
0x132: {  	v8 =	vor.u32 $0x8, v0;
	v1 =	vadd.f32 v4, v1;
	v4 =	vmul.f32 v6, v13  }
0x133: {  	v15 =	vbroadcast v3, $0x5;
	v6 =	vld.idx.msk [tilespmem:v9+s14+$0x0], $0xffff  }
0x134: {  	[tilespmem:$0x1FBC0] =	vst v13;
	v13 =	vor.u32 $0x9, v0;
	v1 =	vadd.f32 v4, v1;
	v4 =	vmul.f32 v7, v12  }
0x135: {  	v14 =	vor.u32 $0xA, v0;
	v7 =	vld.idx.msk [tilespmem:v11+s14+$0x0], $0xffff  }
0x136: {  	v23 =	vbroadcast v3, $0x6;
	v1 =	vadd.f32 v4, v1;
	v4 =	vmul.f32 v5, v15  }
0x137: {  	v9 =	vbroadcast v3, $0x7;
	v5 =	vld.idx.msk [tilespmem:v8+s14+$0x0], $0xffff  }
0x138: {  	v8 =	vor.u32 $0xB, v0;
	v1 =	vadd.f32 v4, v1;
	v4 =	vmul.f32 v6, v23  }
0x139: {  	v16 =	vor.u32 $0xC, v0;
	v6 =	vld.idx.msk [tilespmem:v13+s14+$0x0], $0xffff  }
0x13a: {  	v11 =	vbroadcast v3, $0x8;
	v1 =	vadd.f32 v4, v1;
	v4 =	vmul.f32 v7, v9  }
0x13b: {  	v17 =	vor.u32 $0xD, v0;
	v7 =	vld.idx.msk [tilespmem:v14+s14+$0x0], $0xffff  }
0x13c: {  	v26 =	vbroadcast v3, $0x9;
	v1 =	vadd.f32 v4, v1;
	v4 =	vmul.f32 v5, v11  }
0x13d: {  	[tilespmem:$0x1FBF0] =	vst v9;
	v9 =	vbroadcast v3, $0xA;
	v5 =	vld.idx.msk [tilespmem:v8+s14+$0x0], $0xffff  }
0x13e: {  	v8 =	vor.u32 $0xE, v0;
	v1 =	vadd.f32 v4, v1;
	v4 =	vmul.f32 v6, v26  }
0x13f: {  	v19 =	vor.u32 $0xF, v0;
	v6 =	vld.idx.msk [tilespmem:v16+s14+$0x0], $0xffff  }
0x140: {  	[tilespmem:$0x1FC00] =	vst v11;
	v11 =	vbroadcast v3, $0xB;
	v1 =	vadd.f32 v4, v1;
	v4 =	vmul.f32 v7, v9  }
0x141: {  	v20 =	vor.u32 $0x10, v0;
	v7 =	vld.idx.msk [tilespmem:v17+s14+$0x0], $0xffff  }
0x142: {  	v29 =	vbroadcast v3, $0xC;
	v1 =	vadd.f32 v4, v1;
	v4 =	vmul.f32 v5, v11  }
0x143: {  	v21 =	vor.u32 $0x11, v0;
	v5 =	vld.idx.msk [tilespmem:v8+s14+$0x0], $0xffff  }
0x144: {  	[tilespmem:$0x1FC10] =	vst v9;
	v9 =	vbroadcast v3, $0xD;
	v8 =	vld [tilespmem:$0x16610];
	v1 =	vadd.f32 v4, v1;
	v4 =	vmul.f32 v6, v29  }
0x145: {  	v22 =	vor.u32 $0x12, v0;
	v6 =	vld.idx.msk [tilespmem:v19+s14+$0x0], $0xffff  }
0x146: {  	[tilespmem:$0x1FC20] =	vst v11;
	v11 =	vbroadcast v3, $0xE;
	v1 =	vadd.f32 v4, v1;
	v4 =	vmul.f32 v7, v9  }
0x147: {  	v32 =	vbroadcast v3, $0xF;
	v3 =	vld.idx.msk [tilespmem:v20+s14+$0x0], $0xffff  }
0x148: {  	v7 =	vor.u32 $0x13, v0;
	v1 =	vadd.f32 v4, v1;
	v4 =	vmul.f32 v5, v11  }
0x149: {  	v24 =	vor.u32 $0x14, v0;
	v5 =	vld.idx.msk [tilespmem:v21+s14+$0x0], $0xffff  }
0x14a: {  	[tilespmem:$0x1FC30] =	vst v9;
	v9 =	vbroadcast v8, $0x0;
	v1 =	vadd.f32 v4, v1;
	v4 =	vmul.f32 v6, v32  }
0x14b: {  	v25 =	vor.u32 $0x15, v0;
	v6 =	vld.idx.msk [tilespmem:v22+s14+$0x0], $0xffff  }
0x14c: {  	[tilespmem:$0x1FC40] =	vst v11;
	v11 =	vbroadcast v8, $0x1;
	v3 =	vmul.f32 v3, v9;
	v1 =	vadd.f32 v4, v1  }
0x14d: {  	v35 =	vbroadcast v8, $0x2;
	v4 =	vld.idx.msk [tilespmem:v7+s14+$0x0], $0xffff  }
0x14e: {  	v7 =	vor.u32 $0x16, v0;
	v1 =	vadd.f32 v3, v1;
	v3 =	vmul.f32 v5, v11  }
0x14f: {  	v27 =	vor.u32 $0x17, v0;
	v5 =	vld.idx.msk [tilespmem:v24+s14+$0x0], $0xffff  }
0x150: {  	[tilespmem:$0x1FC50] =	vst v9;
	v9 =	vbroadcast v8, $0x3;
	v1 =	vadd.f32 v3, v1;
	v3 =	vmul.f32 v6, v35  }
0x151: {  	v28 =	vor.u32 $0x18, v0;
	v6 =	vld.idx.msk [tilespmem:v25+s14+$0x0], $0xffff  }
0x152: {  	[tilespmem:$0x1FC60] =	vst v11;
	v11 =	vbroadcast v8, $0x4;
	v1 =	vadd.f32 v3, v1;
	v3 =	vmul.f32 v4, v9  }
0x153: {  	v38 =	vbroadcast v8, $0x5;
	v4 =	vld.idx.msk [tilespmem:v7+s14+$0x0], $0xffff  }
0x154: {  	v7 =	vor.u32 $0x19, v0;
	v1 =	vadd.f32 v3, v1;
	v3 =	vmul.f32 v5, v11  }
0x155: {  	v30 =	vor.u32 $0x1A, v0;
	v5 =	vld.idx.msk [tilespmem:v27+s14+$0x0], $0xffff  }
0x156: {  	v39 =	vbroadcast v8, $0x6;
	v1 =	vadd.f32 v3, v1;
	v3 =	vmul.f32 v6, v38  }
0x157: {  	v31 =	vor.u32 $0x1B, v0;
	v6 =	vld.idx.msk [tilespmem:v28+s14+$0x0], $0xffff  }
0x158: {  	[tilespmem:$0x1FC70] =	vst v9;
	v9 =	vbroadcast v8, $0x7;
	v1 =	vadd.f32 v3, v1;
	v3 =	vmul.f32 v4, v39  }
0x159: {  	v41 =	vbroadcast v8, $0x8;
	v4 =	vld.idx.msk [tilespmem:v7+s14+$0x0], $0xffff  }
0x15a: {  	v7 =	vor.u32 $0x1C, v0;
	v1 =	vadd.f32 v3, v1;
	v3 =	vmul.f32 v5, v9  }
0x15b: {  	v33 =	vor.u32 $0x1D, v0;
	v5 =	vld.idx.msk [tilespmem:v30+s14+$0x0], $0xffff  }
0x15c: {  	v42 =	vbroadcast v8, $0x9;
	v1 =	vadd.f32 v3, v1;
	v3 =	vmul.f32 v6, v41  }
0x15d: {  	v34 =	vor.u32 $0x1E, v0;
	v6 =	vld.idx.msk [tilespmem:v31+s14+$0x0], $0xffff  }
0x15e: {  	[tilespmem:$0x1FC90] =	vst v9;
	v9 =	vbroadcast v8, $0xA;
	v1 =	vadd.f32 v3, v1;
	v3 =	vmul.f32 v4, v42  }
0x15f: {  	v44 =	vbroadcast v8, $0xB;
	v4 =	vld.idx.msk [tilespmem:v7+s14+$0x0], $0xffff  }
0x160: {  	v7 =	vor.u32 $0x1F, v0;
	v1 =	vadd.f32 v3, v1;
	v3 =	vmul.f32 v5, v9  }
0x161: {  	v36 =	vor.u32 $0x20, v0;
	v5 =	vld.idx.msk [tilespmem:v33+s14+$0x0], $0xffff  }
0x162: {  	v45 =	vbroadcast v8, $0xC;
	v1 =	vadd.f32 v3, v1;
	v3 =	vmul.f32 v6, v44  }
0x163: {  	v37 =	vor.u32 $0x21, v0;
	v6 =	vld.idx.msk [tilespmem:v34+s14+$0x0], $0xffff  }
0x164: {  	v51 =	vld [tilespmem:$0x16620];
	[tilespmem:$0x1FCA0] =	vst v9;
	v9 =	vbroadcast v8, $0xD;
	v1 =	vadd.f32 v3, v1;
	v3 =	vmul.f32 v4, v45  }
0x165: {  	v47 =	vbroadcast v8, $0xE;
	v4 =	vld.idx.msk [tilespmem:v7+s14+$0x0], $0xffff  }
0x166: {  	v7 =	vor.u32 $0x22, v0;
	v1 =	vadd.f32 v3, v1;
	v3 =	vmul.f32 v5, v9  }
0x167: {  	v48 =	vbroadcast v8, $0xF;
	v5 =	vld.idx.msk [tilespmem:v36+s14+$0x0], $0xffff  }
0x168: {  	v8 =	vor.u32 $0x23, v0;
	v1 =	vadd.f32 v3, v1;
	v3 =	vmul.f32 v6, v47  }
0x169: {  	v40 =	vor.u32 $0x24, v0;
	v6 =	vld.idx.msk [tilespmem:v37+s14+$0x0], $0xffff  }
0x16a: {  	[tilespmem:$0x1FCB0] =	vst v9;
	v9 =	vbroadcast v51, $0x0;
	v1 =	vadd.f32 v3, v1;
	v3 =	vmul.f32 v4, v48  }
0x16b: {  	v50 =	vbroadcast v51, $0x1;
	v4 =	vld.idx.msk [tilespmem:v7+s14+$0x0], $0xffff  }
0x16c: {  	v7 =	vor.u32 $0x25, v0;
	v1 =	vadd.f32 v3, v1;
	v3 =	vmul.f32 v5, v9  }
0x16d: {  	[tilespmem:$0x1FCC0] =	vst v9;
	v9 =	vbroadcast v51, $0x2;
	v5 =	vld.idx.msk [tilespmem:v8+s14+$0x0], $0xffff  }
0x16e: {  	v8 =	vor.u32 $0x26, v0;
	v1 =	vadd.f32 v3, v1;
	v3 =	vmul.f32 v6, v50  }
0x16f: {  	v43 =	vor.u32 $0x27, v0;
	v6 =	vld.idx.msk [tilespmem:v40+s14+$0x0], $0xffff  }
0x170: {  	[tilespmem:$0x1FC80] =	vst v11;
	v11 =	vbroadcast v51, $0x3;
	v1 =	vadd.f32 v3, v1;
	v3 =	vmul.f32 v4, v9  }
0x171: {  	[tilespmem:$0x1FCD0] =	vst v9;
	v9 =	vbroadcast v51, $0x4;
	v4 =	vld.idx.msk [tilespmem:v7+s14+$0x0], $0xffff  }
0x172: {  	v7 =	vor.u32 $0x28, v0;
	v1 =	vadd.f32 v3, v1;
	v3 =	vmul.f32 v5, v11  }
0x173: {  	v54 =	vbroadcast v51, $0x5;
	v5 =	vld.idx.msk [tilespmem:v8+s14+$0x0], $0xffff  }
0x174: {  	v8 =	vor.u32 $0x29, v0;
	v1 =	vadd.f32 v3, v1;
	v3 =	vmul.f32 v6, v9  }
0x175: {  	v46 =	vor.u32 $0x2A, v0;
	v6 =	vld.idx.msk [tilespmem:v43+s14+$0x0], $0xffff  }
0x176: {  	[tilespmem:$0x1FCF0] =	vst v9;
	v9 =	vbroadcast v51, $0x6;
	v1 =	vadd.f32 v3, v1;
	v3 =	vmul.f32 v4, v54  }
0x177: {  	[tilespmem:$0x1FCE0] =	vst v11;
	v11 =	vbroadcast v51, $0x7;
	v4 =	vld.idx.msk [tilespmem:v7+s14+$0x0], $0xffff  }
0x178: {  	v7 =	vor.u32 $0x2B, v0;
	v1 =	vadd.f32 v3, v1;
	v3 =	vmul.f32 v5, v9  }
0x179: {  	v57 =	vbroadcast v51, $0x8;
	v5 =	vld.idx.msk [tilespmem:v8+s14+$0x0], $0xffff  }
0x17a: {  	v8 =	vor.u32 $0x2C, v0;
	v1 =	vadd.f32 v3, v1;
	v3 =	vmul.f32 v6, v11  }
0x17b: {  	v49 =	vor.u32 $0x2D, v0;
	v6 =	vld.idx.msk [tilespmem:v46+s14+$0x0], $0xffff  }
0x17c: {  	[tilespmem:$0x1FD00] =	vst v9;
	v9 =	vbroadcast v51, $0x9;
	v1 =	vadd.f32 v3, v1;
	v3 =	vmul.f32 v4, v57  }
0x17d: {  	[tilespmem:$0x1FD10] =	vst v11;
	v11 =	vbroadcast v51, $0xA;
	v4 =	vld.idx.msk [tilespmem:v7+s14+$0x0], $0xffff  }
0x17e: {  	v7 =	vor.u32 $0x2E, v0;
	v1 =	vadd.f32 v3, v1;
	v3 =	vmul.f32 v5, v9  }
0x17f: {  	[tilespmem:$0x1FD20] =	vst v9;
	v9 =	vbroadcast v51, $0xB;
	v5 =	vld.idx.msk [tilespmem:v8+s14+$0x0], $0xffff  }
0x180: {  	v8 =	vor.u32 $0x2F, v0;
	v1 =	vadd.f32 v3, v1;
	v3 =	vmul.f32 v6, v11  }
0x181: {  	v52 =	vor.u32 $0x30, v0;
	v6 =	vld.idx.msk [tilespmem:v49+s14+$0x0], $0xffff  }
0x182: {  	[tilespmem:$0x1FD30] =	vst v11;
	v11 =	vbroadcast v51, $0xC;
	v1 =	vadd.f32 v3, v1;
	v3 =	vmul.f32 v4, v9  }
0x183: {  	v53 =	vor.u32 $0x31, v0;
	v4 =	vld.idx.msk [tilespmem:v7+s14+$0x0], $0xffff  }
0x184: {  	[tilespmem:$0x1FD40] =	vst v9;
	v9 =	vbroadcast v51, $0xD;
	v7 =	vld [tilespmem:$0x16630];
	v1 =	vadd.f32 v3, v1;
	v3 =	vmul.f32 v5, v11  }
0x185: {  	[tilespmem:$0x1FD50] =	vst v11;
	v11 =	vbroadcast v51, $0xE;
	v5 =	vld.idx.msk [tilespmem:v8+s14+$0x0], $0xffff  }
0x186: {  	v8 =	vor.u32 $0x32, v0;
	v1 =	vadd.f32 v3, v1;
	v3 =	vmul.f32 v6, v9  }
0x187: {  	v55 =	vor.u32 $0x33, v0;
	v6 =	vld.idx.msk [tilespmem:v52+s14+$0x0], $0xffff  }
0x188: {  	[tilespmem:$0x1FD60] =	vst v9;
	v9 =	vbroadcast v51, $0xF;
	v1 =	vadd.f32 v3, v1;
	v3 =	vmul.f32 v4, v11  }
0x189: {  	[tilespmem:$0x1FD70] =	vst v11;
	v4 =	vld.idx.msk [tilespmem:v53+s14+$0x0], $0xffff;
	v11 =	vbroadcast v7, $0x0  }
0x18a: {  	v1 =	vadd.f32 v3, v1;
	v3 =	vmul.f32 v5, v9;
	v5 =	vor.u32 $0x34, v0  }
0x18b: {  	[tilespmem:$0x1FD90] =	vst v9;
	v8 =	vld.idx.msk [tilespmem:v8+s14+$0x0], $0xffff;
	v9 =	vbroadcast v7, $0x1  }
0x18c: {  	v1 =	vadd.f32 v3, v1;
	v3 =	vmul.f32 v6, v11;
	v6 =	vor.u32 $0x35, v0  }
0x18d: {  	v56 =	vld.idx.msk [tilespmem:v55+s14+$0x0], $0xffff;
	[tilespmem:$0x1FDC0] =	vst v11;
	v11 =	vbroadcast v7, $0x2  }
0x18e: {  	s18 =	simm.s32 $0x0;
	v1 =	vadd.f32 v3, v1;
	v3 =	vmul.f32 v4, v9;
	v4 =	vor.u32 $0x36, v0  }
0x18f: {  	v58 =	vmov s18;
	[tilespmem:$0x1FDE0] =	vst v9;
	v9 =	vbroadcast v7, $0x3;
	v5 =	vld.idx.msk [tilespmem:v5+s14+$0x0], $0xffff  }
0x190: {  	v1 =	vadd.f32 v3, v1;
	v3 =	vmul.f32 v8, v11;
	v8 =	vor.u32 $0x37, v0  }
0x191: {  	v59 =	vor.u32 $0x38, v0;
	v6 =	vld.idx.msk [tilespmem:v6+s14+$0x0], $0xffff  }
0x192: {  	[tilespmem:$0x1FE30] =	vst v9;
	v1 =	vadd.f32 v3, v1;
	v3 =	vmul.f32 v56, v9;
	v9 =	vbroadcast v7, $0x4  }
0x193: {  	v60 =	vor.u32 $0x39, v0;
	v4 =	vld.idx.msk [tilespmem:v4+s14+$0x0], $0xffff  }
0x194: {  	[tilespmem:$0x1FE00] =	vst v11;
	v11 =	vbroadcast v7, $0x5;
	v1 =	vadd.f32 v3, v1;
	v3 =	vld.idx.msk [tilespmem:v58+s13+$0x0], $0xffff;
	v5 =	vmul.f32 v5, v9  }
0x195: {  	v8 =	vld.idx.msk [tilespmem:v8+s14+$0x0], $0xffff  }
0x196: {  	[tilespmem:$0x1FE60] =	vst v9;
	v9 =	vbroadcast v7, $0x6;
	v1 =	vadd.f32 v5, v1;
	v5 =	vmul.f32 v6, v11  }
0x197: {  	v61 =	vor.u32 $0x3A, v0;
	v6 =	vld.idx.msk [tilespmem:v59+s14+$0x0], $0xffff  }
0x198: {  	[tilespmem:$0x1FEC0] =	vst v9;
	v1 =	vadd.f32 v5, v1;
	v4 =	vmul.f32 v4, v9;
	v9 =	vbroadcast v7, $0x7  }
0x199: {  	v62 =	vld.idx.msk [tilespmem:v60+s14+$0x0], $0xffff;
	v5 =	vor.u32 $0x3B, v0;
	(v2sf) =	vpush v3, $0x0  }
0x19a: {  	v3 =	vbroadcast v7, $0x8;
	v1 =	vadd.f32 v4, v1;
	v4 =	vmul.f32 v8, v9  }
0x19b: {  	v8 =	vor.u32 $0x3C, v0  }
0x19c: {  	v63 =	vld.idx.msk [tilespmem:v61+s14+$0x0], $0xffff;
	v6 =	vmul.f32 v6, v3;
	v1 =	vadd.f32 v4, v1;
	v4 =	vbroadcast v7, $0x9  }
0x19d: {  	[tilespmem:$0x1FF20] =	vst v3;
	v3 =	vor.u32 $0x3D, v0  }
0x19e: {  	[tilespmem:$0x1FEF0] =	vst v9;
	v9 =	vld.idx.msk [tilespmem:v5+s14+$0x0], $0xffff;
	v1 =	vadd.f32 v6, v1;
	v6 =	vmul.f32 v62, v4  }
0x19f: {  	v14 =	vbroadcast v7, $0xA;
	[tilespmem:$0x1FF50] =	vst v4;
	v4 =	vor.u32 $0x3E, v0  }
0x1a0: {  	v1 =	vadd.f32 v6, v1;
	v6 =	vld.idx.msk [tilespmem:v8+s14+$0x0], $0xffff  }
0x1a1: {  	[tilespmem:$0x1FBD0] =	vst v12;
	v12 =	vbroadcast v7, $0xB;
	v8 =	vor.u32 $0x3F, v0;
	v0 =	vmul.f32 v63, v14  }
0x1a2: {  	v5 =	vld.idx.msk [tilespmem:v3+s14+$0x0], $0xffff  }
0x1a3: {  	[tilespmem:$0x1FE90] =	vst v11;
	v11 =	vbroadcast v7, $0xC;
	v1 =	vadd.f32 v0, v1;
	v3 =	vmul.f32 v9, v12  }
0x1a4: {  	v0 =	vld.idx.msk [tilespmem:v4+s14+$0x0], $0xffff  }
0x1a5: {  	v9 =	vbroadcast v7, $0xD;
	v1 =	vadd.f32 v3, v1;
	v4 =	vmul.f32 v6, v11  }
0x1a6: {  	v6 =	vld.idx.msk [tilespmem:v8+s14+$0x0], $0xffff  }
0x1a7: {  	v13 =	vbroadcast v7, $0xE;
	v5 =	vmul.f32 v5, v9;
	v1 =	vadd.f32 v4, v1  }
0x1a8: {  	s29 =	spop (v2sf)  }
0x1a9: {  	s19 =	simm.s32 $0x10;
	v5 =	vadd.f32 v5, v1;
	v1 =	vbroadcast v7, $0xF;
	s18 =	sshll.u32 s29, $0x7;
	v7 =	vmul.f32 v0, v13  }
0x1aa: {  	v8 =	vmov s19;
	p0 =	slt.s32 s18, $0xF41C0;
	s20 =	smov.u32 s18  }
0x1ab: {  	s21 =	sand.u32 $0x70, s17;
	v7 =	vadd.f32 v7, v5;
	v5 =	vshll.u32 v8, $0x6;
	s20 =	simm.s32 @!p0 $0xF41C0;
	v6 =	vmul.f32 v6, v1  }
0x1ac: {  	v5 =	vor.u32 v18, v5;
	s20 =	sadd.s32 s21, s20  }
0x1ad: {  	v0 =	vmovc v1;
	v6 =	vadd.f32 v6, v7;
	v7 =	vor.u32 s20, v10;
	v1 =	vor.u32 $0x1, v5  }
0x1ae: {  	vm0 =	vlt.s32 v7, s18  }
0x1af: {  	s20 =	simm.s32 $0x16100;
	v6 =	vsel vm0, $0xFF800000, v6  }
0x1b0: {  	[tilespmem:s20+$0x0] =	vst v6  }
0x1b1: {  	v8 =	vld.idx.msk [tilespmem:v5+s14+$0x0], $0xffff  }
0x1b2: {  	[tilespmem:$0x1FBE0] =	vst v15;
	v15 =	vld.idx.msk [tilespmem:v1+s14+$0x0], $0xffff  }
0x1b3: {  	v1 =	vld [tilespmem:$0x1FB90];
	_ =	sdelay $0x3  }
0x1b4: {  	v6 =	vor.u32 $0x2, v5  }
0x1b5: {  	v17 =	vmov v1;
	v8 =	vmul.f32 v8, v1;
	v1 =	vld [tilespmem:$0x1FBA0];
	_ =	sdelay $0x3  }
0x1b6: {  	v7 =	vor.u32 $0x3, v5;
	v16 =	vld.idx.msk [tilespmem:v6+s14+$0x0], $0xffff  }
0x1b7: {  	v22 =	vmov v18;
	v18 =	vmov v1;
	v6 =	vmul.f32 v15, v1;
	v1 =	vld [tilespmem:$0x1FBB0];
	_ =	sdelay $0x2  }
0x1b8: {  	v8 =	vadd.f32 $0.0e+00, v8  }
0x1b9: {  	v4 =	vor.u32 $0x4, v5;
	v3 =	vld.idx.msk [tilespmem:v7+s14+$0x0], $0xffff  }
0x1ba: {  	v6 =	vadd.f32 v6, v8;
	v8 =	vmul.f32 v16, v1;
	v1 =	vld [tilespmem:$0x1FBC0];
	_ =	sdelay $0x3  }
0x1bb: {  	v19 =	vor.u32 $0x5, v5;
	v4 =	vld.idx.msk [tilespmem:v4+s14+$0x0], $0xffff  }
0x1bc: {  	v6 =	vadd.f32 v8, v6;
	v16 =	vmov v1;
	v8 =	vmul.f32 v3, v1;
	v1 =	vld [tilespmem:$0x1FBD0];
	_ =	sdelay $0x2  }
0x1bd: {  	v7 =	vor.u32 $0x6, v5  }
0x1be: {  	v20 =	vor.u32 $0x7, v5;
	v21 =	vld.idx.msk [tilespmem:v19+s14+$0x0], $0xffff  }
0x1bf: {  	v6 =	vadd.f32 v8, v6;
	v19 =	vmov v1;
	v8 =	vmul.f32 v4, v1;
	v1 =	vld [tilespmem:$0x1FBE0];
	_ =	sdelay $0x2  }
0x1c0: {  	v3 =	vld.idx.msk [tilespmem:v7+s14+$0x0], $0xffff  }
0x1c1: {  	v24 =	vor.u32 $0x8, v5;
	v4 =	vld.idx.msk [tilespmem:v20+s14+$0x0], $0xffff  }
0x1c2: {  	v6 =	vadd.f32 v8, v6;
	v20 =	vmov v1;
	v8 =	vmul.f32 v21, v1;
	v1 =	vld [tilespmem:$0x1FBF0];
	_ =	sdelay $0x2  }
0x1c3: {  	v7 =	vor.u32 $0x9, v5;
	v6 =	vadd.f32 v8, v6;
	v8 =	vmul.f32 v3, v23  }
0x1c4: {  	v27 =	vor.u32 $0xA, v5;
	v25 =	vld.idx.msk [tilespmem:v24+s14+$0x0], $0xffff  }
0x1c5: {  	v21 =	vmovc v23;
	v6 =	vadd.f32 v8, v6;
	v23 =	vmov v1;
	v8 =	vmul.f32 v4, v1;
	v1 =	vld [tilespmem:$0x1FC00];
	_ =	sdelay $0x2  }
0x1c6: {  	v3 =	vld.idx.msk [tilespmem:v7+s14+$0x0], $0xffff  }
0x1c7: {  	v28 =	vor.u32 $0xB, v5;
	v4 =	vld.idx.msk [tilespmem:v27+s14+$0x0], $0xffff  }
0x1c8: {  	v6 =	vadd.f32 v8, v6;
	v24 =	vmov v1;
	v8 =	vmul.f32 v25, v1;
	v1 =	vld [tilespmem:$0x1FC10];
	_ =	sdelay $0x2  }
0x1c9: {  	v7 =	vor.u32 $0xC, v5;
	v6 =	vadd.f32 v8, v6;
	v8 =	vmul.f32 v3, v26  }
0x1ca: {  	v28 =	vld.idx.msk [tilespmem:v28+s14+$0x0], $0xffff;
	v27 =	vor.u32 $0xD, v5  }
0x1cb: {  	v25 =	vmovc v26;
	v6 =	vadd.f32 v8, v6;
	v26 =	vmov v1;
	v8 =	vmul.f32 v4, v1;
	v1 =	vld [tilespmem:$0x1FC20];
	_ =	sdelay $0x2  }
0x1cc: {  	v3 =	vld.idx.msk [tilespmem:v7+s14+$0x0], $0xffff  }
0x1cd: {  	v30 =	vor.u32 $0xE, v5;
	v4 =	vld.idx.msk [tilespmem:v27+s14+$0x0], $0xffff  }
0x1ce: {  	v6 =	vadd.f32 v8, v6;
	v27 =	vmov v1;
	v8 =	vmul.f32 v28, v1;
	v1 =	vld [tilespmem:$0x1FC30];
	_ =	sdelay $0x2  }
0x1cf: {  	v7 =	vor.u32 $0xF, v5;
	v6 =	vadd.f32 v8, v6;
	v8 =	vmul.f32 v3, v29  }
0x1d0: {  	v60 =	vor.u32 $0x10, v5;
	v31 =	vld.idx.msk [tilespmem:v30+s14+$0x0], $0xffff  }
0x1d1: {  	v28 =	vmovc v29;
	v6 =	vadd.f32 v8, v6;
	v29 =	vmov v1;
	v8 =	vmul.f32 v4, v1;
	v1 =	vld [tilespmem:$0x1FC40];
	_ =	sdelay $0x2  }
0x1d2: {  	v3 =	vld.idx.msk [tilespmem:v7+s14+$0x0], $0xffff  }
0x1d3: {  	v61 =	vor.u32 $0x11, v5;
	v4 =	vld.idx.msk [tilespmem:v60+s14+$0x0], $0xffff  }
0x1d4: {  	v6 =	vadd.f32 v8, v6;
	v30 =	vmov v1;
	v8 =	vmul.f32 v31, v1;
	v1 =	vld [tilespmem:$0x1FC50];
	_ =	sdelay $0x2  }
0x1d5: {  	v7 =	vor.u32 $0x12, v5;
	v6 =	vadd.f32 v8, v6;
	v8 =	vmul.f32 v3, v32  }
0x1d6: {  	v62 =	vor.u32 $0x13, v5;
	v34 =	vld.idx.msk [tilespmem:v61+s14+$0x0], $0xffff  }
0x1d7: {  	v31 =	vmovc v32;
	v6 =	vadd.f32 v8, v6;
	v32 =	vmov v1;
	v8 =	vmul.f32 v4, v1;
	v1 =	vld [tilespmem:$0x1FC60];
	_ =	sdelay $0x2  }
0x1d8: {  	v3 =	vld.idx.msk [tilespmem:v7+s14+$0x0], $0xffff  }
0x1d9: {  	v63 =	vor.u32 $0x14, v5;
	v4 =	vld.idx.msk [tilespmem:v62+s14+$0x0], $0xffff  }
0x1da: {  	v6 =	vadd.f32 v8, v6;
	v33 =	vmov v1;
	v8 =	vmul.f32 v34, v1;
	v1 =	vld [tilespmem:$0x1FC70];
	_ =	sdelay $0x2  }
0x1db: {  	v7 =	vor.u32 $0x15, v5;
	v6 =	vadd.f32 v8, v6;
	v8 =	vmul.f32 v3, v35  }
0x1dc: {  	v49 =	vld.idx.msk [tilespmem:v63+s14+$0x0], $0xffff  }
0x1dd: {  	v46 =	vor.u32 $0x16, v5;
	v34 =	vmovc v35;
	v6 =	vadd.f32 v8, v6;
	v35 =	vmovc v1;
	v8 =	vmul.f32 v4, v1;
	v1 =	vld [tilespmem:$0x1FC80];
	_ =	sdelay $0x2  }
0x1de: {  	v3 =	vld.idx.msk [tilespmem:v7+s14+$0x0], $0xffff  }
0x1df: {  	v51 =	vor.u32 $0x17, v5  }
0x1e0: {  	v4 =	vld.idx.msk [tilespmem:v46+s14+$0x0], $0xffff;
	v6 =	vadd.f32 v8, v6;
	v36 =	vmovc v1;
	v8 =	vmul.f32 v49, v1;
	v1 =	vor.u32 $0x19, v5;
	_ =	sdelay $0x2  }
0x1e1: {  	v6 =	vadd.f32 v8, v6;
	v8 =	vmul.f32 v3, v38  }
0x1e2: {  	v52 =	vld.idx.msk [tilespmem:v51+s14+$0x0], $0xffff;
	v7 =	vor.u32 $0x18, v5  }
0x1e3: {  	v6 =	vadd.f32 v8, v6;
	v8 =	vmul.f32 v4, v39;
	v4 =	vld.idx.msk [tilespmem:v1+s14+$0x0], $0xffff  }
0x1e4: {  	v1 =	vld [tilespmem:$0x1FC90];
	_ =	sdelay $0x2  }
0x1e5: {  	v3 =	vld.idx.msk [tilespmem:v7+s14+$0x0], $0xffff  }
0x1e6: {  	v37 =	vmov v38;
	v53 =	vor.u32 $0x1A, v5  }
0x1e7: {  	v38 =	vmovc v39;
	v6 =	vadd.f32 v8, v6;
	v39 =	vmovc v1;
	v8 =	vmul.f32 v52, v1;
	v1 =	vor.u32 $0x1C, v5;
	_ =	sdelay $0x2  }
0x1e8: {  	v6 =	vadd.f32 v8, v6;
	v8 =	vmul.f32 v3, v41  }
0x1e9: {  	v43 =	vld.idx.msk [tilespmem:v53+s14+$0x0], $0xffff;
	v7 =	vor.u32 $0x1B, v5  }
0x1ea: {  	v6 =	vadd.f32 v8, v6;
	v8 =	vmul.f32 v4, v42;
	v4 =	vld.idx.msk [tilespmem:v1+s14+$0x0], $0xffff  }
0x1eb: {  	v1 =	vld [tilespmem:$0x1FCA0];
	_ =	sdelay $0x2  }
0x1ec: {  	v3 =	vld.idx.msk [tilespmem:v7+s14+$0x0], $0xffff  }
0x1ed: {  	v40 =	vmov v41;
	v55 =	vor.u32 $0x1D, v5  }
0x1ee: {  	v41 =	vmovc v42;
	v6 =	vadd.f32 v8, v6;
	v42 =	vmovc v1;
	v8 =	vmul.f32 v43, v1;
	v1 =	vor.u32 $0x1F, v5;
	_ =	sdelay $0x2  }
0x1ef: {  	v6 =	vadd.f32 v8, v6;
	v8 =	vmul.f32 v3, v44  }
0x1f0: {  	v46 =	vld.idx.msk [tilespmem:v55+s14+$0x0], $0xffff;
	v7 =	vor.u32 $0x1E, v5  }
0x1f1: {  	v6 =	vadd.f32 v8, v6;
	v8 =	vmul.f32 v4, v45;
	v4 =	vld.idx.msk [tilespmem:v1+s14+$0x0], $0xffff  }
0x1f2: {  	v1 =	vld [tilespmem:$0x1FCB0];
	_ =	sdelay $0x2  }
0x1f3: {  	v3 =	vld.idx.msk [tilespmem:v7+s14+$0x0], $0xffff  }
0x1f4: {  	v56 =	vor.u32 $0x20, v5;
	v43 =	vmov v44  }
0x1f5: {  	v44 =	vmovc v45;
	v6 =	vadd.f32 v8, v6;
	v45 =	vmovc v1;
	v8 =	vmul.f32 v46, v1;
	v1 =	vor.u32 $0x22, v5;
	_ =	sdelay $0x2  }
0x1f6: {  	v6 =	vadd.f32 v8, v6;
	v8 =	vmul.f32 v3, v47  }
0x1f7: {  	v49 =	vld.idx.msk [tilespmem:v56+s14+$0x0], $0xffff;
	v7 =	vor.u32 $0x21, v5  }
0x1f8: {  	v6 =	vadd.f32 v8, v6;
	v8 =	vmul.f32 v4, v48;
	v4 =	vld.idx.msk [tilespmem:v1+s14+$0x0], $0xffff  }
0x1f9: {  	v1 =	vld [tilespmem:$0x1FCC0];
	_ =	sdelay $0x2  }
0x1fa: {  	v3 =	vld.idx.msk [tilespmem:v7+s14+$0x0], $0xffff  }
0x1fb: {  	v58 =	vor.u32 $0x23, v5  }
0x1fc: {  	v46 =	vmovc v47;
	v47 =	vmovc v48;
	v6 =	vadd.f32 v8, v6;
	v48 =	vmov v1;
	v8 =	vmul.f32 v49, v1;
	v1 =	vld [tilespmem:$0x1FCD0];
	_ =	sdelay $0x2  }
0x1fd: {  	v6 =	vadd.f32 v8, v6;
	v8 =	vmul.f32 v3, v50  }
0x1fe: {  	v60 =	vld.idx.msk [tilespmem:v58+s14+$0x0], $0xffff;
	v7 =	vor.u32 $0x24, v5  }
0x1ff: {  	v49 =	vmovc v50;
	v6 =	vadd.f32 v8, v6;
	v50 =	vmov v1;
	v8 =	vmul.f32 v4, v1;
	v1 =	vld [tilespmem:$0x1FCE0];
	_ =	sdelay $0x2  }
0x200: {  	v59 =	vor.u32 $0x25, v5  }
0x201: {  	v61 =	vor.u32 $0x26, v5;
	v3 =	vld.idx.msk [tilespmem:v7+s14+$0x0], $0xffff  }
0x202: {  	v6 =	vadd.f32 v8, v6;
	v51 =	vmov v1;
	v8 =	vmul.f32 v60, v1;
	v1 =	vld [tilespmem:$0x1FCF0];
	_ =	sdelay $0x2  }
0x203: {  	v4 =	vld.idx.msk [tilespmem:v59+s14+$0x0], $0xffff  }
0x204: {  	v55 =	vld.idx.msk [tilespmem:v61+s14+$0x0], $0xffff;
	v7 =	vor.u32 $0x27, v5  }
0x205: {  	v6 =	vadd.f32 v8, v6;
	v52 =	vmov v1;
	v8 =	vmul.f32 v3, v1;
	v1 =	vld [tilespmem:$0x1FD00];
	_ =	sdelay $0x2  }
0x206: {  	v62 =	vor.u32 $0x28, v5;
	v6 =	vadd.f32 v8, v6;
	v8 =	vmul.f32 v4, v54  }
0x207: {  	v63 =	vor.u32 $0x29, v5;
	v3 =	vld.idx.msk [tilespmem:v7+s14+$0x0], $0xffff  }
0x208: {  	v53 =	vmovc v54;
	v6 =	vadd.f32 v8, v6;
	v54 =	vmov v1;
	v8 =	vmul.f32 v55, v1;
	v1 =	vld [tilespmem:$0x1FD10];
	_ =	sdelay $0x2  }
0x209: {  	v4 =	vld.idx.msk [tilespmem:v62+s14+$0x0], $0xffff  }
0x20a: {  	v58 =	vld.idx.msk [tilespmem:v63+s14+$0x0], $0xffff;
	v7 =	vor.u32 $0x2A, v5  }
0x20b: {  	v6 =	vadd.f32 v8, v6;
	v55 =	vmov v1;
	v8 =	vmul.f32 v3, v1;
	v1 =	vld [tilespmem:$0x1FD20];
	_ =	sdelay $0x2  }
0x20c: {  	v6 =	vadd.f32 v8, v6;
	v8 =	vmul.f32 v4, v57  }
0x20d: {  	v59 =	vor.u32 $0x2B, v5;
	v3 =	vld.idx.msk [tilespmem:v7+s14+$0x0], $0xffff  }
0x20e: {  	v56 =	vmovc v57;
	v6 =	vadd.f32 v8, v6;
	v57 =	vmov v1;
	v8 =	vmul.f32 v58, v1;
	v1 =	vld [tilespmem:$0x1FD30];
	_ =	sdelay $0x3  }
0x20f: {  	v60 =	vor.u32 $0x2C, v5;
	v4 =	vld.idx.msk [tilespmem:v59+s14+$0x0], $0xffff  }
0x210: {  	v6 =	vadd.f32 v8, v6;
	v58 =	vmov v1;
	v8 =	vmul.f32 v3, v1;
	v1 =	vld [tilespmem:$0x1FD40];
	_ =	sdelay $0x3  }
0x211: {  	v61 =	vld.idx.msk [tilespmem:v60+s14+$0x0], $0xffff  }
0x212: {  	v6 =	vadd.f32 v8, v6;
	v59 =	vmov v1;
	v8 =	vmul.f32 v4, v1;
	v1 =	vld [tilespmem:$0x1FD50]  }
0x213: {  	v63 =	vor.u32 $0x2F, v5;
	_ =	sdelay $0x2  }
0x214: {  	v7 =	vor.u32 $0x2D, v5  }
0x215: {  	v6 =	vadd.f32 v8, v6;
	v60 =	vmovc v1;
	v8 =	vmul.f32 v61, v1;
	v1 =	vor.u32 $0x31, v5  }
0x216: {  	[tilespmem:$0x1FD80] =	vst v1;
	v1 =	vld.idx.msk [tilespmem:v63+s14+$0x0], $0xffff;
	_ =	sdelay $0x3  }
0x217: {  	v3 =	vld.idx.msk [tilespmem:v7+s14+$0x0], $0xffff  }
0x218: {  	[tilespmem:$0x1FDA0] =	vst v1;
	v1 =	vld [tilespmem:$0x1FD60]  }
0x219: {  	v7 =	vor.u32 $0x30, v5;
	_ =	sdelay $0x2  }
0x21a: {  	v62 =	vor.u32 $0x2E, v5  }
0x21b: {  	v6 =	vadd.f32 v8, v6;
	v61 =	vmovc v1;
	v8 =	vmul.f32 v3, v1;
	v1 =	vor.u32 $0x32, v5  }
0x21c: {  	[tilespmem:$0x1FDB0] =	vst v1;
	v1 =	vld.idx.msk [tilespmem:v7+s14+$0x0], $0xffff;
	_ =	sdelay $0x3  }
0x21d: {  	v4 =	vld.idx.msk [tilespmem:v62+s14+$0x0], $0xffff  }
0x21e: {  	[tilespmem:$0x1FDD0] =	vst v1;
	v1 =	vld [tilespmem:$0x1FD70];
	_ =	sdelay $0x4  }
0x21f: {  	v6 =	vadd.f32 v8, v6;
	v62 =	vmov v1;
	v8 =	vmul.f32 v4, v1;
	v1 =	vld [tilespmem:$0x1FD80];
	_ =	sdelay $0x6  }
0x220: {  	v3 =	vld [tilespmem:$0x1FDA0]  }
0x221: {  	v4 =	vld.idx.msk [tilespmem:v1+s14+$0x0], $0xffff  }
0x222: {  	v1 =	vld [tilespmem:$0x1FD90];
	_ =	sdelay $0x4  }
0x223: {  	v6 =	vadd.f32 v8, v6;
	v63 =	vmovc v1;
	v8 =	vmul.f32 v3, v1;
	v1 =	vor.u32 $0x34, v5  }
0x224: {  	[tilespmem:$0x1FDF0] =	vst v1;
	v1 =	vld [tilespmem:$0x1FDB0];
	_ =	sdelay $0x7  }
0x225: {  	v1 =	vld.idx.msk [tilespmem:v1+s14+$0x0], $0xffff;
	_ =	sdelay $0x3  }
0x226: {  	v6 =	vadd.f32 v8, v6;
	v8 =	vld [tilespmem:$0x1FDD0]  }
0x227: {  	[tilespmem:$0x1FE10] =	vst v1;
	v1 =	vld [tilespmem:$0x1FDC0]  }
0x228: {  	v7 =	vor.u32 $0x33, v5;
	_ =	sdelay $0x3  }
0x229: {  	v3 =	vmov v1;
	v8 =	vmul.f32 v8, v1;
	v1 =	vor.u32 $0x35, v5  }
0x22a: {  	[tilespmem:$0x1FE20] =	vst v1;
	v1 =	vld.idx.msk [tilespmem:v7+s14+$0x0], $0xffff;
	_ =	sdelay $0x4  }
0x22b: {  	[tilespmem:$0x1FE40] =	vst v1;
	v1 =	vld [tilespmem:$0x1FDE0];
	_ =	sdelay $0x4  }
0x22c: {  	v6 =	vadd.f32 v8, v6;
	v8 =	vmul.f32 v4, v1;
	v1 =	vor.u32 $0x36, v5  }
0x22d: {  	[tilespmem:$0x1FE50] =	vst v1;
	v1 =	vld [tilespmem:$0x1FDF0];
	_ =	sdelay $0x7  }
0x22e: {  	v1 =	vld.idx.msk [tilespmem:v1+s14+$0x0], $0xffff;
	_ =	sdelay $0x3  }
0x22f: {  	v4 =	vld [tilespmem:$0x1FE10]  }
0x230: {  	[tilespmem:$0x1FE70] =	vst v1;
	v1 =	vld [tilespmem:$0x1FE00];
	_ =	sdelay $0x4  }
0x231: {  	v6 =	vadd.f32 v8, v6;
	v8 =	vmul.f32 v4, v1;
	v1 =	vor.u32 $0x37, v5  }
0x232: {  	[tilespmem:$0x1FE80] =	vst v1;
	v1 =	vld [tilespmem:$0x1FE20];
	_ =	sdelay $0x6  }
0x233: {  	s30 =	simm.s32 $0x0  }
0x234: {  	v7 =	vmov s30;
	v1 =	vld.idx.msk [tilespmem:v1+s14+$0x0], $0xffff;
	_ =	sdelay $0x3  }
0x235: {  	v4 =	vld [tilespmem:$0x1FE30]  }
0x236: {  	[tilespmem:$0x1FEA0] =	vst v1;
	v1 =	vld.idx.msk [tilespmem:v7+s13+$0x0], $0xffff  }
0x237: {  	v7 =	vld [tilespmem:$0x1FE40];
	_ =	sdelay $0x4  }
0x238: {  	v6 =	vadd.f32 v8, v6;
	[tilespmem:$0x1FEB0] =	vst v1;
	v1 =	vmov v4;
	v8 =	vmul.f32 v7, v4;
	v4 =	vld [tilespmem:$0x1FE50];
	_ =	sdelay $0x7  }
0x239: {  	v4 =	vld.idx.msk [tilespmem:v4+s14+$0x0], $0xffff;
	_ =	sdelay $0x3  }
0x23a: {  	v6 =	vadd.f32 v8, v6;
	v8 =	vld [tilespmem:$0x1FE70]  }
0x23b: {  	[tilespmem:$0x1FED0] =	vst v4;
	v4 =	vld [tilespmem:$0x1FE60];
	_ =	sdelay $0x4  }
0x23c: {  	v8 =	vmul.f32 v8, v4;
	v4 =	vor.u32 $0x39, v5  }
0x23d: {  	[tilespmem:$0x1FEE0] =	vst v4;
	v4 =	vld [tilespmem:$0x1FE80];
	_ =	sdelay $0x7  }
0x23e: {  	v4 =	vld.idx.msk [tilespmem:v4+s14+$0x0], $0xffff;
	_ =	sdelay $0x3  }
0x23f: {  	v6 =	vadd.f32 v8, v6;
	v8 =	vld [tilespmem:$0x1FEA0]  }
0x240: {  	[tilespmem:$0x1FF00] =	vst v4;
	v4 =	vld [tilespmem:$0x1FE90];
	_ =	sdelay $0x4  }
0x241: {  	v8 =	vmul.f32 v8, v4;
	v4 =	vor.u32 $0x3A, v5  }
0x242: {  	v7 =	vor.u32 $0x38, v5;
	[tilespmem:$0x1FF10] =	vst v4;
	v4 =	vld [tilespmem:$0x1FEB0];
	_ =	sdelay $0x3  }
0x243: {  	v6 =	vadd.f32 v8, v6;
	v8 =	vld [tilespmem:$0x1FED0]  }
0x244: {  	(v2sf) =	vpush v4, $0x0;
	v4 =	vld.idx.msk [tilespmem:v7+s14+$0x0], $0xffff  }
0x245: {  	v7 =	vld [tilespmem:$0x1FEC0];
	_ =	sdelay $0x4  }
0x246: {  	[tilespmem:$0x1FF30] =	vst v4;
	v4 =	vmov v7;
	v8 =	vmul.f32 v8, v7;
	v7 =	vor.u32 $0x3B, v5  }
0x247: {  	[tilespmem:$0x1FF40] =	vst v7;
	v7 =	vld [tilespmem:$0x1FEE0];
	_ =	sdelay $0x7  }
0x248: {  	v7 =	vld.idx.msk [tilespmem:v7+s14+$0x0], $0xffff;
	_ =	sdelay $0x3  }
0x249: {  	v6 =	vadd.f32 v8, v6;
	v8 =	vld [tilespmem:$0x1FF00]  }
0x24a: {  	[tilespmem:$0x1FF60] =	vst v7;
	v7 =	vld [tilespmem:$0x1FEF0];
	_ =	sdelay $0x4  }
0x24b: {  	v8 =	vmul.f32 v8, v7;
	v7 =	vor.u32 $0x3C, v5  }
0x24c: {  	[tilespmem:$0x1FF70] =	vst v7;
	v7 =	vld [tilespmem:$0x1FF10];
	_ =	sdelay $0x5  }
0x24d: {  	v15 =	vld [tilespmem:$0x1FF40];
	_ =	sdelay $0x1  }
0x24e: {  	v7 =	vld.idx.msk [tilespmem:v7+s14+$0x0], $0xffff;
	_ =	sdelay $0x3  }
0x24f: {  	v6 =	vadd.f32 v8, v6;
	v8 =	vld [tilespmem:$0x1FF30]  }
0x250: {  	[tilespmem:$0x1FF90] =	vst v7;
	v7 =	vld [tilespmem:$0x1FF20]  }
0x251: {  	v15 =	vld.idx.msk [tilespmem:v15+s14+$0x0], $0xffff;
	_ =	sdelay $0x3  }
0x252: {  	v8 =	vmul.f32 v8, v7  }
0x253: {  	[tilespmem:$0x1FFB0] =	vst v15;
	v15 =	vld [tilespmem:$0x1FF50]  }
0x254: {  	v6 =	vadd.f32 v8, v6;
	v8 =	vld [tilespmem:$0x1FF60];
	_ =	sdelay $0x4  }
0x255: {  	v8 =	vmul.f32 v8, v15;
	_ =	sdelay $0x1  }
0x256: {  	v6 =	vadd.f32 v8, v6;
	v8 =	vld [tilespmem:$0x1FF90];
	_ =	sdelay $0x4  }
0x257: {  	v8 =	vmul.f32 v8, v14;
	_ =	sdelay $0x1  }
0x258: {  	v15 =	vor.u32 $0x3E, v5;
	v6 =	vadd.f32 v8, v6;
	v8 =	vld [tilespmem:$0x1FFB0]  }
0x259: {  	[tilespmem:$0x1FFC0] =	vst v15;
	v15 =	vld [tilespmem:$0x1FF70];
	_ =	sdelay $0x3  }
0x25a: {  	[tilespmem:$0x1FFA0] =	vst v12;
	v8 =	vmul.f32 v8, v12;
	v12 =	vld [tilespmem:$0x1FFC0]  }
0x25b: {  	v7 =	vor.u32 $0x3D, v5;
	_ =	sdelay $0x2  }
0x25c: {  	v15 =	vld.idx.msk [tilespmem:v15+s14+$0x0], $0xffff;
	_ =	sdelay $0x1  }
0x25d: {  	v7 =	vld.idx.msk [tilespmem:v7+s14+$0x0], $0xffff;
	_ =	sdelay $0x1  }
0x25e: {  	v5 =	vor.u32 $0x3F, v5;
	v12 =	vld.idx.msk [tilespmem:v12+s14+$0x0], $0xffff  }
0x25f: {  	v6 =	vadd.f32 v8, v6;
	v8 =	vmul.f32 v15, v11;
	_ =	sdelay $0x1  }
0x260: {  	[tilespmem:$0x1FF80] =	vst v14;
	s31 =	spop (v2sf);
	v7 =	vmul.f32 v7, v9;
	v6 =	vadd.f32 v8, v6  }
0x261: {  	[tilespmem:$0x1FFD0] =	vst v11;
	s18 =	simm.s32 $0x20;
	s23 =	sshll.u32 s31, $0x7  }
0x262: {  	s22 =	simm.s32 $0x3;
	[tilespmem:$0x1FFE0] =	vst v9;
	s21 =	simm.s32 $0x2;
	p1 =	slt.s32 s23, $0xF41C0;
	v5 =	vld.idx.msk [tilespmem:v5+s14+$0x0], $0xffff;
	v15 =	vmovc v13;
	v8 =	vmov s18;
	v6 =	vadd.f32 v7, v6;
	v7 =	vmul.f32 v12, v13  }
.LBB2_18:
0x263: {  	_ =	sdelay $0x2  }
0x264: {  	s24 =	smov.u32 s23  }
0x265: {  	v8 =	vshll.u32 v8, $0x6;
	s19 =	sand.u32 $0x70, s19;
	s24 =	simm.s32 @!p1 $0xF41C0;
	v6 =	vadd.f32 v7, v6;
	v7 =	vmul.f32 v5, v0  }
0x266: {  	s24 =	sadd.s32 s19, s24;
	v5 =	vor.u32 v22, v8  }
0x267: {  	v6 =	vadd.f32 v7, v6;
	v7 =	vor.u32 s24, v10  }
0x268: {  	v8 =	vor.u32 $0x1, v5;
	vm0 =	vlt.s32 v7, s23  }
0x269: {  	s20 =	sadd.s32 $0x10, s20;
	v6 =	vsel vm0, $0xFF800000, v6  }
0x26a: {  	[tilespmem:s20+$0x0] =	vst v6  }
0x26b: {  	v6 =	vld.idx.msk [tilespmem:v5+s14+$0x0], $0xffff;
	_ =	sdelay $0x1  }
0x26c: {  	v8 =	vld.idx.msk [tilespmem:v8+s14+$0x0], $0xffff  }
0x26d: {  	v7 =	vor.u32 $0x2, v5;
	_ =	sdelay $0x1  }
0x26e: {  	v6 =	vmul.f32 v6, v17  }
0x26f: {  	v9 =	vor.u32 $0x3, v5  }
0x270: {  	v8 =	vmul.f32 v8, v18;
	v6 =	vadd.f32 $0.0e+00, v6  }
0x271: {  	v10 =	vor.u32 $0x4, v5;
	v7 =	vld.idx.msk [tilespmem:v7+s14+$0x0], $0xffff  }
0x272: {  	v6 =	vadd.f32 v8, v6;
	v8 =	vld [tilespmem:$0x1FBB0]  }
0x273: {  	v11 =	vor.u32 $0x5, v5  }
0x274: {  	v9 =	vld.idx.msk [tilespmem:v9+s14+$0x0], $0xffff  }
0x275: {  	v12 =	vor.u32 $0x6, v5  }
0x276: {  	v10 =	vld.idx.msk [tilespmem:v10+s14+$0x0], $0xffff  }
0x277: {  	v13 =	vor.u32 $0x7, v5;
	v7 =	vmul.f32 v7, v8  }
0x278: {  	v8 =	vld.idx.msk [tilespmem:v11+s14+$0x0], $0xffff  }
0x279: {  	v11 =	vor.u32 $0x8, v5;
	v6 =	vadd.f32 v7, v6;
	v7 =	vmul.f32 v9, v16  }
0x27a: {  	v9 =	vld.idx.msk [tilespmem:v12+s14+$0x0], $0xffff  }
0x27b: {  	v12 =	vor.u32 $0x9, v5;
	v6 =	vadd.f32 v7, v6;
	v7 =	vmul.f32 v10, v19  }
0x27c: {  	v10 =	vld.idx.msk [tilespmem:v13+s14+$0x0], $0xffff  }
0x27d: {  	v13 =	vor.u32 $0xA, v5;
	v6 =	vadd.f32 v7, v6;
	v7 =	vmul.f32 v8, v20  }
0x27e: {  	v8 =	vld.idx.msk [tilespmem:v11+s14+$0x0], $0xffff  }
0x27f: {  	v11 =	vor.u32 $0xB, v5;
	v6 =	vadd.f32 v7, v6;
	v7 =	vmul.f32 v9, v21  }
0x280: {  	v9 =	vld.idx.msk [tilespmem:v12+s14+$0x0], $0xffff  }
0x281: {  	v12 =	vor.u32 $0xC, v5;
	v6 =	vadd.f32 v7, v6;
	v7 =	vmul.f32 v10, v23  }
0x282: {  	v10 =	vld.idx.msk [tilespmem:v13+s14+$0x0], $0xffff  }
0x283: {  	v13 =	vor.u32 $0xD, v5;
	v6 =	vadd.f32 v7, v6;
	v7 =	vmul.f32 v8, v24  }
0x284: {  	v8 =	vld.idx.msk [tilespmem:v11+s14+$0x0], $0xffff  }
0x285: {  	v11 =	vor.u32 $0xE, v5;
	v6 =	vadd.f32 v7, v6;
	v7 =	vmul.f32 v9, v25  }
0x286: {  	v9 =	vld.idx.msk [tilespmem:v12+s14+$0x0], $0xffff  }
0x287: {  	v12 =	vor.u32 $0xF, v5;
	v6 =	vadd.f32 v7, v6;
	v7 =	vmul.f32 v10, v26  }
0x288: {  	v10 =	vld.idx.msk [tilespmem:v13+s14+$0x0], $0xffff  }
0x289: {  	v13 =	vor.u32 $0x10, v5;
	v6 =	vadd.f32 v7, v6;
	v7 =	vmul.f32 v8, v27  }
0x28a: {  	v8 =	vld.idx.msk [tilespmem:v11+s14+$0x0], $0xffff  }
0x28b: {  	v11 =	vor.u32 $0x11, v5;
	v6 =	vadd.f32 v7, v6;
	v7 =	vmul.f32 v9, v28  }
0x28c: {  	v9 =	vld.idx.msk [tilespmem:v12+s14+$0x0], $0xffff  }
0x28d: {  	v12 =	vor.u32 $0x12, v5;
	v6 =	vadd.f32 v7, v6;
	v7 =	vmul.f32 v10, v29  }
0x28e: {  	v10 =	vld.idx.msk [tilespmem:v13+s14+$0x0], $0xffff  }
0x28f: {  	v13 =	vor.u32 $0x13, v5;
	v6 =	vadd.f32 v7, v6;
	v7 =	vmul.f32 v8, v30  }
0x290: {  	v8 =	vld.idx.msk [tilespmem:v11+s14+$0x0], $0xffff  }
0x291: {  	v11 =	vor.u32 $0x14, v5;
	v6 =	vadd.f32 v7, v6;
	v7 =	vmul.f32 v9, v31  }
0x292: {  	v9 =	vld.idx.msk [tilespmem:v12+s14+$0x0], $0xffff  }
0x293: {  	v12 =	vor.u32 $0x15, v5;
	v6 =	vadd.f32 v7, v6;
	v7 =	vmul.f32 v10, v32  }
0x294: {  	v10 =	vld.idx.msk [tilespmem:v13+s14+$0x0], $0xffff  }
0x295: {  	v13 =	vor.u32 $0x16, v5;
	v6 =	vadd.f32 v7, v6;
	v7 =	vmul.f32 v8, v33  }
0x296: {  	v8 =	vld.idx.msk [tilespmem:v11+s14+$0x0], $0xffff  }
0x297: {  	v11 =	vor.u32 $0x17, v5;
	v6 =	vadd.f32 v7, v6;
	v7 =	vmul.f32 v9, v34  }
0x298: {  	v9 =	vld.idx.msk [tilespmem:v12+s14+$0x0], $0xffff  }
0x299: {  	v12 =	vor.u32 $0x18, v5;
	v6 =	vadd.f32 v7, v6;
	v7 =	vmul.f32 v10, v35  }
0x29a: {  	v10 =	vld.idx.msk [tilespmem:v13+s14+$0x0], $0xffff  }
0x29b: {  	v13 =	vor.u32 $0x19, v5;
	v6 =	vadd.f32 v7, v6;
	v7 =	vmul.f32 v8, v36  }
0x29c: {  	v8 =	vld.idx.msk [tilespmem:v11+s14+$0x0], $0xffff  }
0x29d: {  	v11 =	vor.u32 $0x1A, v5;
	v6 =	vadd.f32 v7, v6;
	v7 =	vmul.f32 v9, v37  }
0x29e: {  	v9 =	vld.idx.msk [tilespmem:v12+s14+$0x0], $0xffff  }
0x29f: {  	v12 =	vor.u32 $0x1B, v5;
	v6 =	vadd.f32 v7, v6;
	v7 =	vmul.f32 v10, v38  }
0x2a0: {  	v10 =	vld.idx.msk [tilespmem:v13+s14+$0x0], $0xffff  }
0x2a1: {  	v13 =	vor.u32 $0x1C, v5;
	v6 =	vadd.f32 v7, v6;
	v7 =	vmul.f32 v8, v39  }
0x2a2: {  	v8 =	vld.idx.msk [tilespmem:v11+s14+$0x0], $0xffff  }
0x2a3: {  	v11 =	vor.u32 $0x1D, v5;
	v6 =	vadd.f32 v7, v6;
	v7 =	vmul.f32 v9, v40  }
0x2a4: {  	v9 =	vld.idx.msk [tilespmem:v12+s14+$0x0], $0xffff  }
0x2a5: {  	v12 =	vor.u32 $0x1E, v5;
	v6 =	vadd.f32 v7, v6;
	v7 =	vmul.f32 v10, v41  }
0x2a6: {  	v10 =	vld.idx.msk [tilespmem:v13+s14+$0x0], $0xffff  }
0x2a7: {  	v13 =	vor.u32 $0x1F, v5;
	v6 =	vadd.f32 v7, v6;
	v7 =	vmul.f32 v8, v42  }
0x2a8: {  	v8 =	vld.idx.msk [tilespmem:v11+s14+$0x0], $0xffff  }
0x2a9: {  	v11 =	vor.u32 $0x20, v5;
	v6 =	vadd.f32 v7, v6;
	v7 =	vmul.f32 v9, v43  }
0x2aa: {  	v9 =	vld.idx.msk [tilespmem:v12+s14+$0x0], $0xffff  }
0x2ab: {  	v12 =	vor.u32 $0x21, v5;
	v6 =	vadd.f32 v7, v6;
	v7 =	vmul.f32 v10, v44  }
0x2ac: {  	v10 =	vld.idx.msk [tilespmem:v13+s14+$0x0], $0xffff  }
0x2ad: {  	v13 =	vor.u32 $0x22, v5;
	v6 =	vadd.f32 v7, v6;
	v7 =	vmul.f32 v8, v45  }
0x2ae: {  	v8 =	vld.idx.msk [tilespmem:v11+s14+$0x0], $0xffff  }
0x2af: {  	v11 =	vor.u32 $0x23, v5;
	v6 =	vadd.f32 v7, v6;
	v7 =	vmul.f32 v9, v46  }
0x2b0: {  	v9 =	vld.idx.msk [tilespmem:v12+s14+$0x0], $0xffff  }
0x2b1: {  	v12 =	vor.u32 $0x24, v5;
	v6 =	vadd.f32 v7, v6;
	v7 =	vmul.f32 v10, v47  }
0x2b2: {  	v10 =	vld.idx.msk [tilespmem:v13+s14+$0x0], $0xffff  }
0x2b3: {  	v13 =	vor.u32 $0x25, v5;
	v6 =	vadd.f32 v7, v6;
	v7 =	vmul.f32 v8, v48  }
0x2b4: {  	v8 =	vld.idx.msk [tilespmem:v11+s14+$0x0], $0xffff  }
0x2b5: {  	v11 =	vor.u32 $0x26, v5;
	v6 =	vadd.f32 v7, v6;
	v7 =	vmul.f32 v9, v49  }
0x2b6: {  	v9 =	vld.idx.msk [tilespmem:v12+s14+$0x0], $0xffff  }
0x2b7: {  	v12 =	vor.u32 $0x27, v5;
	v6 =	vadd.f32 v7, v6;
	v7 =	vmul.f32 v10, v50  }
0x2b8: {  	v10 =	vld.idx.msk [tilespmem:v13+s14+$0x0], $0xffff  }
0x2b9: {  	v13 =	vor.u32 $0x28, v5;
	v6 =	vadd.f32 v7, v6;
	v7 =	vmul.f32 v8, v51  }
0x2ba: {  	v8 =	vld.idx.msk [tilespmem:v11+s14+$0x0], $0xffff  }
0x2bb: {  	v11 =	vor.u32 $0x29, v5;
	v6 =	vadd.f32 v7, v6;
	v7 =	vmul.f32 v9, v52  }
0x2bc: {  	v9 =	vld.idx.msk [tilespmem:v12+s14+$0x0], $0xffff  }
0x2bd: {  	v12 =	vor.u32 $0x2A, v5;
	v6 =	vadd.f32 v7, v6;
	v7 =	vmul.f32 v10, v53  }
0x2be: {  	v10 =	vld.idx.msk [tilespmem:v13+s14+$0x0], $0xffff  }
0x2bf: {  	v13 =	vor.u32 $0x2B, v5;
	v6 =	vadd.f32 v7, v6;
	v7 =	vmul.f32 v8, v54  }
0x2c0: {  	v8 =	vld.idx.msk [tilespmem:v11+s14+$0x0], $0xffff  }
0x2c1: {  	v11 =	vor.u32 $0x2C, v5;
	v6 =	vadd.f32 v7, v6;
	v7 =	vmul.f32 v9, v55  }
0x2c2: {  	v9 =	vld.idx.msk [tilespmem:v12+s14+$0x0], $0xffff  }
0x2c3: {  	v12 =	vor.u32 $0x2D, v5;
	v6 =	vadd.f32 v7, v6;
	v7 =	vmul.f32 v10, v56  }
0x2c4: {  	v10 =	vld.idx.msk [tilespmem:v13+s14+$0x0], $0xffff  }
0x2c5: {  	v13 =	vor.u32 $0x2E, v5;
	v6 =	vadd.f32 v7, v6;
	v7 =	vmul.f32 v8, v57  }
0x2c6: {  	v8 =	vld.idx.msk [tilespmem:v11+s14+$0x0], $0xffff  }
0x2c7: {  	v11 =	vor.u32 $0x2F, v5;
	v6 =	vadd.f32 v7, v6;
	v7 =	vmul.f32 v9, v58  }
0x2c8: {  	v9 =	vld.idx.msk [tilespmem:v12+s14+$0x0], $0xffff  }
0x2c9: {  	v12 =	vor.u32 $0x30, v5;
	v6 =	vadd.f32 v7, v6;
	v7 =	vmul.f32 v10, v59  }
0x2ca: {  	v10 =	vld.idx.msk [tilespmem:v13+s14+$0x0], $0xffff  }
0x2cb: {  	v6 =	vadd.f32 v7, v6;
	v7 =	vmul.f32 v8, v60  }
0x2cc: {  	v8 =	vld.idx.msk [tilespmem:v11+s14+$0x0], $0xffff  }
0x2cd: {  	v6 =	vadd.f32 v7, v6;
	v7 =	vmul.f32 v9, v61  }
0x2ce: {  	v9 =	vld.idx.msk [tilespmem:v12+s14+$0x0], $0xffff  }
0x2cf: {  	v13 =	vor.u32 $0x31, v5;
	v6 =	vadd.f32 v7, v6;
	v7 =	vmul.f32 v10, v62;
	_ =	sdelay $0x1  }
0x2d0: {  	v6 =	vadd.f32 v7, v6;
	v7 =	vmul.f32 v8, v63;
	_ =	sdelay $0x1  }
0x2d1: {  	v6 =	vadd.f32 v7, v6;
	v7 =	vmul.f32 v9, v3  }
0x2d2: {  	v10 =	vld.idx.msk [tilespmem:v13+s14+$0x0], $0xffff  }
0x2d3: {  	v6 =	vadd.f32 v7, v6;
	v7 =	vld [tilespmem:$0x1FDE0]  }
0x2d4: {  	v11 =	vor.u32 $0x32, v5;
	_ =	sdelay $0x2  }
0x2d5: {  	v12 =	vor.u32 $0x33, v5  }
0x2d6: {  	v7 =	vmul.f32 v10, v7  }
0x2d7: {  	v8 =	vld.idx.msk [tilespmem:v11+s14+$0x0], $0xffff  }
0x2d8: {  	v6 =	vadd.f32 v7, v6;
	v7 =	vld [tilespmem:$0x1FE00];
	_ =	sdelay $0x1  }
0x2d9: {  	v9 =	vld.idx.msk [tilespmem:v12+s14+$0x0], $0xffff  }
0x2da: {  	v13 =	vor.u32 $0x34, v5;
	_ =	sdelay $0x1  }
0x2db: {  	v7 =	vmul.f32 v8, v7;
	_ =	sdelay $0x1  }
0x2dc: {  	v6 =	vadd.f32 v7, v6;
	v7 =	vmul.f32 v9, v1  }
0x2dd: {  	v10 =	vld.idx.msk [tilespmem:v13+s14+$0x0], $0xffff  }
0x2de: {  	v6 =	vadd.f32 v7, v6;
	v7 =	vld [tilespmem:$0x1FE60]  }
0x2df: {  	v11 =	vor.u32 $0x35, v5;
	_ =	sdelay $0x2  }
0x2e0: {  	v12 =	vor.u32 $0x36, v5  }
0x2e1: {  	v7 =	vmul.f32 v10, v7  }
0x2e2: {  	v8 =	vld.idx.msk [tilespmem:v11+s14+$0x0], $0xffff  }
0x2e3: {  	v6 =	vadd.f32 v7, v6;
	v7 =	vld [tilespmem:$0x1FE90];
	_ =	sdelay $0x1  }
0x2e4: {  	v9 =	vld.idx.msk [tilespmem:v12+s14+$0x0], $0xffff  }
0x2e5: {  	v13 =	vor.u32 $0x37, v5  }
0x2e6: {  	s30 =	sshrl.u32 s21, $0x3  }
0x2e7: {  	v14 =	vmov s30;
	v7 =	vmul.f32 v8, v7;
	_ =	sdelay $0x1  }
0x2e8: {  	v6 =	vadd.f32 v7, v6;
	v7 =	vmul.f32 v9, v4  }
0x2e9: {  	v10 =	vld.idx.msk [tilespmem:v13+s14+$0x0], $0xffff  }
0x2ea: {  	v6 =	vadd.f32 v7, v6;
	v7 =	vld [tilespmem:$0x1FEF0]  }
0x2eb: {  	v11 =	vld.idx.msk [tilespmem:v14+s13+$0x0], $0xffff;
	v14 =	vor.u32 $0x38, v5;
	_ =	sdelay $0x3  }
0x2ec: {  	v7 =	vmul.f32 v10, v7  }
0x2ed: {  	v8 =	vld.idx.msk [tilespmem:v14+s14+$0x0], $0xffff  }
0x2ee: {  	v6 =	vadd.f32 v7, v6;
	v7 =	vld [tilespmem:$0x1FF20]  }
0x2ef: {  	v12 =	vor.u32 $0x39, v5;
	_ =	sdelay $0x3  }
0x2f0: {  	v7 =	vmul.f32 v8, v7  }
0x2f1: {  	v9 =	vld.idx.msk [tilespmem:v12+s14+$0x0], $0xffff  }
0x2f2: {  	v6 =	vadd.f32 v7, v6;
	v7 =	vld [tilespmem:$0x1FF50]  }
0x2f3: {  	v13 =	vor.u32 $0x3A, v5;
	_ =	sdelay $0x3  }
0x2f4: {  	v7 =	vmul.f32 v9, v7  }
0x2f5: {  	v10 =	vld.idx.msk [tilespmem:v13+s14+$0x0], $0xffff  }
0x2f6: {  	v6 =	vadd.f32 v7, v6;
	v7 =	vld [tilespmem:$0x1FF80]  }
0x2f7: {  	v14 =	vor.u32 $0x3B, v5;
	_ =	sdelay $0x3  }
0x2f8: {  	v7 =	vmul.f32 v10, v7  }
0x2f9: {  	v8 =	vld.idx.msk [tilespmem:v14+s14+$0x0], $0xffff  }
0x2fa: {  	v6 =	vadd.f32 v7, v6;
	v7 =	vld [tilespmem:$0x1FFA0]  }
0x2fb: {  	(v2sf) =	vpush v11, $0x0;
	v11 =	vor.u32 $0x3C, v5;
	_ =	sdelay $0x3  }
0x2fc: {  	v7 =	vmul.f32 v8, v7  }
0x2fd: {  	v9 =	vld.idx.msk [tilespmem:v11+s14+$0x0], $0xffff  }
0x2fe: {  	v6 =	vadd.f32 v7, v6;
	v7 =	vld [tilespmem:$0x1FFD0]  }
0x2ff: {  	v12 =	vor.u32 $0x3D, v5;
	_ =	sdelay $0x2  }
0x300: {  	v13 =	vor.u32 $0x3E, v5  }
0x301: {  	v7 =	vmul.f32 v9, v7  }
0x302: {  	v10 =	vld.idx.msk [tilespmem:v12+s14+$0x0], $0xffff  }
0x303: {  	v6 =	vadd.f32 v7, v6;
	v7 =	vld [tilespmem:$0x1FFE0];
	_ =	sdelay $0x1  }
0x304: {  	p0 =	sne.s32 s22, $0x4F;
	v5 =	vor.u32 $0x3F, v5;
	v8 =	vld.idx.msk [tilespmem:v13+s14+$0x0], $0xffff  }
.Ltmp14:
0x305: {  	_ = 	snop;
	(pc) =	sbr.rel @p0 .LBB2_18-.Ltmp14, $4  }
0x306: {  	_ = 	snop  }
0x307: {  	s31 =	spop (v2sf);
	v7 =	vmul.f32 v10, v7  }
0x308: {  	s19 =	smov.u32 s18;
	s18 =	sadd.s32 $0x10, s18;
	s23 =	sshll.u32 s31, $0x7;
	v10 =	vlaneseq.u32  }
0x309: {  	s21 =	smov.u32 s22;
	s22 =	sadd.s32 $0x1, s22;
	p1 =	slt.s32 s23, $0xF41C0;
	v5 =	vld.idx.msk [tilespmem:v5+s14+$0x0], $0xffff;
	v6 =	vadd.f32 v7, v6;
	v7 =	vmul.f32 v8, v15;
	v8 =	vmov s18  }
0x30a: {  	_ =	sdelay $0x2  }
0x30b: {  	s22 =	smov.u32 s23  }
0x30c: {  	s19 =	sand.u32 $0x70, s19;
	v6 =	vadd.f32 v7, v6;
	v7 =	vshll.u32 v8, $0x6;
	s22 =	simm.s32 @!p1 $0xF41C0;
	v8 =	vmul.f32 v5, v0  }
0x30d: {  	s19 =	sadd.s32 s19, s22;
	v5 =	vor.u32 v22, v7  }
0x30e: {  	v22 =	vor.u32 s19, v10;
	v6 =	vadd.f32 v8, v6  }
0x30f: {  	vm0 =	vlt.s32 v22, s23;
	v12 =	vor.u32 $0x1, v5  }
0x310: {  	s28 =	sadd.s32 $0x10, s20;
	v6 =	vsel vm0, $0xFF800000, v6  }
0x311: {  	v13 =	vor.u32 $0x2, v5;
	[tilespmem:s28+$0x0] =	vst v6  }
0x312: {  	v9 =	vor.u32 $0x3, v5;
	v8 =	vld.idx.msk [tilespmem:v5+s14+$0x0], $0xffff  }
0x313: {  	v10 =	vor.u32 $0x4, v5  }
0x314: {  	v7 =	vld.idx.msk [tilespmem:v12+s14+$0x0], $0xffff  }
0x315: {  	v14 =	vmov v0;
	v0 =	vld [tilespmem:$0x1FBB0]  }
0x316: {  	v6 =	vld.idx.msk [tilespmem:v13+s14+$0x0], $0xffff  }
0x317: {  	v11 =	vor.u32 $0x5, v5;
	v9 =	vld.idx.msk [tilespmem:v9+s14+$0x0], $0xffff;
	v8 =	vmul.f32 v8, v17  }
0x318: {  	v10 =	vld.idx.msk [tilespmem:v10+s14+$0x0], $0xffff  }
0x319: {  	v7 =	vmul.f32 v7, v18;
	v8 =	vadd.f32 $0.0e+00, v8  }
0x31a: {  	v12 =	vor.u32 $0x6, v5  }
0x31b: {  	v7 =	vadd.f32 v7, v8;
	v8 =	vor.u32 $0x7, v5  }
0x31c: {  	v11 =	vld.idx.msk [tilespmem:v11+s14+$0x0], $0xffff;
	v6 =	vmul.f32 v6, v0;
	v22 =	vmul.f32 v9, v16;
	v9 =	vor.u32 $0x8, v5  }
0x31d: {  	v13 =	vmul.f32 v10, v19;
	v10 =	vor.u32 $0x9, v5  }
0x31e: {  	v6 =	vadd.f32 v6, v7  }
0x31f: {  	v12 =	vld.idx.msk [tilespmem:v12+s14+$0x0], $0xffff  }
0x320: {  	v6 =	vadd.f32 v22, v6;
	v8 =	vld.idx.msk [tilespmem:v8+s14+$0x0], $0xffff  }
0x321: {  	v20 =	vmul.f32 v11, v20;
	v11 =	vor.u32 $0xA, v5;
	v9 =	vld.idx.msk [tilespmem:v9+s14+$0x0], $0xffff  }
0x322: {  	v10 =	vld.idx.msk [tilespmem:v10+s14+$0x0], $0xffff;
	v6 =	vadd.f32 v13, v6;
	_ =	sdelay $0x1  }
0x323: {  	v22 =	vmul.f32 v12, v21;
	v6 =	vadd.f32 v20, v6;
	v20 =	vor.u32 $0xB, v5  }
0x324: {  	v21 =	vmul.f32 v8, v23;
	v8 =	vor.u32 $0xC, v5  }
0x325: {  	v11 =	vld.idx.msk [tilespmem:v11+s14+$0x0], $0xffff;
	v6 =	vadd.f32 v22, v6;
	v22 =	vmul.f32 v9, v24;
	v9 =	vor.u32 $0xD, v5  }
0x326: {  	v23 =	vmul.f32 v10, v25;
	v10 =	vor.u32 $0xE, v5  }
0x327: {  	v6 =	vadd.f32 v21, v6  }
0x328: {  	v12 =	vld.idx.msk [tilespmem:v20+s14+$0x0], $0xffff  }
0x329: {  	v6 =	vadd.f32 v22, v6;
	v8 =	vld.idx.msk [tilespmem:v8+s14+$0x0], $0xffff  }
0x32a: {  	v24 =	vmul.f32 v11, v26;
	v11 =	vor.u32 $0xF, v5;
	v9 =	vld.idx.msk [tilespmem:v9+s14+$0x0], $0xffff  }
0x32b: {  	v10 =	vld.idx.msk [tilespmem:v10+s14+$0x0], $0xffff;
	v6 =	vadd.f32 v23, v6;
	_ =	sdelay $0x1  }
0x32c: {  	v26 =	vor.u32 $0x10, v5;
	v6 =	vadd.f32 v24, v6;
	v25 =	vmul.f32 v12, v27;
	_ =	sdelay $0x1  }
0x32d: {  	v11 =	vld.idx.msk [tilespmem:v11+s14+$0x0], $0xffff;
	v6 =	vadd.f32 v25, v6;
	v27 =	vmul.f32 v8, v28;
	v8 =	vor.u32 $0x11, v5  }
0x32e: {  	v28 =	vmul.f32 v9, v29;
	v29 =	vmul.f32 v10, v30;
	v10 =	vor.u32 $0x13, v5  }
0x32f: {  	v9 =	vor.u32 $0x12, v5;
	v6 =	vadd.f32 v27, v6  }
0x330: {  	v12 =	vld.idx.msk [tilespmem:v26+s14+$0x0], $0xffff  }
0x331: {  	v6 =	vadd.f32 v28, v6  }
0x332: {  	v30 =	vmul.f32 v11, v31;
	v11 =	vor.u32 $0x14, v5;
	v8 =	vld.idx.msk [tilespmem:v8+s14+$0x0], $0xffff  }
0x333: {  	v10 =	vld.idx.msk [tilespmem:v10+s14+$0x0], $0xffff;
	v6 =	vadd.f32 v29, v6  }
0x334: {  	v9 =	vld.idx.msk [tilespmem:v9+s14+$0x0], $0xffff  }
0x335: {  	v31 =	vmul.f32 v12, v32;
	v32 =	vor.u32 $0x15, v5;
	v6 =	vadd.f32 v30, v6;
	_ =	sdelay $0x1  }
0x336: {  	v11 =	vld.idx.msk [tilespmem:v11+s14+$0x0], $0xffff;
	v6 =	vadd.f32 v31, v6;
	v20 =	vmul.f32 v8, v33;
	v8 =	vor.u32 $0x16, v5  }
0x337: {  	v22 =	vmul.f32 v10, v35;
	v10 =	vor.u32 $0x18, v5  }
0x338: {  	v21 =	vmul.f32 v9, v34;
	v9 =	vor.u32 $0x17, v5;
	v6 =	vadd.f32 v20, v6  }
0x339: {  	v12 =	vld.idx.msk [tilespmem:v32+s14+$0x0], $0xffff  }
0x33a: {  	v6 =	vadd.f32 v21, v6  }
0x33b: {  	v23 =	vmul.f32 v11, v36;
	v11 =	vor.u32 $0x19, v5;
	v8 =	vld.idx.msk [tilespmem:v8+s14+$0x0], $0xffff  }
0x33c: {  	v10 =	vld.idx.msk [tilespmem:v10+s14+$0x0], $0xffff;
	v6 =	vadd.f32 v22, v6  }
0x33d: {  	v9 =	vld.idx.msk [tilespmem:v9+s14+$0x0], $0xffff  }
0x33e: {  	v25 =	vor.u32 $0x1A, v5;
	v24 =	vmul.f32 v12, v37;
	v6 =	vadd.f32 v23, v6;
	_ =	sdelay $0x1  }
0x33f: {  	v11 =	vld.idx.msk [tilespmem:v11+s14+$0x0], $0xffff;
	v6 =	vadd.f32 v24, v6;
	v26 =	vmul.f32 v8, v38;
	v8 =	vor.u32 $0x1B, v5  }
0x340: {  	v28 =	vmul.f32 v10, v40;
	v10 =	vor.u32 $0x1D, v5  }
0x341: {  	v27 =	vmul.f32 v9, v39;
	v9 =	vor.u32 $0x1C, v5;
	v6 =	vadd.f32 v26, v6  }
0x342: {  	v12 =	vld.idx.msk [tilespmem:v25+s14+$0x0], $0xffff  }
0x343: {  	v6 =	vadd.f32 v27, v6  }
0x344: {  	v29 =	vmul.f32 v11, v41;
	v11 =	vor.u32 $0x1E, v5;
	v8 =	vld.idx.msk [tilespmem:v8+s14+$0x0], $0xffff  }
0x345: {  	v10 =	vld.idx.msk [tilespmem:v10+s14+$0x0], $0xffff;
	v6 =	vadd.f32 v28, v6  }
0x346: {  	v9 =	vld.idx.msk [tilespmem:v9+s14+$0x0], $0xffff  }
0x347: {  	v31 =	vor.u32 $0x1F, v5;
	v30 =	vmul.f32 v12, v42;
	v6 =	vadd.f32 v29, v6;
	_ =	sdelay $0x1  }
0x348: {  	v11 =	vld.idx.msk [tilespmem:v11+s14+$0x0], $0xffff;
	v6 =	vadd.f32 v30, v6;
	v32 =	vmul.f32 v8, v43;
	v8 =	vor.u32 $0x20, v5  }
0x349: {  	v34 =	vmul.f32 v10, v45;
	v10 =	vor.u32 $0x22, v5  }
0x34a: {  	v33 =	vmul.f32 v9, v44;
	v9 =	vor.u32 $0x21, v5;
	v6 =	vadd.f32 v32, v6  }
0x34b: {  	v12 =	vld.idx.msk [tilespmem:v31+s14+$0x0], $0xffff  }
0x34c: {  	v6 =	vadd.f32 v33, v6  }
0x34d: {  	v35 =	vmul.f32 v11, v46;
	v11 =	vor.u32 $0x23, v5;
	v8 =	vld.idx.msk [tilespmem:v8+s14+$0x0], $0xffff  }
0x34e: {  	v10 =	vld.idx.msk [tilespmem:v10+s14+$0x0], $0xffff;
	v6 =	vadd.f32 v34, v6  }
0x34f: {  	v9 =	vld.idx.msk [tilespmem:v9+s14+$0x0], $0xffff  }
0x350: {  	v37 =	vor.u32 $0x24, v5;
	v36 =	vmul.f32 v12, v47;
	v6 =	vadd.f32 v35, v6;
	_ =	sdelay $0x1  }
0x351: {  	v11 =	vld.idx.msk [tilespmem:v11+s14+$0x0], $0xffff;
	v6 =	vadd.f32 v36, v6;
	v38 =	vmul.f32 v8, v48;
	v8 =	vor.u32 $0x25, v5  }
0x352: {  	v40 =	vmul.f32 v10, v50;
	v10 =	vor.u32 $0x27, v5  }
0x353: {  	v39 =	vmul.f32 v9, v49;
	v9 =	vor.u32 $0x26, v5;
	v6 =	vadd.f32 v38, v6  }
0x354: {  	v12 =	vld.idx.msk [tilespmem:v37+s14+$0x0], $0xffff  }
0x355: {  	v6 =	vadd.f32 v39, v6  }
0x356: {  	v41 =	vmul.f32 v11, v51;
	v11 =	vor.u32 $0x28, v5;
	v8 =	vld.idx.msk [tilespmem:v8+s14+$0x0], $0xffff  }
0x357: {  	v10 =	vld.idx.msk [tilespmem:v10+s14+$0x0], $0xffff;
	v6 =	vadd.f32 v40, v6  }
0x358: {  	v9 =	vld.idx.msk [tilespmem:v9+s14+$0x0], $0xffff  }
0x359: {  	v42 =	vmul.f32 v12, v52;
	v43 =	vor.u32 $0x29, v5;
	v6 =	vadd.f32 v41, v6;
	_ =	sdelay $0x1  }
0x35a: {  	v11 =	vld.idx.msk [tilespmem:v11+s14+$0x0], $0xffff;
	v6 =	vadd.f32 v42, v6;
	v44 =	vmul.f32 v8, v53;
	v8 =	vor.u32 $0x2A, v5  }
0x35b: {  	v46 =	vmul.f32 v10, v55;
	v10 =	vor.u32 $0x2C, v5  }
0x35c: {  	v45 =	vmul.f32 v9, v54;
	v9 =	vor.u32 $0x2B, v5;
	v6 =	vadd.f32 v44, v6  }
0x35d: {  	v12 =	vld.idx.msk [tilespmem:v43+s14+$0x0], $0xffff  }
0x35e: {  	v6 =	vadd.f32 v45, v6  }
0x35f: {  	v47 =	vmul.f32 v11, v56;
	v11 =	vor.u32 $0x2D, v5;
	v8 =	vld.idx.msk [tilespmem:v8+s14+$0x0], $0xffff  }
0x360: {  	v10 =	vld.idx.msk [tilespmem:v10+s14+$0x0], $0xffff;
	v6 =	vadd.f32 v46, v6  }
0x361: {  	v9 =	vld.idx.msk [tilespmem:v9+s14+$0x0], $0xffff  }
0x362: {  	v48 =	vmul.f32 v12, v57;
	v49 =	vor.u32 $0x2E, v5;
	v6 =	vadd.f32 v47, v6;
	_ =	sdelay $0x1  }
0x363: {  	v11 =	vld.idx.msk [tilespmem:v11+s14+$0x0], $0xffff;
	v6 =	vadd.f32 v48, v6;
	v50 =	vmul.f32 v8, v58;
	v8 =	vor.u32 $0x2F, v5  }
0x364: {  	v52 =	vmul.f32 v10, v60;
	v10 =	vor.u32 $0x31, v5  }
0x365: {  	v51 =	vmul.f32 v9, v59;
	v9 =	vor.u32 $0x30, v5;
	v6 =	vadd.f32 v50, v6  }
0x366: {  	v12 =	vld.idx.msk [tilespmem:v49+s14+$0x0], $0xffff  }
0x367: {  	v0 =	vld [tilespmem:$0x1FDE0];
	v6 =	vadd.f32 v51, v6  }
0x368: {  	v53 =	vmul.f32 v11, v61;
	v11 =	vor.u32 $0x32, v5;
	v8 =	vld.idx.msk [tilespmem:v8+s14+$0x0], $0xffff  }
0x369: {  	v10 =	vld.idx.msk [tilespmem:v10+s14+$0x0], $0xffff;
	v6 =	vadd.f32 v52, v6  }
0x36a: {  	v9 =	vld.idx.msk [tilespmem:v9+s14+$0x0], $0xffff  }
0x36b: {  	v54 =	vmul.f32 v12, v62;
	v6 =	vadd.f32 v53, v6  }
0x36c: {  	v55 =	vor.u32 $0x33, v5  }
0x36d: {  	v11 =	vld.idx.msk [tilespmem:v11+s14+$0x0], $0xffff;
	v6 =	vadd.f32 v54, v6;
	v56 =	vmul.f32 v8, v63;
	v8 =	vor.u32 $0x34, v5  }
0x36e: {  	v10 =	vmul.f32 v10, v0;
	v0 =	vld [tilespmem:$0x1FE00]  }
0x36f: {  	v57 =	vmul.f32 v9, v3;
	v6 =	vadd.f32 v56, v6;
	_ =	sdelay $0x1  }
0x370: {  	v12 =	vld.idx.msk [tilespmem:v55+s14+$0x0], $0xffff;
	v6 =	vadd.f32 v57, v6  }
0x371: {  	v9 =	vor.u32 $0x35, v5;
	v8 =	vld.idx.msk [tilespmem:v8+s14+$0x0], $0xffff  }
0x372: {  	v6 =	vadd.f32 v10, v6;
	v10 =	vmul.f32 v11, v0;
	v0 =	vld [tilespmem:$0x1FE60];
	_ =	sdelay $0x3  }
0x373: {  	v9 =	vld.idx.msk [tilespmem:v9+s14+$0x0], $0xffff;
	v11 =	vor.u32 $0x37, v5  }
0x374: {  	v6 =	vadd.f32 v10, v6;
	v10 =	vmul.f32 v12, v1;
	v8 =	vmul.f32 v8, v0;
	v0 =	vld [tilespmem:$0x1FE90]  }
0x375: {  	v13 =	vor.u32 $0x36, v5  }
0x376: {  	v6 =	vadd.f32 v10, v6;
	_ =	sdelay $0x1  }
0x377: {  	v59 =	vor.u32 $0x38, v5;
	v6 =	vadd.f32 v8, v6;
	v8 =	vld.idx.msk [tilespmem:v11+s14+$0x0], $0xffff  }
0x378: {  	v9 =	vmul.f32 v9, v0;
	v0 =	vld [tilespmem:$0x1FEF0]  }
0x379: {  	v10 =	vld.idx.msk [tilespmem:v13+s14+$0x0], $0xffff;
	_ =	sdelay $0x2  }
0x37a: {  	v60 =	vor.u32 $0x39, v5;
	v6 =	vadd.f32 v9, v6;
	v9 =	vld.idx.msk [tilespmem:v59+s14+$0x0], $0xffff  }
0x37b: {  	v8 =	vmul.f32 v8, v0;
	v0 =	vld [tilespmem:$0x1FF20]  }
0x37c: {  	v10 =	vmul.f32 v10, v4  }
0x37d: {  	s29 =	sshrl.u32 s21, $0x3  }
0x37e: {  	v58 =	vmov s29;
	v6 =	vadd.f32 v10, v6  }
0x37f: {  	v62 =	vld.idx.msk [tilespmem:v60+s14+$0x0], $0xffff;
	v11 =	vor.u32 $0x3A, v5  }
0x380: {  	v6 =	vadd.f32 v8, v6;
	v8 =	vmul.f32 v9, v0;
	v0 =	vld [tilespmem:$0x1FF50];
	_ =	sdelay $0x2  }
0x381: {  	v7 =	vld.idx.msk [tilespmem:v58+s13+$0x0], $0xffff  }
0x382: {  	v61 =	vor.u32 $0x3B, v5;
	v11 =	vld.idx.msk [tilespmem:v11+s14+$0x0], $0xffff  }
0x383: {  	v6 =	vadd.f32 v8, v6;
	v8 =	vmul.f32 v62, v0;
	v0 =	vld [tilespmem:$0x1FF80];
	_ =	sdelay $0x2  }
0x384: {  	(v2sf) =	vpush v7, $0x0  }
0x385: {  	v7 =	vld.idx.msk [tilespmem:v61+s14+$0x0], $0xffff;
	v10 =	vor.u32 $0x3C, v5  }
0x386: {  	v6 =	vadd.f32 v8, v6;
	v8 =	vmul.f32 v11, v0;
	v0 =	vld [tilespmem:$0x1FFA0];
	_ =	sdelay $0x1  }
0x387: {  	v9 =	vor.u32 $0x3D, v5;
	_ =	sdelay $0x1  }
0x388: {  	v63 =	vor.u32 $0x3E, v5;
	v10 =	vld.idx.msk [tilespmem:v10+s14+$0x0], $0xffff  }
0x389: {  	v7 =	vmul.f32 v7, v0;
	v0 =	vld [tilespmem:$0x1FFD0]  }
0x38a: {  	v1 =	vld [tilespmem:$0x1FFE0];
	v5 =	vor.u32 $0x3F, v5  }
0x38b: {  	v9 =	vld.idx.msk [tilespmem:v9+s14+$0x0], $0xffff  }
0x38c: {  	v6 =	vadd.f32 v8, v6  }
0x38d: {  	v8 =	vld.idx.msk [tilespmem:v63+s14+$0x0], $0xffff  }
0x38e: {  	v6 =	vadd.f32 v7, v6;
	v0 =	vmul.f32 v10, v0  }
0x38f: {  	v5 =	vld.idx.msk [tilespmem:v5+s14+$0x0], $0xffff  }
0x390: {  	v3 =	vmul.f32 v9, v1;
	v0 =	vadd.f32 v0, v6  }
0x391: {  	s30 =	spop (v2sf)  }
0x392: {  	s20 =	sshll.u32 s30, $0x7;
	v0 =	vadd.f32 v3, v0;
	v3 =	vmul.f32 v8, v15  }
0x393: {  	p0 =	slt.s32 s20, $0xF41C0;
	s21 =	smov.u32 s20  }
0x394: {  	s18 =	sand.u32 $0x70, s18;
	s21 =	simm.s32 @!p0 $0xF41C0;
	v1 =	vmul.f32 v5, v14;
	v0 =	vadd.f32 v3, v0  }
0x395: {  	v16 =	vld [tilespmem:$0x1FFF0];
	s18 =	sadd.s32 s18, s21;
	v10 =	vlaneseq.u32  }
0x396: {  	v0 =	vadd.f32 v1, v0;
	v1 =	vor.u32 s18, v10  }
0x397: {  	vm15 =	vlt.s32 v1, s20  }
0x398: {  	s31 =	sadd.s32 $0x10, s28;
	v0 =	vsel vm15, $0xFF800000, v0  }
0x399: {  	s18 =	simm.f32 $0.0e+00;
	[tilespmem:s31+$0x0] =	vst v0  }
.LBB2_20:
0x39a: {  	s20 =	simm.s32 $0x0  }
0x39b: {  	v0 =	vld [tilespmem:s20+$0x16100]  }
0x39c: {  	v1 =	vld [tilespmem:s20+$0x16110]  }
0x39d: {  	v3 =	vld [tilespmem:s20+$0x16120]  }
0x39e: {  	v5 =	vimm.f32 $-Inf;
	s19 =	simm.s32 $0x100;
	v4 =	vld [tilespmem:s20+$0x16130]  }
.LBB2_21:
0x39f: {  	p0 =	sne.s32 s19, $0x1300  }
.Ltmp15:
0x3a0: {  	s20 =	sshra.s32 s19, $0x2;
	s19 =	sadd.s32 $0x100, s19;
	v5 =	vmax.f32 v5, v0;
	(pc) =	sbr.rel @p0 .LBB2_21-.Ltmp15, $4  }
0x3a1: {  	v0 =	vld [tilespmem:s20+$0x16100];
	v5 =	vmax.f32 v5, v1  }
0x3a2: {  	v1 =	vld [tilespmem:s20+$0x16110];
	v5 =	vmax.f32 v5, v3  }
0x3a3: {  	v3 =	vld [tilespmem:s20+$0x16120];
	v5 =	vmax.f32 v5, v4  }
0x3a4: {  	v4 =	vld [tilespmem:s20+$0x16130]  }
0x3a5: {  	_ = 	snop  }
0x3a6: {  	v0 =	vmax.f32 v5, v0  }
0x3a7: {  	v0 =	vmax.f32 v0, v1  }
0x3a8: {  	v0 =	vmax.f32 v0, v3  }
0x3a9: {  	v0 =	vmax.f32 v0, v4  }
0x3aa: {  	(xrf0) =	vmax.scan.msk.f32 $0xffff, v0;
	_ =	sdelay $0x2  }
0x3ab: {  	s19 =	simm.s32 $0x16120  }
0x3ac: {  	v3 =	vld [tilespmem:s19+$0xFFFFFFE0]  }
0x3ad: {  	v4 =	vld [tilespmem:s19+$0xFFFFFFF0]  }
0x3ae: {  	v0, _, _ =	vpop (xrf0)  }
0x3af: {  	v1 =	vbroadcast v0, $0xF  }
0x3b0: {  	s20 =	simm.s32 $0x0  }
0x3b1: {  	s29 =	simm.s32 $0x10;
	vm0 =	veq.f32 v3, v1;
	v3 =	vor.u32 s20, v2  }
0x3b2: {  	vm4 =	veq.f32 v4, v1;
	v4 =	vor.u32 s29, v2;
	v3 =	vnsel vm0, $0x80000500, v3  }
0x3b3: {  	(xrf0) =	vmin.scan.msk.u32 $0xffff, v3;
	v3 =	vnsel vm4, $0x80000500, v4  }
0x3b4: {  	v4 =	vld [tilespmem:s19+$0x0];
	(xrf0) =	vmin.scan.msk.u32 $0xffff, v3;
	_ =	sdelay $0x1  }
0x3b5: {  	s30 =	simm.s32 $0x16160;
	v3 =	vld [tilespmem:s19+$0x10]  }
0x3b6: {  	v5 =	vld [tilespmem:s30+$0xFFFFFFE0]  }
0x3b7: {  	s31 =	simm.s32 $0x20  }
0x3b8: {  	v6 =	vld [tilespmem:s30+$0xFFFFFFF0];
	vm5 =	veq.f32 v4, v1;
	v4 =	vor.u32 s31, v2;
	v7, _, _ =	vpop (xrf0)  }
0x3b9: {  	s21 =	simm.s32 $0x30;
	v8 =	vld [tilespmem:s30+$0x0];
	v4 =	vnsel vm5, $0x80000500, v4;
	(v2sf) =	vpush v7, $0xF;
	v7, _, _ =	vpop (xrf0)  }
0x3ba: {  	vm6 =	veq.f32 v3, v1;
	v3 =	vor.u32 s21, v2;
	s21 =	simm.s32 $0x161A0;
	(v2sf) =	vpush v7, $0xF;
	v7 =	vld [tilespmem:s30+$0x10]  }
0x3bb: {  	s22 =	simm.s32 $0x40;
	vm7 =	veq.f32 v5, v1;
	(xrf0) =	vmin.scan.msk.u32 $0xffff, v4;
	v5 =	vld [tilespmem:s21+$0xFFFFFFE0]  }
0x3bc: {  	s23 =	simm.s32 $0x50;
	v3 =	vnsel vm6, $0x80000500, v3;
	v4 =	vor.u32 s22, v2  }
0x3bd: {  	s24 =	simm.s32 $0x60;
	vm8 =	veq.f32 v6, v1;
	v6 =	vld [tilespmem:s21+$0xFFFFFFF0];
	(xrf0) =	vmin.scan.msk.u32 $0xffff, v3;
	v3 =	vnsel vm7, $0x80000500, v4;
	v4 =	vor.u32 s23, v2  }
0x3be: {  	s25 =	simm.s32 $0x70;
	vm9 =	veq.f32 v8, v1;
	(xrf0) =	vmin.scan.msk.u32 $0xffff, v3;
	v3 =	vnsel vm8, $0x80000500, v4;
	v4 =	vor.u32 s24, v2  }
0x3bf: {  	s26 =	simm.s32 $0x80;
	(xrf0) =	vmin.scan.msk.u32 $0xffff, v3;
	v3 =	vnsel vm9, $0x80000500, v4;
	v4 =	vor.u32 s25, v2;
	vm10 =	veq.f32 v7, v1  }
0x3c0: {  	(xrf0) =	vmin.scan.msk.u32 $0xffff, v3;
	v3 =	vld [tilespmem:s21+$0x0];
	vm11 =	veq.f32 v5, v1;
	v5 =	vor.u32 s26, v2;
	v4 =	vnsel vm10, $0x80000500, v4  }
0x3c1: {  	s28 =	simm.s32 $0x90;
	v7, _, _ =	vpop (xrf0);
	(xrf0) =	vmin.scan.msk.u32 $0xffff, v4;
	v4 =	vnsel vm11, $0x80000500, v5;
	v5 =	vld [tilespmem:s21+$0x10]  }
0x3c2: {  	vm12 =	veq.f32 v6, v1;
	v6 =	vor.u32 s28, v2  }
0x3c3: {  	v6 =	vnsel vm12, $0x80000500, v6;
	(v2sf) =	vpush v7, $0xF;
	v7, _, _ =	vpop (xrf0);
	(xrf0) =	vmin.scan.msk.u32 $0xffff, v4  }
0x3c4: {  	s29 =	simm.s32 $0xA0;
	(v2sf) =	vpush v7, $0xF;
	v7, _, _ =	vpop (xrf0);
	(xrf0) =	vmin.scan.msk.u32 $0xffff, v6  }
0x3c5: {  	s30 =	simm.s32 $0xB0;
	(v2sf) =	vpush v7, $0xF;
	vm13 =	veq.f32 v3, v1;
	v3 =	vor.u32 s29, v2  }
0x3c6: {  	v6, _, _ =	vpop (xrf0);
	v3 =	vnsel vm13, $0x80000500, v3;
	vm14 =	veq.f32 v5, v1;
	v5 =	vor.u32 s30, v2  }
0x3c7: {  	(v2sf) =	vpush v6, $0xF;
	v6, _, _ =	vpop (xrf0);
	v8 =	vnsel vm14, $0x80000500, v5  }
0x3c8: {  	s22 =	simm.s32 $0x161E0;
	(v2sf) =	vpush v6, $0xF;
	v6, _, _ =	vpop (xrf0)  }
0x3c9: {  	v4 =	vld [tilespmem:s22+$0xFFFFFFE0];
	(xrf0) =	vmin.scan.msk.u32 $0xffff, v3;
	s31 =	spop (v2sf);
	(v2sf) =	vpush v6, $0xF;
	v3, _, _ =	vpop (xrf0)  }
0x3ca: {  	(xrf0) =	vmin.scan.msk.u32 $0xffff, v8;
	(v2sf) =	vpush v3, $0xF;
	v8, _, _ =	vpop (xrf0)  }
0x3cb: {  	v7 =	vld [tilespmem:s22+$0xFFFFFFF0];
	s26 =	spop (v2sf);
	(v2sf) =	vpush v8, $0xF;
	_ =	sdelay $0x1  }
0x3cc: {  	s23 =	simm.s32 $0xC0;
	v5 =	vld [tilespmem:s22+$0x0]  }
0x3cd: {  	s20 =	simm.s32 $0x16220;
	s19 =	simm.s32 $0x130;
	vm1 =	veq.f32 v4, v1;
	v4 =	vor.u32 s23, v2  }
0x3ce: {  	s24 =	simm.s32 $0x500;
	s25 =	simm.s32 $0xD0;
	v6 =	vnsel vm1, $0x80000500, v4;
	v4 =	vld [tilespmem:s22+$0x10];
	s23 =	sxor.u32 $0x80000000, s31  }
0x3cf: {  	s21 =	simm.s32 $0xF0;
	vm15 =	veq.f32 v7, v1;
	v7 =	vor.u32 s25, v2;
	s25 =	simm.s32 $0xE0;
	p0 =	sgt.s32 s23, $0x500  }
0x3d0: {  	s22 =	simm.s32 $0x170;
	v3 =	vld [tilespmem:s20+$0xFFFFFFE0];
	(xrf0) =	vmin.scan.msk.u32 $0xffff, v6;
	v6 =	vnsel vm15, $0x80000500, v7;
	s23 =	smov.u32 @p0 s24;
	s24 =	sxor.u32 $0x80000000, s26  }
.LBB2_23:
0x3d1: {  	p0 =	sne.s32 s22, $0x4F0;
	vm0 =	veq.f32 v5, v1;
	v5 =	vor.u32 s25, v2;
	p1 =	slt.s32 s23, s24;
	s25 =	spop (v2sf)  }
0x3d2: {  	(xrf0) =	vmin.scan.msk.u32 $0xffff, v6;
	v6, _, _ =	vpop (xrf0);
	s26 =	smov.u32 s20;
	s28 =	smov.u32 s19;
	s19 =	smov.u32 s22;
	v5 =	vnsel vm0, $0x80000500, v5  }
0x3d3: {  	v7 =	vld [tilespmem:s20+$0xFFFFFFF0];
	(v2sf) =	vpush v6, $0xF;
	s24 =	smov.u32 @p1 s23;
	s25 =	sxor.u32 $0x80000000, s25;
	vm0 =	veq.f32 v4, v1;
	v4 =	vor.u32 s21, v2;
	s21 =	smov.u32 s28  }
0x3d4: {  	(xrf0) =	vmin.scan.msk.u32 $0xffff, v5;
	v6, _, _ =	vpop (xrf0);
	p1 =	slt.s32 s24, s25;
	s23 =	spop (v2sf);
	s28 =	sadd.s32 $0xFFFFFFD0, s21  }
.Ltmp16:
0x3d5: {  	v5 =	vld [tilespmem:s20+$0x0];
	v4 =	vnsel vm0, $0x80000500, v4;
	(v2sf) =	vpush v6, $0xF;
	s25 =	smov.u32 @p1 s24;
	s24 =	sxor.u32 $0x80000000, s23;
	(pc) =	sbr.rel @p0 .LBB2_23-.Ltmp16, $4  }
0x3d6: {  	s20 =	sadd.s32 $0x40, s20;
	vm0 =	veq.f32 v3, v1;
	v3 =	vor.u32 s28, v2;
	v6, _, _ =	vpop (xrf0);
	(xrf0) =	vmin.scan.msk.u32 $0xffff, v4;
	s23 =	spop (v2sf);
	p1 =	slt.s32 s25, s24  }
0x3d7: {  	s28 =	sadd.s32 $0xFFFFFFE0, s21;
	v3 =	vnsel vm0, $0x80000500, v3;
	v4 =	vld [tilespmem:s26+$0x10];
	(v2sf) =	vpush v6, $0xF;
	s23 =	sxor.u32 $0x80000000, s23;
	s24 =	smov.u32 @p1 s25  }
0x3d8: {  	v6 =	vor.u32 s28, v2;
	s25 =	sadd.s32 $0xFFFFFFF0, s21;
	vm0 =	veq.f32 v7, v1;
	(xrf0) =	vmin.scan.msk.u32 $0xffff, v3;
	v7, _, _ =	vpop (xrf0);
	p1 =	slt.s32 s24, s23;
	s26 =	spop (v2sf)  }
0x3d9: {  	s22 =	sadd.s32 $0x40, s22;
	v3 =	vld [tilespmem:s20+$0xFFFFFFE0];
	v6 =	vnsel vm0, $0x80000500, v6;
	(v2sf) =	vpush v7, $0xF;
	s23 =	smov.u32 @p1 s24;
	s24 =	sxor.u32 $0x80000000, s26  }
0x3da: {  	_ =	sdelay $0x1  }
0x3db: {  	vm0 =	veq.f32 v5, v1;
	v55 =	vor.u32 s25, v2;
	(xrf0) =	vmin.scan.msk.u32 $0xffff, v6  }
0x3dc: {  	v56, _, _ =	vpop (xrf0);
	p0 =	slt.s32 s23, s24;
	s22 =	spop (v2sf);
	v7 =	vld [tilespmem:s20+$0xFFFFFFF0];
	s26 =	sadd.s32 $0xFFFFFFD0, s19;
	v5 =	vnsel vm0, $0x80000500, v55  }
0x3dd: {  	v59 =	vld [tilespmem:s20+$0x0];
	(v2sf) =	vpush v56, $0xF;
	s24 =	smov.u32 @p0 s23;
	s22 =	sxor.u32 $0x80000000, s22;
	vm11 =	veq.f32 v3, v1;
	v3 =	vor.u32 s26, v2  }
0x3de: {  	v57 =	vor.u32 s21, v2;
	s25 =	spop (v2sf);
	vm10 =	veq.f32 v4, v1;
	(xrf0) =	vmin.scan.msk.u32 $0xffff, v5;
	v58, _, _ =	vpop (xrf0);
	p0 =	slt.s32 s24, s22;
	v3 =	vnsel vm11, $0x80000500, v3  }
0x3df: {  	s21 =	sxor.u32 $0x80000000, s25;
	v4 =	vnsel vm10, $0x80000500, v57;
	(v2sf) =	vpush v58, $0xF;
	s22 =	smov.u32 @p0 s24  }
0x3e0: {  	s29 =	sadd.s32 $0xFFFFFFE0, s19;
	s28 =	spop (v2sf);
	v60, _, _ =	vpop (xrf0);
	(xrf0) =	vmin.scan.msk.u32 $0xffff, v4;
	p0 =	slt.s32 s22, s21  }
0x3e1: {  	v61 =	vld [tilespmem:s20+$0x10];
	s31 =	sadd.s32 $0xFFFFFFF0, s19;
	v62 =	vor.u32 s29, v2;
	s20 =	sxor.u32 $0x80000000, s28;
	(v2sf) =	vpush v60, $0xF;
	s21 =	smov.u32 @p0 s22;
	vm12 =	veq.f32 v7, v1;
	(xrf0) =	vmin.scan.msk.u32 $0xffff, v3;
	v3, _, _ =	vpop (xrf0)  }
0x3e2: {  	s30 =	spop (v2sf);
	vm13 =	veq.f32 v59, v1;
	p0 =	slt.s32 s21, s20;
	(v2sf) =	vpush v3, $0xF;
	v3 =	vor.u32 s31, v2  }
0x3e3: {  	v5 =	vnsel vm12, $0x80000500, v62;
	s20 =	smov.u32 @p0 s21;
	s21 =	sxor.u32 $0x80000000, s30;
	v3 =	vnsel vm13, $0x80000500, v3  }
0x3e4: {  	(xrf0) =	vmin.scan.msk.u32 $0xffff, v5;
	p0 =	slt.s32 s20, s21;
	s24 =	spop (v2sf);
	v63, _, _ =	vpop (xrf0)  }
0x3e5: {  	s21 =	smov.u32 @p0 s20;
	s20 =	sxor.u32 $0x80000000, s24;
	(v2sf) =	vpush v63, $0xF  }
0x3e6: {  	vm14 =	veq.f32 v61, v1;
	v1 =	vor.u32 s19, v2;
	p0 =	slt.s32 s21, s20;
	s25 =	spop (v2sf);
	(xrf0) =	vmin.scan.msk.u32 $0xffff, v3;
	v3, _, _ =	vpop (xrf0)  }
0x3e7: {  	v1 =	vnsel vm14, $0x80000500, v1;
	s20 =	smov.u32 @p0 s21;
	s19 =	sxor.u32 $0x80000000, s25;
	(v2sf) =	vpush v3, $0xF  }
0x3e8: {  	s26 =	spop (v2sf);
	p0 =	slt.s32 s20, s19;
	(xrf0) =	vmin.scan.msk.u32 $0xffff, v1;
	v3, _, _ =	vpop (xrf0)  }
0x3e9: {  	s21 =	sxor.u32 $0x80000000, s26;
	s19 =	smov.u32 @p0 s20;
	(v2sf) =	vpush v3, $0xF  }
0x3ea: {  	p0 =	slt.s32 s19, s21;
	s28 =	spop (v2sf);
	v1, _, _ =	vpop (xrf0)  }
0x3eb: {  	s21 =	smov.u32 @p0 s19;
	s19 =	sxor.u32 $0x80000000, s28;
	(v2sf) =	vpush v1, $0xF  }
0x3ec: {  	p0 =	slt.s32 s21, s19;
	s29 =	spop (v2sf);
	v1, _, _ =	vpop (xrf0)  }
0x3ed: {  	s19 =	smov.u32 @p0 s21;
	s20 =	sxor.u32 $0x80000000, s29;
	(v2sf) =	vpush v1, $0xF  }
0x3ee: {  	p0 =	slt.s32 s19, s20;
	s30 =	spop (v2sf);
	v1, _, _ =	vpop (xrf0)  }
0x3ef: {  	s20 =	smov.u32 @p0 s19;
	s19 =	sxor.u32 $0x80000000, s30;
	(v2sf) =	vpush v1, $0xF  }
0x3f0: {  	s31 =	spop (v2sf);
	p0 =	slt.s32 s20, s19  }
0x3f1: {  	s21 =	sxor.u32 $0x80000000, s31;
	s19 =	smov.u32 @p0 s20  }
0x3f2: {  	p0 =	slt.s32 s19, s21;
	s22 =	spop (v2sf)  }
0x3f3: {  	s21 =	smov.u32 @p0 s19;
	s19 =	sxor.u32 $0x80000000, s22  }
0x3f4: {  	s23 =	spop (v2sf);
	p0 =	slt.s32 s21, s19  }
0x3f5: {  	s20 =	sxor.u32 $0x80000000, s23;
	s19 =	smov.u32 @p0 s21  }
0x3f6: {  	p0 =	slt.s32 s19, s20;
	s24 =	spop (v2sf)  }
0x3f7: {  	s20 =	smov.u32 @p0 s19;
	s19 =	sxor.u32 $0x80000000, s24  }
0x3f8: {  	s25 =	spop (v2sf);
	p0 =	slt.s32 s20, s19  }
0x3f9: {  	s21 =	sxor.u32 $0x80000000, s25;
	s19 =	smov.u32 @p0 s20  }
0x3fa: {  	s26 =	spop (v2sf);
	p0 =	slt.s32 s19, s21  }
0x3fb: {  	s21 =	smov.u32 @p0 s19;
	s19 =	sxor.u32 $0x80000000, s26  }
0x3fc: {  	s28 =	spop (v2sf);
	p0 =	slt.s32 s21, s19  }
0x3fd: {  	s20 =	sxor.u32 $0x80000000, s28;
	s19 =	smov.u32 @p0 s21  }
0x3fe: {  	s29 =	spop (v2sf);
	p0 =	slt.s32 s19, s20  }
0x3ff: {  	s20 =	smov.u32 @p0 s19;
	s19 =	sxor.u32 $0x80000000, s29  }
0x400: {  	p0 =	slt.s32 s20, s19  }
0x401: {  	s19 =	smov.u32 @p0 s20  }
0x402: {  	s20 =	sshra.s32 s19, $0x1F  }
0x403: {  	(v2sf) =	vpush v0, $0xF;
	s20 =	sshrl.u32 s20, $0x1C  }
0x404: {  	s20 =	sadd.s32 s20, s19  }
0x405: {  	s30 =	sand.u32 $0xFFFFFFF0, s20  }
0x406: {  	p0 =	slt.s32 s19, $0x1;
	p1 =	sne.s32 s19, s30  }
0x407: {  	p0 =	por !p0, !p1  }
0x408: {  	s21 =	simm.s32 $0x1;
	p0 =	por !p0, !p0  }
0x409: {  	s20 =	sshrl.u32 s20, $0x4;
	s21 =	simm.s32 @!p0 $0x0  }
0x40a: {  	s20 =	ssub.s32 s20, s21  }
0x40b: {  	s20 =	sshll.u32 s20, $0x6  }
0x40c: {  	s20 =	sshra.s32 s20, $0x2  }
0x40d: {  	s17 =	sadd.s32 $0x1, s17;
	v0 =	vld [tilespmem:s20+$0x16100]  }
0x40e: {  	p0 =	sne.s32 s17, $0xA  }
.Ltmp17:
0x40f: {  	s19 =	sand.u32 $0xF, s19;
	(pc) =	sbr.rel @p0 .LBB2_20-.Ltmp17, $4  }
0x410: {  	v1 =	vmov s19  }
0x411: {  	vm15 =	veq.s32 v1, v10  }
0x412: {  	s31 =	spop (v2sf);
	v0 =	vsel vm15, $0xFF800000, v0  }
0x413: {  	s18 =	sadd.f32 s31, s18;
	[tilespmem:s20+$0x16100] =	vst v0  }
0x414: {  	v0 =	vld [tilespmem:$0x16640];
	_ =	sdelay $0x2  }
0x415: {  	s17 =	smul.f32 $1.000000010e-01, s18;
	_ =	sdelay $0x1  }
0x416: {  	s16 =	sadd.s32 $0x1, s16;
	v0 =	vmul.f32 s17, v0  }
0x417: {  	p0 =	sne.s32 s16, s8  }
.Ltmp18:
0x418: {  	[tilespmem:$0x16650] =	vst v0;
	(pc) =	sbr.rel @p0 .LBB2_1-.Ltmp18, $4  }
0x419: {  	[hbm4b:s7+s2] =	stream.linear.scatter [tilespmem:s15], [sflag:$0x2], $0x10, $0x38;
	[tilespmem:$0x16660] =	vst v63  }
0x41a: {  	_ =	swait.ge [sflag:s9], $0x10  }
0x41b: {  	[sflag:s9] =	ssyncset.done $0x0  }
0x41c: {  	[sflag:s9] =	ssyncadd.s32 $0xFFFFFFF0  }
0x41d: {  	_ =	sfence.sel $0x180000  }
0x41e: {  	[bflag:$0x0] =	sbarrier.arrive $0xFFFF  }
0x41f: {  	p0 =	sne.s32 s0, $0x0;
	_ =	strace $0x90000047  }
0x420: {  	s0 =	sadd.s32 @!p0 $0x100000, s1;
	[bflag:$0x2] =	sbarrier.arrive $0xFFFF  }
0x421: {  	[sflag:s0] =	ssyncadd.tile.s32 @!p0 $0x1;
	_ =	shalt  }
.Lfunc_end2:
_tile_overlayer_lowered:
.L_overlay_start_2:
0x422: {  	(tag) =	ssettag $0x2  }
0x423: {  	s0 =	rddreg [dreg:$0x0];
	s2 =	stileid.u32  }
0x424: {  	s1 =	rddreg [dreg:$0x1];
	p0 =	sne.s32 s2, $0x0  }
0x425: {  	s3 =	rddreg [dreg:$0x2];
	[bflag:$0x3] =	sbarrier.arrive $0xFFFF;
	s2 =	simm.s32 @!p0 $0x1C02  }
0x426: {  	[timem:s3], [sflag:s2] =	dma.local @!p0 [hbm:s0], s1  }
0x427: {  	s0 =	simm.s32 @!p0 $0x2  }
0x428: {  	_ =	swait.ge @!p0 [sflag:s0], s1  }
0x429: {  	s1 =	ssub.s32 @!p0 $0x0, s1;
	[sflag:s0] =	ssyncset.done @!p0 $0x0  }
0x42a: {  	[sflag:s0] =	ssyncadd.s32 @!p0 s1  }
0x42b: {  	[bflag:$0x3] =	sbarrier.arrive $0xFFFF  }
0x42c: {  	_ =	shalt  }

</sc_bundles>
